<compile_context>
chip_gen: v7x
topology: tpu7x:2x2x1
jax: 0.10.2.dev20260603
libtpu: 0.0.44.dev20260713+nightly
codegen_flags: <defaults>
</compile_context>

<pallas_src>
import functools

import jax
import jax.numpy as jnp
from jax import lax
from jax.experimental import pallas as pl
from jax.experimental.pallas import tpu as pltpu
from jax.experimental.pallas import tpu_sc as plsc

_NUM_CARDS = 100000
_EMBED_DIM = 32
_BATCH = 16384
_HIST = 50

_B = _BATCH * _HIST
_NC = 2
_NS = 16
_NW = _NC * _NS
_BPW = _B // _NW
_CHUNK = 800
_NBUF = 4
_NCHUNK = _BPW // _CHUNK
_NOUT = _NCHUNK // _NBUF

_mesh = plsc.VectorSubcoreMesh(core_axis_name="c", subcore_axis_name="s")


@functools.partial(
    pl.kernel,
    mesh=_mesh,
    out_type=jax.ShapeDtypeStruct((_B, _EMBED_DIM), jnp.float32),
    scratch_types=[
        [pltpu.VMEM((_CHUNK,), jnp.int32)] * _NCHUNK,
        [pltpu.VMEM((_CHUNK, _EMBED_DIM), jnp.float32)] * _NBUF,
        pltpu.SemaphoreType.DMA,
        [pltpu.SemaphoreType.DMA] * _NBUF,
        [pltpu.SemaphoreType.DMA] * _NBUF,
    ],
    compiler_params=pltpu.CompilerParams(use_tc_tiling_on_sc=False),
)
def _gather_kernel(table_hbm, idx_hbm, out_hbm, idxb, rows, isem, gsem, ssem):
    wid = lax.axis_index("s") * _NC + lax.axis_index("c")
    base = wid * _BPW

    def g_start(i, b):
        pltpu.async_copy(table_hbm.at[idxb[i]], rows[b], gsem[b])

    def g_wait(i, b):
        pltpu.make_async_copy(
            table_hbm.at[idxb[i]], rows[b], gsem[b]).wait()

    def s_start(i, b):
        pltpu.async_copy(
            rows[b], out_hbm.at[pl.ds(base + i * _CHUNK, _CHUNK)], ssem[b])

    def s_wait(b):
        pltpu.make_async_copy(
            rows[b], out_hbm.at[pl.ds(base, _CHUNK)], ssem[b]).wait()

    for i in range(_NCHUNK):
        pltpu.async_copy(
            idx_hbm.at[pl.ds(base + i * _CHUNK, _CHUNK)], idxb[i], isem)
    for i in range(_NCHUNK):
        pltpu.make_async_copy(
            idx_hbm.at[pl.ds(base, _CHUNK)], idxb[i], isem).wait()

    for b in range(_NBUF):
        g_start(b, b)

    for p in range(_NOUT):
        i0 = p * _NBUF
        for b in range(_NBUF):
            g_wait(i0 + b, b)
            s_start(i0 + b, b)
            if p + 1 < _NOUT:
                s_wait(b)
                g_start(i0 + _NBUF + b, b)
    for b in range(_NBUF):
        s_wait(b)


def kernel(card_indices, table):
    idx = card_indices.reshape(-1).astype(jnp.int32)
    out = _gather_kernel(table, idx)
    return out.reshape(_BATCH, _HIST, _EMBED_DIM)

# --- scband reference (transcript-rebuilt; emitter-appended) ---
"""Pipeline reference for scband-card-embedding-7911329759933 (READ-ONLY COPY).

The authoritative reference and input builder live on the scoring server;
editing this copy changes nothing except your own understanding.
"""

import jax, jax.numpy as jnp
import numpy as np

NUM_CARDS = 100000
EMBED_DIM = 32
BATCH = 16384
HIST = 50

def setup_inputs(seed: int = 0) -> dict:
    key = jax.random.key(seed)
    k_idx, k_tab = jax.random.split(key)
    card_indices = jax.random.randint(k_idx, (BATCH, HIST), 0, NUM_CARDS, dtype=jnp.int64 if jax.config.read('jax_enable_x64') else jnp.int32)
    table = jax.random.normal(k_tab, (NUM_CARDS, EMBED_DIM), dtype=jnp.float32)
    return {"card_indices": card_indices, "table": table}

def reference(card_indices, table):
    # nn.Embedding forward: gather rows of the embedding table
    return jnp.take(table, card_indices, axis=0)

if __name__ == "__main__":
    import jax
    _d = setup_inputs()
    print(jax.jit(kernel)(*tuple(_d.values())))

</pallas_src>

<mosaic_0001>
#map = affine_map<(d0, d1) -> (0, 0)>
#map1 = affine_map<(d0, d1) -> (0)>
module attributes {stable_mosaic.version = 14 : i64} {
  func.func @_gather_kernel(%arg0: i32, %arg1: i32, %arg2: memref<100000x32xf32, #tpu.memory_space<hbm>>, %arg3: memref<819200xi32, #tpu.memory_space<hbm>>, %arg4: memref<819200x32xf32, #tpu.memory_space<hbm>>, %arg5: memref<800xi32, #tpu.memory_space<vmem>>, %arg6: memref<800xi32, #tpu.memory_space<vmem>>, %arg7: memref<800xi32, #tpu.memory_space<vmem>>, %arg8: memref<800xi32, #tpu.memory_space<vmem>>, %arg9: memref<800xi32, #tpu.memory_space<vmem>>, %arg10: memref<800xi32, #tpu.memory_space<vmem>>, %arg11: memref<800xi32, #tpu.memory_space<vmem>>, %arg12: memref<800xi32, #tpu.memory_space<vmem>>, %arg13: memref<800xi32, #tpu.memory_space<vmem>>, %arg14: memref<800xi32, #tpu.memory_space<vmem>>, %arg15: memref<800xi32, #tpu.memory_space<vmem>>, %arg16: memref<800xi32, #tpu.memory_space<vmem>>, %arg17: memref<800xi32, #tpu.memory_space<vmem>>, %arg18: memref<800xi32, #tpu.memory_space<vmem>>, %arg19: memref<800xi32, #tpu.memory_space<vmem>>, %arg20: memref<800xi32, #tpu.memory_space<vmem>>, %arg21: memref<800xi32, #tpu.memory_space<vmem>>, %arg22: memref<800xi32, #tpu.memory_space<vmem>>, %arg23: memref<800xi32, #tpu.memory_space<vmem>>, %arg24: memref<800xi32, #tpu.memory_space<vmem>>, %arg25: memref<800xi32, #tpu.memory_space<vmem>>, %arg26: memref<800xi32, #tpu.memory_space<vmem>>, %arg27: memref<800xi32, #tpu.memory_space<vmem>>, %arg28: memref<800xi32, #tpu.memory_space<vmem>>, %arg29: memref<800xi32, #tpu.memory_space<vmem>>, %arg30: memref<800xi32, #tpu.memory_space<vmem>>, %arg31: memref<800xi32, #tpu.memory_space<vmem>>, %arg32: memref<800xi32, #tpu.memory_space<vmem>>, %arg33: memref<800xi32, #tpu.memory_space<vmem>>, %arg34: memref<800xi32, #tpu.memory_space<vmem>>, %arg35: memref<800xi32, #tpu.memory_space<vmem>>, %arg36: memref<800xi32, #tpu.memory_space<vmem>>, %arg37: memref<800x32xf32, #tpu.memory_space<vmem>>, %arg38: memref<800x32xf32, #tpu.memory_space<vmem>>, %arg39: memref<800x32xf32, #tpu.memory_space<vmem>>, %arg40: memref<800x32xf32, #tpu.memory_space<vmem>>, %arg41: memref<!tpu.dma_semaphore, #tpu.memory_space<semaphore_mem>>, %arg42: memref<!tpu.dma_semaphore, #tpu.memory_space<semaphore_mem>>, %arg43: memref<!tpu.dma_semaphore, #tpu.memory_space<semaphore_mem>>, %arg44: memref<!tpu.dma_semaphore, #tpu.memory_space<semaphore_mem>>, %arg45: memref<!tpu.dma_semaphore, #tpu.memory_space<semaphore_mem>>, %arg46: memref<!tpu.dma_semaphore, #tpu.memory_space<semaphore_mem>>, %arg47: memref<!tpu.dma_semaphore, #tpu.memory_space<semaphore_mem>>, %arg48: memref<!tpu.dma_semaphore, #tpu.memory_space<semaphore_mem>>, %arg49: memref<!tpu.dma_semaphore, #tpu.memory_space<semaphore_mem>>) attributes {dimension_semantics = [#tpu.dimension_semantics<core_parallel>, #tpu.dimension_semantics<subcore_parallel>], iteration_bounds = array<i64: 2, 16>, scalar_prefetch = 0 : i64, scratch_operands = 45 : i64, tpu.core_type = #tpu.core_type<sc_vector_subcore>, window_params = [{transform_indices = #map}, {transform_indices = #map1}, {transform_indices = #map}]} {
    %mul3A = arith.constant 2 : i32
    %mul3A_0 = arith.muli %arg1, %mul3A : i32
    %add3A = arith.addi %mul3A_0, %arg0 : i32
    %mul3A_1 = arith.constant 25600 : i32
    %mul3A_2 = arith.muli %add3A, %mul3A_1 : i32
    %add3A_3 = arith.constant 0 : i32
    %add3A_4 = arith.addi %mul3A_2, %add3A_3 : i32
    %dma_start3A = tpu.memref_slice %arg3[%add3A_4] : memref<819200xi32, #tpu.memory_space<hbm>> -> memref<800xi32, #tpu.memory_space<hbm>>
    %dma_start3A_5 = tpu.memref_slice %arg3[%add3A_4] : memref<819200xi32, #tpu.memory_space<hbm>> -> memref<800xi32, #tpu.memory_space<hbm>>
    tpu.enqueue_dma source(%dma_start3A_5 : memref<800xi32, #tpu.memory_space<hbm>>) target(%arg5 : memref<800xi32, #tpu.memory_space<vmem>>) target_semaphore(%arg41 : memref<!tpu.dma_semaphore, #tpu.memory_space<semaphore_mem>>)
    %add3A_6 = arith.constant 800 : i32
    %add3A_7 = arith.addi %mul3A_2, %add3A_6 : i32
    %dma_start3A_8 = tpu.memref_slice %arg3[%add3A_7] : memref<819200xi32, #tpu.memory_space<hbm>> -> memref<800xi32, #tpu.memory_space<hbm>>
    %dma_start3A_9 = tpu.memref_slice %arg3[%add3A_7] : memref<819200xi32, #tpu.memory_space<hbm>> -> memref<800xi32, #tpu.memory_space<hbm>>
    tpu.enqueue_dma source(%dma_start3A_9 : memref<800xi32, #tpu.memory_space<hbm>>) target(%arg6 : memref<800xi32, #tpu.memory_space<vmem>>) target_semaphore(%arg41 : memref<!tpu.dma_semaphore, #tpu.memory_space<semaphore_mem>>)
    %add3A_10 = arith.constant 1600 : i32
    %add3A_11 = arith.addi %mul3A_2, %add3A_10 : i32
    %dma_start3A_12 = tpu.memref_slice %arg3[%add3A_11] : memref<819200xi32, #tpu.memory_space<hbm>> -> memref<800xi32, #tpu.memory_space<hbm>>
    %dma_start3A_13 = tpu.memref_slice %arg3[%add3A_11] : memref<819200xi32, #tpu.memory_space<hbm>> -> memref<800xi32, #tpu.memory_space<hbm>>
    tpu.enqueue_dma source(%dma_start3A_13 : memref<800xi32, #tpu.memory_space<hbm>>) target(%arg7 : memref<800xi32, #tpu.memory_space<vmem>>) target_semaphore(%arg41 : memref<!tpu.dma_semaphore, #tpu.memory_space<semaphore_mem>>)
    %add3A_14 = arith.constant 2400 : i32
    %add3A_15 = arith.addi %mul3A_2, %add3A_14 : i32
    %dma_start3A_16 = tpu.memref_slice %arg3[%add3A_15] : memref<819200xi32, #tpu.memory_space<hbm>> -> memref<800xi32, #tpu.memory_space<hbm>>
    %dma_start3A_17 = tpu.memref_slice %arg3[%add3A_15] : memref<819200xi32, #tpu.memory_space<hbm>> -> memref<800xi32, #tpu.memory_space<hbm>>
    tpu.enqueue_dma source(%dma_start3A_17 : memref<800xi32, #tpu.memory_space<hbm>>) target(%arg8 : memref<800xi32, #tpu.memory_space<vmem>>) target_semaphore(%arg41 : memref<!tpu.dma_semaphore, #tpu.memory_space<semaphore_mem>>)
    %add3A_18 = arith.constant 3200 : i32
    %add3A_19 = arith.addi %mul3A_2, %add3A_18 : i32
    %dma_start3A_20 = tpu.memref_slice %arg3[%add3A_19] : memref<819200xi32, #tpu.memory_space<hbm>> -> memref<800xi32, #tpu.memory_space<hbm>>
    %dma_start3A_21 = tpu.memref_slice %arg3[%add3A_19] : memref<819200xi32, #tpu.memory_space<hbm>> -> memref<800xi32, #tpu.memory_space<hbm>>
    tpu.enqueue_dma source(%dma_start3A_21 : memref<800xi32, #tpu.memory_space<hbm>>) target(%arg9 : memref<800xi32, #tpu.memory_space<vmem>>) target_semaphore(%arg41 : memref<!tpu.dma_semaphore, #tpu.memory_space<semaphore_mem>>)
    %add3A_22 = arith.constant 4000 : i32
    %add3A_23 = arith.addi %mul3A_2, %add3A_22 : i32
    %dma_start3A_24 = tpu.memref_slice %arg3[%add3A_23] : memref<819200xi32, #tpu.memory_space<hbm>> -> memref<800xi32, #tpu.memory_space<hbm>>
    %dma_start3A_25 = tpu.memref_slice %arg3[%add3A_23] : memref<819200xi32, #tpu.memory_space<hbm>> -> memref<800xi32, #tpu.memory_space<hbm>>
    tpu.enqueue_dma source(%dma_start3A_25 : memref<800xi32, #tpu.memory_space<hbm>>) target(%arg10 : memref<800xi32, #tpu.memory_space<vmem>>) target_semaphore(%arg41 : memref<!tpu.dma_semaphore, #tpu.memory_space<semaphore_mem>>)
    %add3A_26 = arith.constant 4800 : i32
    %add3A_27 = arith.addi %mul3A_2, %add3A_26 : i32
    %dma_start3A_28 = tpu.memref_slice %arg3[%add3A_27] : memref<819200xi32, #tpu.memory_space<hbm>> -> memref<800xi32, #tpu.memory_space<hbm>>
    %dma_start3A_29 = tpu.memref_slice %arg3[%add3A_27] : memref<819200xi32, #tpu.memory_space<hbm>> -> memref<800xi32, #tpu.memory_space<hbm>>
    tpu.enqueue_dma source(%dma_start3A_29 : memref<800xi32, #tpu.memory_space<hbm>>) target(%arg11 : memref<800xi32, #tpu.memory_space<vmem>>) target_semaphore(%arg41 : memref<!tpu.dma_semaphore, #tpu.memory_space<semaphore_mem>>)
    %add3A_30 = arith.constant 5600 : i32
    %add3A_31 = arith.addi %mul3A_2, %add3A_30 : i32
    %dma_start3A_32 = tpu.memref_slice %arg3[%add3A_31] : memref<819200xi32, #tpu.memory_space<hbm>> -> memref<800xi32, #tpu.memory_space<hbm>>
    %dma_start3A_33 = tpu.memref_slice %arg3[%add3A_31] : memref<819200xi32, #tpu.memory_space<hbm>> -> memref<800xi32, #tpu.memory_space<hbm>>
    tpu.enqueue_dma source(%dma_start3A_33 : memref<800xi32, #tpu.memory_space<hbm>>) target(%arg12 : memref<800xi32, #tpu.memory_space<vmem>>) target_semaphore(%arg41 : memref<!tpu.dma_semaphore, #tpu.memory_space<semaphore_mem>>)
    %add3A_34 = arith.constant 6400 : i32
    %add3A_35 = arith.addi %mul3A_2, %add3A_34 : i32
    %dma_start3A_36 = tpu.memref_slice %arg3[%add3A_35] : memref<819200xi32, #tpu.memory_space<hbm>> -> memref<800xi32, #tpu.memory_space<hbm>>
    %dma_start3A_37 = tpu.memref_slice %arg3[%add3A_35] : memref<819200xi32, #tpu.memory_space<hbm>> -> memref<800xi32, #tpu.memory_space<hbm>>
    tpu.enqueue_dma source(%dma_start3A_37 : memref<800xi32, #tpu.memory_space<hbm>>) target(%arg13 : memref<800xi32, #tpu.memory_space<vmem>>) target_semaphore(%arg41 : memref<!tpu.dma_semaphore, #tpu.memory_space<semaphore_mem>>)
    %add3A_38 = arith.constant 7200 : i32
    %add3A_39 = arith.addi %mul3A_2, %add3A_38 : i32
    %dma_start3A_40 = tpu.memref_slice %arg3[%add3A_39] : memref<819200xi32, #tpu.memory_space<hbm>> -> memref<800xi32, #tpu.memory_space<hbm>>
    %dma_start3A_41 = tpu.memref_slice %arg3[%add3A_39] : memref<819200xi32, #tpu.memory_space<hbm>> -> memref<800xi32, #tpu.memory_space<hbm>>
    tpu.enqueue_dma source(%dma_start3A_41 : memref<800xi32, #tpu.memory_space<hbm>>) target(%arg14 : memref<800xi32, #tpu.memory_space<vmem>>) target_semaphore(%arg41 : memref<!tpu.dma_semaphore, #tpu.memory_space<semaphore_mem>>)
    %add3A_42 = arith.constant 8000 : i32
    %add3A_43 = arith.addi %mul3A_2, %add3A_42 : i32
    %dma_start3A_44 = tpu.memref_slice %arg3[%add3A_43] : memref<819200xi32, #tpu.memory_space<hbm>> -> memref<800xi32, #tpu.memory_space<hbm>>
    %dma_start3A_45 = tpu.memref_slice %arg3[%add3A_43] : memref<819200xi32, #tpu.memory_space<hbm>> -> memref<800xi32, #tpu.memory_space<hbm>>
    tpu.enqueue_dma source(%dma_start3A_45 : memref<800xi32, #tpu.memory_space<hbm>>) target(%arg15 : memref<800xi32, #tpu.memory_space<vmem>>) target_semaphore(%arg41 : memref<!tpu.dma_semaphore, #tpu.memory_space<semaphore_mem>>)
    %add3A_46 = arith.constant 8800 : i32
    %add3A_47 = arith.addi %mul3A_2, %add3A_46 : i32
    %dma_start3A_48 = tpu.memref_slice %arg3[%add3A_47] : memref<819200xi32, #tpu.memory_space<hbm>> -> memref<800xi32, #tpu.memory_space<hbm>>
    %dma_start3A_49 = tpu.memref_slice %arg3[%add3A_47] : memref<819200xi32, #tpu.memory_space<hbm>> -> memref<800xi32, #tpu.memory_space<hbm>>
    tpu.enqueue_dma source(%dma_start3A_49 : memref<800xi32, #tpu.memory_space<hbm>>) target(%arg16 : memref<800xi32, #tpu.memory_space<vmem>>) target_semaphore(%arg41 : memref<!tpu.dma_semaphore, #tpu.memory_space<semaphore_mem>>)
    %add3A_50 = arith.constant 9600 : i32
    %add3A_51 = arith.addi %mul3A_2, %add3A_50 : i32
    %dma_start3A_52 = tpu.memref_slice %arg3[%add3A_51] : memref<819200xi32, #tpu.memory_space<hbm>> -> memref<800xi32, #tpu.memory_space<hbm>>
    %dma_start3A_53 = tpu.memref_slice %arg3[%add3A_51] : memref<819200xi32, #tpu.memory_space<hbm>> -> memref<800xi32, #tpu.memory_space<hbm>>
    tpu.enqueue_dma source(%dma_start3A_53 : memref<800xi32, #tpu.memory_space<hbm>>) target(%arg17 : memref<800xi32, #tpu.memory_space<vmem>>) target_semaphore(%arg41 : memref<!tpu.dma_semaphore, #tpu.memory_space<semaphore_mem>>)
    %add3A_54 = arith.constant 10400 : i32
    %add3A_55 = arith.addi %mul3A_2, %add3A_54 : i32
    %dma_start3A_56 = tpu.memref_slice %arg3[%add3A_55] : memref<819200xi32, #tpu.memory_space<hbm>> -> memref<800xi32, #tpu.memory_space<hbm>>
    %dma_start3A_57 = tpu.memref_slice %arg3[%add3A_55] : memref<819200xi32, #tpu.memory_space<hbm>> -> memref<800xi32, #tpu.memory_space<hbm>>
    tpu.enqueue_dma source(%dma_start3A_57 : memref<800xi32, #tpu.memory_space<hbm>>) target(%arg18 : memref<800xi32, #tpu.memory_space<vmem>>) target_semaphore(%arg41 : memref<!tpu.dma_semaphore, #tpu.memory_space<semaphore_mem>>)
    %add3A_58 = arith.constant 11200 : i32
    %add3A_59 = arith.addi %mul3A_2, %add3A_58 : i32
    %dma_start3A_60 = tpu.memref_slice %arg3[%add3A_59] : memref<819200xi32, #tpu.memory_space<hbm>> -> memref<800xi32, #tpu.memory_space<hbm>>
    %dma_start3A_61 = tpu.memref_slice %arg3[%add3A_59] : memref<819200xi32, #tpu.memory_space<hbm>> -> memref<800xi32, #tpu.memory_space<hbm>>
    tpu.enqueue_dma source(%dma_start3A_61 : memref<800xi32, #tpu.memory_space<hbm>>) target(%arg19 : memref<800xi32, #tpu.memory_space<vmem>>) target_semaphore(%arg41 : memref<!tpu.dma_semaphore, #tpu.memory_space<semaphore_mem>>)
    %add3A_62 = arith.constant 12000 : i32
    %add3A_63 = arith.addi %mul3A_2, %add3A_62 : i32
    %dma_start3A_64 = tpu.memref_slice %arg3[%add3A_63] : memref<819200xi32, #tpu.memory_space<hbm>> -> memref<800xi32, #tpu.memory_space<hbm>>
    %dma_start3A_65 = tpu.memref_slice %arg3[%add3A_63] : memref<819200xi32, #tpu.memory_space<hbm>> -> memref<800xi32, #tpu.memory_space<hbm>>
    tpu.enqueue_dma source(%dma_start3A_65 : memref<800xi32, #tpu.memory_space<hbm>>) target(%arg20 : memref<800xi32, #tpu.memory_space<vmem>>) target_semaphore(%arg41 : memref<!tpu.dma_semaphore, #tpu.memory_space<semaphore_mem>>)
    %add3A_66 = arith.constant 12800 : i32
    %add3A_67 = arith.addi %mul3A_2, %add3A_66 : i32
    %dma_start3A_68 = tpu.memref_slice %arg3[%add3A_67] : memref<819200xi32, #tpu.memory_space<hbm>> -> memref<800xi32, #tpu.memory_space<hbm>>
    %dma_start3A_69 = tpu.memref_slice %arg3[%add3A_67] : memref<819200xi32, #tpu.memory_space<hbm>> -> memref<800xi32, #tpu.memory_space<hbm>>
    tpu.enqueue_dma source(%dma_start3A_69 : memref<800xi32, #tpu.memory_space<hbm>>) target(%arg21 : memref<800xi32, #tpu.memory_space<vmem>>) target_semaphore(%arg41 : memref<!tpu.dma_semaphore, #tpu.memory_space<semaphore_mem>>)
    %add3A_70 = arith.constant 13600 : i32
    %add3A_71 = arith.addi %mul3A_2, %add3A_70 : i32
    %dma_start3A_72 = tpu.memref_slice %arg3[%add3A_71] : memref<819200xi32, #tpu.memory_space<hbm>> -> memref<800xi32, #tpu.memory_space<hbm>>
    %dma_start3A_73 = tpu.memref_slice %arg3[%add3A_71] : memref<819200xi32, #tpu.memory_space<hbm>> -> memref<800xi32, #tpu.memory_space<hbm>>
    tpu.enqueue_dma source(%dma_start3A_73 : memref<800xi32, #tpu.memory_space<hbm>>) target(%arg22 : memref<800xi32, #tpu.memory_space<vmem>>) target_semaphore(%arg41 : memref<!tpu.dma_semaphore, #tpu.memory_space<semaphore_mem>>)
    %add3A_74 = arith.constant 14400 : i32
    %add3A_75 = arith.addi %mul3A_2, %add3A_74 : i32
    %dma_start3A_76 = tpu.memref_slice %arg3[%add3A_75] : memref<819200xi32, #tpu.memory_space<hbm>> -> memref<800xi32, #tpu.memory_space<hbm>>
    %dma_start3A_77 = tpu.memref_slice %arg3[%add3A_75] : memref<819200xi32, #tpu.memory_space<hbm>> -> memref<800xi32, #tpu.memory_space<hbm>>
    tpu.enqueue_dma source(%dma_start3A_77 : memref<800xi32, #tpu.memory_space<hbm>>) target(%arg23 : memref<800xi32, #tpu.memory_space<vmem>>) target_semaphore(%arg41 : memref<!tpu.dma_semaphore, #tpu.memory_space<semaphore_mem>>)
    %add3A_78 = arith.constant 15200 : i32
    %add3A_79 = arith.addi %mul3A_2, %add3A_78 : i32
    %dma_start3A_80 = tpu.memref_slice %arg3[%add3A_79] : memref<819200xi32, #tpu.memory_space<hbm>> -> memref<800xi32, #tpu.memory_space<hbm>>
    %dma_start3A_81 = tpu.memref_slice %arg3[%add3A_79] : memref<819200xi32, #tpu.memory_space<hbm>> -> memref<800xi32, #tpu.memory_space<hbm>>
    tpu.enqueue_dma source(%dma_start3A_81 : memref<800xi32, #tpu.memory_space<hbm>>) target(%arg24 : memref<800xi32, #tpu.memory_space<vmem>>) target_semaphore(%arg41 : memref<!tpu.dma_semaphore, #tpu.memory_space<semaphore_mem>>)
    %add3A_82 = arith.constant 16000 : i32
    %add3A_83 = arith.addi %mul3A_2, %add3A_82 : i32
    %dma_start3A_84 = tpu.memref_slice %arg3[%add3A_83] : memref<819200xi32, #tpu.memory_space<hbm>> -> memref<800xi32, #tpu.memory_space<hbm>>
    %dma_start3A_85 = tpu.memref_slice %arg3[%add3A_83] : memref<819200xi32, #tpu.memory_space<hbm>> -> memref<800xi32, #tpu.memory_space<hbm>>
    tpu.enqueue_dma source(%dma_start3A_85 : memref<800xi32, #tpu.memory_space<hbm>>) target(%arg25 : memref<800xi32, #tpu.memory_space<vmem>>) target_semaphore(%arg41 : memref<!tpu.dma_semaphore, #tpu.memory_space<semaphore_mem>>)
    %add3A_86 = arith.constant 16800 : i32
    %add3A_87 = arith.addi %mul3A_2, %add3A_86 : i32
    %dma_start3A_88 = tpu.memref_slice %arg3[%add3A_87] : memref<819200xi32, #tpu.memory_space<hbm>> -> memref<800xi32, #tpu.memory_space<hbm>>
    %dma_start3A_89 = tpu.memref_slice %arg3[%add3A_87] : memref<819200xi32, #tpu.memory_space<hbm>> -> memref<800xi32, #tpu.memory_space<hbm>>
    tpu.enqueue_dma source(%dma_start3A_89 : memref<800xi32, #tpu.memory_space<hbm>>) target(%arg26 : memref<800xi32, #tpu.memory_space<vmem>>) target_semaphore(%arg41 : memref<!tpu.dma_semaphore, #tpu.memory_space<semaphore_mem>>)
    %add3A_90 = arith.constant 17600 : i32
    %add3A_91 = arith.addi %mul3A_2, %add3A_90 : i32
    %dma_start3A_92 = tpu.memref_slice %arg3[%add3A_91] : memref<819200xi32, #tpu.memory_space<hbm>> -> memref<800xi32, #tpu.memory_space<hbm>>
    %dma_start3A_93 = tpu.memref_slice %arg3[%add3A_91] : memref<819200xi32, #tpu.memory_space<hbm>> -> memref<800xi32, #tpu.memory_space<hbm>>
    tpu.enqueue_dma source(%dma_start3A_93 : memref<800xi32, #tpu.memory_space<hbm>>) target(%arg27 : memref<800xi32, #tpu.memory_space<vmem>>) target_semaphore(%arg41 : memref<!tpu.dma_semaphore, #tpu.memory_space<semaphore_mem>>)
    %add3A_94 = arith.constant 18400 : i32
    %add3A_95 = arith.addi %mul3A_2, %add3A_94 : i32
    %dma_start3A_96 = tpu.memref_slice %arg3[%add3A_95] : memref<819200xi32, #tpu.memory_space<hbm>> -> memref<800xi32, #tpu.memory_space<hbm>>
    %dma_start3A_97 = tpu.memref_slice %arg3[%add3A_95] : memref<819200xi32, #tpu.memory_space<hbm>> -> memref<800xi32, #tpu.memory_space<hbm>>
    tpu.enqueue_dma source(%dma_start3A_97 : memref<800xi32, #tpu.memory_space<hbm>>) target(%arg28 : memref<800xi32, #tpu.memory_space<vmem>>) target_semaphore(%arg41 : memref<!tpu.dma_semaphore, #tpu.memory_space<semaphore_mem>>)
    %add3A_98 = arith.constant 19200 : i32
    %add3A_99 = arith.addi %mul3A_2, %add3A_98 : i32
    %dma_start3A_100 = tpu.memref_slice %arg3[%add3A_99] : memref<819200xi32, #tpu.memory_space<hbm>> -> memref<800xi32, #tpu.memory_space<hbm>>
    %dma_start3A_101 = tpu.memref_slice %arg3[%add3A_99] : memref<819200xi32, #tpu.memory_space<hbm>> -> memref<800xi32, #tpu.memory_space<hbm>>
    tpu.enqueue_dma source(%dma_start3A_101 : memref<800xi32, #tpu.memory_space<hbm>>) target(%arg29 : memref<800xi32, #tpu.memory_space<vmem>>) target_semaphore(%arg41 : memref<!tpu.dma_semaphore, #tpu.memory_space<semaphore_mem>>)
    %add3A_102 = arith.constant 20000 : i32
    %add3A_103 = arith.addi %mul3A_2, %add3A_102 : i32
    %dma_start3A_104 = tpu.memref_slice %arg3[%add3A_103] : memref<819200xi32, #tpu.memory_space<hbm>> -> memref<800xi32, #tpu.memory_space<hbm>>
    %dma_start3A_105 = tpu.memref_slice %arg3[%add3A_103] : memref<819200xi32, #tpu.memory_space<hbm>> -> memref<800xi32, #tpu.memory_space<hbm>>
    tpu.enqueue_dma source(%dma_start3A_105 : memref<800xi32, #tpu.memory_space<hbm>>) target(%arg30 : memref<800xi32, #tpu.memory_space<vmem>>) target_semaphore(%arg41 : memref<!tpu.dma_semaphore, #tpu.memory_space<semaphore_mem>>)
    %add3A_106 = arith.constant 20800 : i32
    %add3A_107 = arith.addi %mul3A_2, %add3A_106 : i32
    %dma_start3A_108 = tpu.memref_slice %arg3[%add3A_107] : memref<819200xi32, #tpu.memory_space<hbm>> -> memref<800xi32, #tpu.memory_space<hbm>>
    %dma_start3A_109 = tpu.memref_slice %arg3[%add3A_107] : memref<819200xi32, #tpu.memory_space<hbm>> -> memref<800xi32, #tpu.memory_space<hbm>>
    tpu.enqueue_dma source(%dma_start3A_109 : memref<800xi32, #tpu.memory_space<hbm>>) target(%arg31 : memref<800xi32, #tpu.memory_space<vmem>>) target_semaphore(%arg41 : memref<!tpu.dma_semaphore, #tpu.memory_space<semaphore_mem>>)
    %add3A_110 = arith.constant 21600 : i32
    %add3A_111 = arith.addi %mul3A_2, %add3A_110 : i32
    %dma_start3A_112 = tpu.memref_slice %arg3[%add3A_111] : memref<819200xi32, #tpu.memory_space<hbm>> -> memref<800xi32, #tpu.memory_space<hbm>>
    %dma_start3A_113 = tpu.memref_slice %arg3[%add3A_111] : memref<819200xi32, #tpu.memory_space<hbm>> -> memref<800xi32, #tpu.memory_space<hbm>>
    tpu.enqueue_dma source(%dma_start3A_113 : memref<800xi32, #tpu.memory_space<hbm>>) target(%arg32 : memref<800xi32, #tpu.memory_space<vmem>>) target_semaphore(%arg41 : memref<!tpu.dma_semaphore, #tpu.memory_space<semaphore_mem>>)
    %add3A_114 = arith.constant 22400 : i32
    %add3A_115 = arith.addi %mul3A_2, %add3A_114 : i32
    %dma_start3A_116 = tpu.memref_slice %arg3[%add3A_115] : memref<819200xi32, #tpu.memory_space<hbm>> -> memref<800xi32, #tpu.memory_space<hbm>>
    %dma_start3A_117 = tpu.memref_slice %arg3[%add3A_115] : memref<819200xi32, #tpu.memory_space<hbm>> -> memref<800xi32, #tpu.memory_space<hbm>>
    tpu.enqueue_dma source(%dma_start3A_117 : memref<800xi32, #tpu.memory_space<hbm>>) target(%arg33 : memref<800xi32, #tpu.memory_space<vmem>>) target_semaphore(%arg41 : memref<!tpu.dma_semaphore, #tpu.memory_space<semaphore_mem>>)
    %add3A_118 = arith.constant 23200 : i32
    %add3A_119 = arith.addi %mul3A_2, %add3A_118 : i32
    %dma_start3A_120 = tpu.memref_slice %arg3[%add3A_119] : memref<819200xi32, #tpu.memory_space<hbm>> -> memref<800xi32, #tpu.memory_space<hbm>>
    %dma_start3A_121 = tpu.memref_slice %arg3[%add3A_119] : memref<819200xi32, #tpu.memory_space<hbm>> -> memref<800xi32, #tpu.memory_space<hbm>>
    tpu.enqueue_dma source(%dma_start3A_121 : memref<800xi32, #tpu.memory_space<hbm>>) target(%arg34 : memref<800xi32, #tpu.memory_space<vmem>>) target_semaphore(%arg41 : memref<!tpu.dma_semaphore, #tpu.memory_space<semaphore_mem>>)
    %add3A_122 = arith.constant 24000 : i32
    %add3A_123 = arith.addi %mul3A_2, %add3A_122 : i32
    %dma_start3A_124 = tpu.memref_slice %arg3[%add3A_123] : memref<819200xi32, #tpu.memory_space<hbm>> -> memref<800xi32, #tpu.memory_space<hbm>>
    %dma_start3A_125 = tpu.memref_slice %arg3[%add3A_123] : memref<819200xi32, #tpu.memory_space<hbm>> -> memref<800xi32, #tpu.memory_space<hbm>>
    tpu.enqueue_dma source(%dma_start3A_125 : memref<800xi32, #tpu.memory_space<hbm>>) target(%arg35 : memref<800xi32, #tpu.memory_space<vmem>>) target_semaphore(%arg41 : memref<!tpu.dma_semaphore, #tpu.memory_space<semaphore_mem>>)
    %add3A_126 = arith.constant 24800 : i32
    %add3A_127 = arith.addi %mul3A_2, %add3A_126 : i32
    %dma_start3A_128 = tpu.memref_slice %arg3[%add3A_127] : memref<819200xi32, #tpu.memory_space<hbm>> -> memref<800xi32, #tpu.memory_space<hbm>>
    %dma_start3A_129 = tpu.memref_slice %arg3[%add3A_127] : memref<819200xi32, #tpu.memory_space<hbm>> -> memref<800xi32, #tpu.memory_space<hbm>>
    tpu.enqueue_dma source(%dma_start3A_129 : memref<800xi32, #tpu.memory_space<hbm>>) target(%arg36 : memref<800xi32, #tpu.memory_space<vmem>>) target_semaphore(%arg41 : memref<!tpu.dma_semaphore, #tpu.memory_space<semaphore_mem>>)
    %dma_wait3A = tpu.memref_slice %arg3[%mul3A_2] : memref<819200xi32, #tpu.memory_space<hbm>> -> memref<800xi32, #tpu.memory_space<hbm>>
    %dma_wait3A_130 = tpu.memref_slice %arg3[%mul3A_2] : memref<819200xi32, #tpu.memory_space<hbm>> -> memref<800xi32, #tpu.memory_space<hbm>>
    tpu.wait_dma2 semaphore(%arg41 : memref<!tpu.dma_semaphore, #tpu.memory_space<semaphore_mem>>) src(%dma_wait3A_130 : memref<800xi32, #tpu.memory_space<hbm>>) dst(%arg5 : memref<800xi32, #tpu.memory_space<vmem>>)
    %dma_wait3A_131 = tpu.memref_slice %arg3[%mul3A_2] : memref<819200xi32, #tpu.memory_space<hbm>> -> memref<800xi32, #tpu.memory_space<hbm>>
    %dma_wait3A_132 = tpu.memref_slice %arg3[%mul3A_2] : memref<819200xi32, #tpu.memory_space<hbm>> -> memref<800xi32, #tpu.memory_space<hbm>>
    tpu.wait_dma2 semaphore(%arg41 : memref<!tpu.dma_semaphore, #tpu.memory_space<semaphore_mem>>) src(%dma_wait3A_132 : memref<800xi32, #tpu.memory_space<hbm>>) dst(%arg6 : memref<800xi32, #tpu.memory_space<vmem>>)
    %dma_wait3A_133 = tpu.memref_slice %arg3[%mul3A_2] : memref<819200xi32, #tpu.memory_space<hbm>> -> memref<800xi32, #tpu.memory_space<hbm>>
    %dma_wait3A_134 = tpu.memref_slice %arg3[%mul3A_2] : memref<819200xi32, #tpu.memory_space<hbm>> -> memref<800xi32, #tpu.memory_space<hbm>>
    tpu.wait_dma2 semaphore(%arg41 : memref<!tpu.dma_semaphore, #tpu.memory_space<semaphore_mem>>) src(%dma_wait3A_134 : memref<800xi32, #tpu.memory_space<hbm>>) dst(%arg7 : memref<800xi32, #tpu.memory_space<vmem>>)
    %dma_wait3A_135 = tpu.memref_slice %arg3[%mul3A_2] : memref<819200xi32, #tpu.memory_space<hbm>> -> memref<800xi32, #tpu.memory_space<hbm>>
    %dma_wait3A_136 = tpu.memref_slice %arg3[%mul3A_2] : memref<819200xi32, #tpu.memory_space<hbm>> -> memref<800xi32, #tpu.memory_space<hbm>>
    tpu.wait_dma2 semaphore(%arg41 : memref<!tpu.dma_semaphore, #tpu.memory_space<semaphore_mem>>) src(%dma_wait3A_136 : memref<800xi32, #tpu.memory_space<hbm>>) dst(%arg8 : memref<800xi32, #tpu.memory_space<vmem>>)
    %dma_wait3A_137 = tpu.memref_slice %arg3[%mul3A_2] : memref<819200xi32, #tpu.memory_space<hbm>> -> memref<800xi32, #tpu.memory_space<hbm>>
    %dma_wait3A_138 = tpu.memref_slice %arg3[%mul3A_2] : memref<819200xi32, #tpu.memory_space<hbm>> -> memref<800xi32, #tpu.memory_space<hbm>>
    tpu.wait_dma2 semaphore(%arg41 : memref<!tpu.dma_semaphore, #tpu.memory_space<semaphore_mem>>) src(%dma_wait3A_138 : memref<800xi32, #tpu.memory_space<hbm>>) dst(%arg9 : memref<800xi32, #tpu.memory_space<vmem>>)
    %dma_wait3A_139 = tpu.memref_slice %arg3[%mul3A_2] : memref<819200xi32, #tpu.memory_space<hbm>> -> memref<800xi32, #tpu.memory_space<hbm>>
    %dma_wait3A_140 = tpu.memref_slice %arg3[%mul3A_2] : memref<819200xi32, #tpu.memory_space<hbm>> -> memref<800xi32, #tpu.memory_space<hbm>>
    tpu.wait_dma2 semaphore(%arg41 : memref<!tpu.dma_semaphore, #tpu.memory_space<semaphore_mem>>) src(%dma_wait3A_140 : memref<800xi32, #tpu.memory_space<hbm>>) dst(%arg10 : memref<800xi32, #tpu.memory_space<vmem>>)
    %dma_wait3A_141 = tpu.memref_slice %arg3[%mul3A_2] : memref<819200xi32, #tpu.memory_space<hbm>> -> memref<800xi32, #tpu.memory_space<hbm>>
    %dma_wait3A_142 = tpu.memref_slice %arg3[%mul3A_2] : memref<819200xi32, #tpu.memory_space<hbm>> -> memref<800xi32, #tpu.memory_space<hbm>>
    tpu.wait_dma2 semaphore(%arg41 : memref<!tpu.dma_semaphore, #tpu.memory_space<semaphore_mem>>) src(%dma_wait3A_142 : memref<800xi32, #tpu.memory_space<hbm>>) dst(%arg11 : memref<800xi32, #tpu.memory_space<vmem>>)
    %dma_wait3A_143 = tpu.memref_slice %arg3[%mul3A_2] : memref<819200xi32, #tpu.memory_space<hbm>> -> memref<800xi32, #tpu.memory_space<hbm>>
    %dma_wait3A_144 = tpu.memref_slice %arg3[%mul3A_2] : memref<819200xi32, #tpu.memory_space<hbm>> -> memref<800xi32, #tpu.memory_space<hbm>>
    tpu.wait_dma2 semaphore(%arg41 : memref<!tpu.dma_semaphore, #tpu.memory_space<semaphore_mem>>) src(%dma_wait3A_144 : memref<800xi32, #tpu.memory_space<hbm>>) dst(%arg12 : memref<800xi32, #tpu.memory_space<vmem>>)
    %dma_wait3A_145 = tpu.memref_slice %arg3[%mul3A_2] : memref<819200xi32, #tpu.memory_space<hbm>> -> memref<800xi32, #tpu.memory_space<hbm>>
    %dma_wait3A_146 = tpu.memref_slice %arg3[%mul3A_2] : memref<819200xi32, #tpu.memory_space<hbm>> -> memref<800xi32, #tpu.memory_space<hbm>>
    tpu.wait_dma2 semaphore(%arg41 : memref<!tpu.dma_semaphore, #tpu.memory_space<semaphore_mem>>) src(%dma_wait3A_146 : memref<800xi32, #tpu.memory_space<hbm>>) dst(%arg13 : memref<800xi32, #tpu.memory_space<vmem>>)
    %dma_wait3A_147 = tpu.memref_slice %arg3[%mul3A_2] : memref<819200xi32, #tpu.memory_space<hbm>> -> memref<800xi32, #tpu.memory_space<hbm>>
    %dma_wait3A_148 = tpu.memref_slice %arg3[%mul3A_2] : memref<819200xi32, #tpu.memory_space<hbm>> -> memref<800xi32, #tpu.memory_space<hbm>>
    tpu.wait_dma2 semaphore(%arg41 : memref<!tpu.dma_semaphore, #tpu.memory_space<semaphore_mem>>) src(%dma_wait3A_148 : memref<800xi32, #tpu.memory_space<hbm>>) dst(%arg14 : memref<800xi32, #tpu.memory_space<vmem>>)
    %dma_wait3A_149 = tpu.memref_slice %arg3[%mul3A_2] : memref<819200xi32, #tpu.memory_space<hbm>> -> memref<800xi32, #tpu.memory_space<hbm>>
    %dma_wait3A_150 = tpu.memref_slice %arg3[%mul3A_2] : memref<819200xi32, #tpu.memory_space<hbm>> -> memref<800xi32, #tpu.memory_space<hbm>>
    tpu.wait_dma2 semaphore(%arg41 : memref<!tpu.dma_semaphore, #tpu.memory_space<semaphore_mem>>) src(%dma_wait3A_150 : memref<800xi32, #tpu.memory_space<hbm>>) dst(%arg15 : memref<800xi32, #tpu.memory_space<vmem>>)
    %dma_wait3A_151 = tpu.memref_slice %arg3[%mul3A_2] : memref<819200xi32, #tpu.memory_space<hbm>> -> memref<800xi32, #tpu.memory_space<hbm>>
    %dma_wait3A_152 = tpu.memref_slice %arg3[%mul3A_2] : memref<819200xi32, #tpu.memory_space<hbm>> -> memref<800xi32, #tpu.memory_space<hbm>>
    tpu.wait_dma2 semaphore(%arg41 : memref<!tpu.dma_semaphore, #tpu.memory_space<semaphore_mem>>) src(%dma_wait3A_152 : memref<800xi32, #tpu.memory_space<hbm>>) dst(%arg16 : memref<800xi32, #tpu.memory_space<vmem>>)
    %dma_wait3A_153 = tpu.memref_slice %arg3[%mul3A_2] : memref<819200xi32, #tpu.memory_space<hbm>> -> memref<800xi32, #tpu.memory_space<hbm>>
    %dma_wait3A_154 = tpu.memref_slice %arg3[%mul3A_2] : memref<819200xi32, #tpu.memory_space<hbm>> -> memref<800xi32, #tpu.memory_space<hbm>>
    tpu.wait_dma2 semaphore(%arg41 : memref<!tpu.dma_semaphore, #tpu.memory_space<semaphore_mem>>) src(%dma_wait3A_154 : memref<800xi32, #tpu.memory_space<hbm>>) dst(%arg17 : memref<800xi32, #tpu.memory_space<vmem>>)
    %dma_wait3A_155 = tpu.memref_slice %arg3[%mul3A_2] : memref<819200xi32, #tpu.memory_space<hbm>> -> memref<800xi32, #tpu.memory_space<hbm>>
    %dma_wait3A_156 = tpu.memref_slice %arg3[%mul3A_2] : memref<819200xi32, #tpu.memory_space<hbm>> -> memref<800xi32, #tpu.memory_space<hbm>>
    tpu.wait_dma2 semaphore(%arg41 : memref<!tpu.dma_semaphore, #tpu.memory_space<semaphore_mem>>) src(%dma_wait3A_156 : memref<800xi32, #tpu.memory_space<hbm>>) dst(%arg18 : memref<800xi32, #tpu.memory_space<vmem>>)
    %dma_wait3A_157 = tpu.memref_slice %arg3[%mul3A_2] : memref<819200xi32, #tpu.memory_space<hbm>> -> memref<800xi32, #tpu.memory_space<hbm>>
    %dma_wait3A_158 = tpu.memref_slice %arg3[%mul3A_2] : memref<819200xi32, #tpu.memory_space<hbm>> -> memref<800xi32, #tpu.memory_space<hbm>>
    tpu.wait_dma2 semaphore(%arg41 : memref<!tpu.dma_semaphore, #tpu.memory_space<semaphore_mem>>) src(%dma_wait3A_158 : memref<800xi32, #tpu.memory_space<hbm>>) dst(%arg19 : memref<800xi32, #tpu.memory_space<vmem>>)
    %dma_wait3A_159 = tpu.memref_slice %arg3[%mul3A_2] : memref<819200xi32, #tpu.memory_space<hbm>> -> memref<800xi32, #tpu.memory_space<hbm>>
    %dma_wait3A_160 = tpu.memref_slice %arg3[%mul3A_2] : memref<819200xi32, #tpu.memory_space<hbm>> -> memref<800xi32, #tpu.memory_space<hbm>>
    tpu.wait_dma2 semaphore(%arg41 : memref<!tpu.dma_semaphore, #tpu.memory_space<semaphore_mem>>) src(%dma_wait3A_160 : memref<800xi32, #tpu.memory_space<hbm>>) dst(%arg20 : memref<800xi32, #tpu.memory_space<vmem>>)
    %dma_wait3A_161 = tpu.memref_slice %arg3[%mul3A_2] : memref<819200xi32, #tpu.memory_space<hbm>> -> memref<800xi32, #tpu.memory_space<hbm>>
    %dma_wait3A_162 = tpu.memref_slice %arg3[%mul3A_2] : memref<819200xi32, #tpu.memory_space<hbm>> -> memref<800xi32, #tpu.memory_space<hbm>>
    tpu.wait_dma2 semaphore(%arg41 : memref<!tpu.dma_semaphore, #tpu.memory_space<semaphore_mem>>) src(%dma_wait3A_162 : memref<800xi32, #tpu.memory_space<hbm>>) dst(%arg21 : memref<800xi32, #tpu.memory_space<vmem>>)
    %dma_wait3A_163 = tpu.memref_slice %arg3[%mul3A_2] : memref<819200xi32, #tpu.memory_space<hbm>> -> memref<800xi32, #tpu.memory_space<hbm>>
    %dma_wait3A_164 = tpu.memref_slice %arg3[%mul3A_2] : memref<819200xi32, #tpu.memory_space<hbm>> -> memref<800xi32, #tpu.memory_space<hbm>>
    tpu.wait_dma2 semaphore(%arg41 : memref<!tpu.dma_semaphore, #tpu.memory_space<semaphore_mem>>) src(%dma_wait3A_164 : memref<800xi32, #tpu.memory_space<hbm>>) dst(%arg22 : memref<800xi32, #tpu.memory_space<vmem>>)
    %dma_wait3A_165 = tpu.memref_slice %arg3[%mul3A_2] : memref<819200xi32, #tpu.memory_space<hbm>> -> memref<800xi32, #tpu.memory_space<hbm>>
    %dma_wait3A_166 = tpu.memref_slice %arg3[%mul3A_2] : memref<819200xi32, #tpu.memory_space<hbm>> -> memref<800xi32, #tpu.memory_space<hbm>>
    tpu.wait_dma2 semaphore(%arg41 : memref<!tpu.dma_semaphore, #tpu.memory_space<semaphore_mem>>) src(%dma_wait3A_166 : memref<800xi32, #tpu.memory_space<hbm>>) dst(%arg23 : memref<800xi32, #tpu.memory_space<vmem>>)
    %dma_wait3A_167 = tpu.memref_slice %arg3[%mul3A_2] : memref<819200xi32, #tpu.memory_space<hbm>> -> memref<800xi32, #tpu.memory_space<hbm>>
    %dma_wait3A_168 = tpu.memref_slice %arg3[%mul3A_2] : memref<819200xi32, #tpu.memory_space<hbm>> -> memref<800xi32, #tpu.memory_space<hbm>>
    tpu.wait_dma2 semaphore(%arg41 : memref<!tpu.dma_semaphore, #tpu.memory_space<semaphore_mem>>) src(%dma_wait3A_168 : memref<800xi32, #tpu.memory_space<hbm>>) dst(%arg24 : memref<800xi32, #tpu.memory_space<vmem>>)
    %dma_wait3A_169 = tpu.memref_slice %arg3[%mul3A_2] : memref<819200xi32, #tpu.memory_space<hbm>> -> memref<800xi32, #tpu.memory_space<hbm>>
    %dma_wait3A_170 = tpu.memref_slice %arg3[%mul3A_2] : memref<819200xi32, #tpu.memory_space<hbm>> -> memref<800xi32, #tpu.memory_space<hbm>>
    tpu.wait_dma2 semaphore(%arg41 : memref<!tpu.dma_semaphore, #tpu.memory_space<semaphore_mem>>) src(%dma_wait3A_170 : memref<800xi32, #tpu.memory_space<hbm>>) dst(%arg25 : memref<800xi32, #tpu.memory_space<vmem>>)
    %dma_wait3A_171 = tpu.memref_slice %arg3[%mul3A_2] : memref<819200xi32, #tpu.memory_space<hbm>> -> memref<800xi32, #tpu.memory_space<hbm>>
    %dma_wait3A_172 = tpu.memref_slice %arg3[%mul3A_2] : memref<819200xi32, #tpu.memory_space<hbm>> -> memref<800xi32, #tpu.memory_space<hbm>>
    tpu.wait_dma2 semaphore(%arg41 : memref<!tpu.dma_semaphore, #tpu.memory_space<semaphore_mem>>) src(%dma_wait3A_172 : memref<800xi32, #tpu.memory_space<hbm>>) dst(%arg26 : memref<800xi32, #tpu.memory_space<vmem>>)
    %dma_wait3A_173 = tpu.memref_slice %arg3[%mul3A_2] : memref<819200xi32, #tpu.memory_space<hbm>> -> memref<800xi32, #tpu.memory_space<hbm>>
    %dma_wait3A_174 = tpu.memref_slice %arg3[%mul3A_2] : memref<819200xi32, #tpu.memory_space<hbm>> -> memref<800xi32, #tpu.memory_space<hbm>>
    tpu.wait_dma2 semaphore(%arg41 : memref<!tpu.dma_semaphore, #tpu.memory_space<semaphore_mem>>) src(%dma_wait3A_174 : memref<800xi32, #tpu.memory_space<hbm>>) dst(%arg27 : memref<800xi32, #tpu.memory_space<vmem>>)
    %dma_wait3A_175 = tpu.memref_slice %arg3[%mul3A_2] : memref<819200xi32, #tpu.memory_space<hbm>> -> memref<800xi32, #tpu.memory_space<hbm>>
    %dma_wait3A_176 = tpu.memref_slice %arg3[%mul3A_2] : memref<819200xi32, #tpu.memory_space<hbm>> -> memref<800xi32, #tpu.memory_space<hbm>>
    tpu.wait_dma2 semaphore(%arg41 : memref<!tpu.dma_semaphore, #tpu.memory_space<semaphore_mem>>) src(%dma_wait3A_176 : memref<800xi32, #tpu.memory_space<hbm>>) dst(%arg28 : memref<800xi32, #tpu.memory_space<vmem>>)
    %dma_wait3A_177 = tpu.memref_slice %arg3[%mul3A_2] : memref<819200xi32, #tpu.memory_space<hbm>> -> memref<800xi32, #tpu.memory_space<hbm>>
    %dma_wait3A_178 = tpu.memref_slice %arg3[%mul3A_2] : memref<819200xi32, #tpu.memory_space<hbm>> -> memref<800xi32, #tpu.memory_space<hbm>>
    tpu.wait_dma2 semaphore(%arg41 : memref<!tpu.dma_semaphore, #tpu.memory_space<semaphore_mem>>) src(%dma_wait3A_178 : memref<800xi32, #tpu.memory_space<hbm>>) dst(%arg29 : memref<800xi32, #tpu.memory_space<vmem>>)
    %dma_wait3A_179 = tpu.memref_slice %arg3[%mul3A_2] : memref<819200xi32, #tpu.memory_space<hbm>> -> memref<800xi32, #tpu.memory_space<hbm>>
    %dma_wait3A_180 = tpu.memref_slice %arg3[%mul3A_2] : memref<819200xi32, #tpu.memory_space<hbm>> -> memref<800xi32, #tpu.memory_space<hbm>>
    tpu.wait_dma2 semaphore(%arg41 : memref<!tpu.dma_semaphore, #tpu.memory_space<semaphore_mem>>) src(%dma_wait3A_180 : memref<800xi32, #tpu.memory_space<hbm>>) dst(%arg30 : memref<800xi32, #tpu.memory_space<vmem>>)
    %dma_wait3A_181 = tpu.memref_slice %arg3[%mul3A_2] : memref<819200xi32, #tpu.memory_space<hbm>> -> memref<800xi32, #tpu.memory_space<hbm>>
    %dma_wait3A_182 = tpu.memref_slice %arg3[%mul3A_2] : memref<819200xi32, #tpu.memory_space<hbm>> -> memref<800xi32, #tpu.memory_space<hbm>>
    tpu.wait_dma2 semaphore(%arg41 : memref<!tpu.dma_semaphore, #tpu.memory_space<semaphore_mem>>) src(%dma_wait3A_182 : memref<800xi32, #tpu.memory_space<hbm>>) dst(%arg31 : memref<800xi32, #tpu.memory_space<vmem>>)
    %dma_wait3A_183 = tpu.memref_slice %arg3[%mul3A_2] : memref<819200xi32, #tpu.memory_space<hbm>> -> memref<800xi32, #tpu.memory_space<hbm>>
    %dma_wait3A_184 = tpu.memref_slice %arg3[%mul3A_2] : memref<819200xi32, #tpu.memory_space<hbm>> -> memref<800xi32, #tpu.memory_space<hbm>>
    tpu.wait_dma2 semaphore(%arg41 : memref<!tpu.dma_semaphore, #tpu.memory_space<semaphore_mem>>) src(%dma_wait3A_184 : memref<800xi32, #tpu.memory_space<hbm>>) dst(%arg32 : memref<800xi32, #tpu.memory_space<vmem>>)
    %dma_wait3A_185 = tpu.memref_slice %arg3[%mul3A_2] : memref<819200xi32, #tpu.memory_space<hbm>> -> memref<800xi32, #tpu.memory_space<hbm>>
    %dma_wait3A_186 = tpu.memref_slice %arg3[%mul3A_2] : memref<819200xi32, #tpu.memory_space<hbm>> -> memref<800xi32, #tpu.memory_space<hbm>>
    tpu.wait_dma2 semaphore(%arg41 : memref<!tpu.dma_semaphore, #tpu.memory_space<semaphore_mem>>) src(%dma_wait3A_186 : memref<800xi32, #tpu.memory_space<hbm>>) dst(%arg33 : memref<800xi32, #tpu.memory_space<vmem>>)
    %dma_wait3A_187 = tpu.memref_slice %arg3[%mul3A_2] : memref<819200xi32, #tpu.memory_space<hbm>> -> memref<800xi32, #tpu.memory_space<hbm>>
    %dma_wait3A_188 = tpu.memref_slice %arg3[%mul3A_2] : memref<819200xi32, #tpu.memory_space<hbm>> -> memref<800xi32, #tpu.memory_space<hbm>>
    tpu.wait_dma2 semaphore(%arg41 : memref<!tpu.dma_semaphore, #tpu.memory_space<semaphore_mem>>) src(%dma_wait3A_188 : memref<800xi32, #tpu.memory_space<hbm>>) dst(%arg34 : memref<800xi32, #tpu.memory_space<vmem>>)
    %dma_wait3A_189 = tpu.memref_slice %arg3[%mul3A_2] : memref<819200xi32, #tpu.memory_space<hbm>> -> memref<800xi32, #tpu.memory_space<hbm>>
    %dma_wait3A_190 = tpu.memref_slice %arg3[%mul3A_2] : memref<819200xi32, #tpu.memory_space<hbm>> -> memref<800xi32, #tpu.memory_space<hbm>>
    tpu.wait_dma2 semaphore(%arg41 : memref<!tpu.dma_semaphore, #tpu.memory_space<semaphore_mem>>) src(%dma_wait3A_190 : memref<800xi32, #tpu.memory_space<hbm>>) dst(%arg35 : memref<800xi32, #tpu.memory_space<vmem>>)
    %dma_wait3A_191 = tpu.memref_slice %arg3[%mul3A_2] : memref<819200xi32, #tpu.memory_space<hbm>> -> memref<800xi32, #tpu.memory_space<hbm>>
    %dma_wait3A_192 = tpu.memref_slice %arg3[%mul3A_2] : memref<819200xi32, #tpu.memory_space<hbm>> -> memref<800xi32, #tpu.memory_space<hbm>>
    tpu.wait_dma2 semaphore(%arg41 : memref<!tpu.dma_semaphore, #tpu.memory_space<semaphore_mem>>) src(%dma_wait3A_192 : memref<800xi32, #tpu.memory_space<hbm>>) dst(%arg36 : memref<800xi32, #tpu.memory_space<vmem>>)
    %dma_start3A_193 = arith.constant 0 : i32
    %dma_start3A_194 = arith.constant 0 : i32
    %dma_start3A_195 = tpu.memref_slice %arg2[%dma_start3A_193, %dma_start3A_194] : memref<100000x32xf32, #tpu.memory_space<hbm>> -> memref<100000x32xf32, #tpu.memory_space<hbm>>
    tpu.enqueue_indirect_dma source(%dma_start3A_195 : memref<100000x32xf32, #tpu.memory_space<hbm>>) target(%arg37 : memref<800x32xf32, #tpu.memory_space<vmem>>) offsets(%arg5 : memref<800xi32, #tpu.memory_space<vmem>>) semaphore(%arg42 : memref<!tpu.dma_semaphore, #tpu.memory_space<semaphore_mem>>)
    %dma_start3A_196 = arith.constant 0 : i32
    %dma_start3A_197 = arith.constant 0 : i32
    %dma_start3A_198 = tpu.memref_slice %arg2[%dma_start3A_196, %dma_start3A_197] : memref<100000x32xf32, #tpu.memory_space<hbm>> -> memref<100000x32xf32, #tpu.memory_space<hbm>>
    tpu.enqueue_indirect_dma source(%dma_start3A_198 : memref<100000x32xf32, #tpu.memory_space<hbm>>) target(%arg38 : memref<800x32xf32, #tpu.memory_space<vmem>>) offsets(%arg6 : memref<800xi32, #tpu.memory_space<vmem>>) semaphore(%arg43 : memref<!tpu.dma_semaphore, #tpu.memory_space<semaphore_mem>>)
    %dma_start3A_199 = arith.constant 0 : i32
    %dma_start3A_200 = arith.constant 0 : i32
    %dma_start3A_201 = tpu.memref_slice %arg2[%dma_start3A_199, %dma_start3A_200] : memref<100000x32xf32, #tpu.memory_space<hbm>> -> memref<100000x32xf32, #tpu.memory_space<hbm>>
    tpu.enqueue_indirect_dma source(%dma_start3A_201 : memref<100000x32xf32, #tpu.memory_space<hbm>>) target(%arg39 : memref<800x32xf32, #tpu.memory_space<vmem>>) offsets(%arg7 : memref<800xi32, #tpu.memory_space<vmem>>) semaphore(%arg44 : memref<!tpu.dma_semaphore, #tpu.memory_space<semaphore_mem>>)
    %dma_start3A_202 = arith.constant 0 : i32
    %dma_start3A_203 = arith.constant 0 : i32
    %dma_start3A_204 = tpu.memref_slice %arg2[%dma_start3A_202, %dma_start3A_203] : memref<100000x32xf32, #tpu.memory_space<hbm>> -> memref<100000x32xf32, #tpu.memory_space<hbm>>
    tpu.enqueue_indirect_dma source(%dma_start3A_204 : memref<100000x32xf32, #tpu.memory_space<hbm>>) target(%arg40 : memref<800x32xf32, #tpu.memory_space<vmem>>) offsets(%arg8 : memref<800xi32, #tpu.memory_space<vmem>>) semaphore(%arg45 : memref<!tpu.dma_semaphore, #tpu.memory_space<semaphore_mem>>)
    %dma_wait3A_205 = arith.constant 0 : i32
    %dma_wait3A_206 = arith.constant 0 : i32
    %dma_wait3A_207 = tpu.memref_slice %arg2[%dma_wait3A_205, %dma_wait3A_206] : memref<100000x32xf32, #tpu.memory_space<hbm>> -> memref<100000x32xf32, #tpu.memory_space<hbm>>
    tpu.wait_indirect_dma semaphore(%arg42 : memref<!tpu.dma_semaphore, #tpu.memory_space<semaphore_mem>>) src(%dma_wait3A_207 : memref<100000x32xf32, #tpu.memory_space<hbm>>) dst(%arg37 : memref<800x32xf32, #tpu.memory_space<vmem>>)
    %add3A_208 = arith.constant 0 : i32
    %add3A_209 = arith.addi %mul3A_2, %add3A_208 : i32
    %dma_start3A_210 = arith.constant 0 : i32
    %dma_start3A_211 = tpu.memref_slice %arg4[%add3A_209, %dma_start3A_210] : memref<819200x32xf32, #tpu.memory_space<hbm>> -> memref<800x32xf32, #tpu.memory_space<hbm>>
    %dma_start3A_212 = arith.constant 0 : i32
    %dma_start3A_213 = tpu.memref_slice %arg4[%add3A_209, %dma_start3A_212] : memref<819200x32xf32, #tpu.memory_space<hbm>> -> memref<800x32xf32, #tpu.memory_space<hbm>>
    tpu.enqueue_dma source(%arg37 : memref<800x32xf32, #tpu.memory_space<vmem>>) target(%dma_start3A_213 : memref<800x32xf32, #tpu.memory_space<hbm>>) target_semaphore(%arg46 : memref<!tpu.dma_semaphore, #tpu.memory_space<semaphore_mem>>)
    %dma_wait3A_214 = arith.constant 0 : i32
    %dma_wait3A_215 = tpu.memref_slice %arg4[%mul3A_2, %dma_wait3A_214] : memref<819200x32xf32, #tpu.memory_space<hbm>> -> memref<800x32xf32, #tpu.memory_space<hbm>>
    %dma_wait3A_216 = arith.constant 0 : i32
    %dma_wait3A_217 = tpu.memref_slice %arg4[%mul3A_2, %dma_wait3A_216] : memref<819200x32xf32, #tpu.memory_space<hbm>> -> memref<800x32xf32, #tpu.memory_space<hbm>>
    tpu.wait_dma2 semaphore(%arg46 : memref<!tpu.dma_semaphore, #tpu.memory_space<semaphore_mem>>) src(%arg37 : memref<800x32xf32, #tpu.memory_space<vmem>>) dst(%dma_wait3A_217 : memref<800x32xf32, #tpu.memory_space<hbm>>)
    %dma_start3A_218 = arith.constant 0 : i32
    %dma_start3A_219 = arith.constant 0 : i32
    %dma_start3A_220 = tpu.memref_slice %arg2[%dma_start3A_218, %dma_start3A_219] : memref<100000x32xf32, #tpu.memory_space<hbm>> -> memref<100000x32xf32, #tpu.memory_space<hbm>>
    tpu.enqueue_indirect_dma source(%dma_start3A_220 : memref<100000x32xf32, #tpu.memory_space<hbm>>) target(%arg37 : memref<800x32xf32, #tpu.memory_space<vmem>>) offsets(%arg9 : memref<800xi32, #tpu.memory_space<vmem>>) semaphore(%arg42 : memref<!tpu.dma_semaphore, #tpu.memory_space<semaphore_mem>>)
    %dma_wait3A_221 = arith.constant 0 : i32
    %dma_wait3A_222 = arith.constant 0 : i32
    %dma_wait3A_223 = tpu.memref_slice %arg2[%dma_wait3A_221, %dma_wait3A_222] : memref<100000x32xf32, #tpu.memory_space<hbm>> -> memref<100000x32xf32, #tpu.memory_space<hbm>>
    tpu.wait_indirect_dma semaphore(%arg43 : memref<!tpu.dma_semaphore, #tpu.memory_space<semaphore_mem>>) src(%dma_wait3A_223 : memref<100000x32xf32, #tpu.memory_space<hbm>>) dst(%arg38 : memref<800x32xf32, #tpu.memory_space<vmem>>)
    %add3A_224 = arith.constant 800 : i32
    %add3A_225 = arith.addi %mul3A_2, %add3A_224 : i32
    %dma_start3A_226 = arith.constant 0 : i32
    %dma_start3A_227 = tpu.memref_slice %arg4[%add3A_225, %dma_start3A_226] : memref<819200x32xf32, #tpu.memory_space<hbm>> -> memref<800x32xf32, #tpu.memory_space<hbm>>
    %dma_start3A_228 = arith.constant 0 : i32
    %dma_start3A_229 = tpu.memref_slice %arg4[%add3A_225, %dma_start3A_228] : memref<819200x32xf32, #tpu.memory_space<hbm>> -> memref<800x32xf32, #tpu.memory_space<hbm>>
    tpu.enqueue_dma source(%arg38 : memref<800x32xf32, #tpu.memory_space<vmem>>) target(%dma_start3A_229 : memref<800x32xf32, #tpu.memory_space<hbm>>) target_semaphore(%arg47 : memref<!tpu.dma_semaphore, #tpu.memory_space<semaphore_mem>>)
    %dma_wait3A_230 = arith.constant 0 : i32
    %dma_wait3A_231 = tpu.memref_slice %arg4[%mul3A_2, %dma_wait3A_230] : memref<819200x32xf32, #tpu.memory_space<hbm>> -> memref<800x32xf32, #tpu.memory_space<hbm>>
    %dma_wait3A_232 = arith.constant 0 : i32
    %dma_wait3A_233 = tpu.memref_slice %arg4[%mul3A_2, %dma_wait3A_232] : memref<819200x32xf32, #tpu.memory_space<hbm>> -> memref<800x32xf32, #tpu.memory_space<hbm>>
    tpu.wait_dma2 semaphore(%arg47 : memref<!tpu.dma_semaphore, #tpu.memory_space<semaphore_mem>>) src(%arg38 : memref<800x32xf32, #tpu.memory_space<vmem>>) dst(%dma_wait3A_233 : memref<800x32xf32, #tpu.memory_space<hbm>>)
    %dma_start3A_234 = arith.constant 0 : i32
    %dma_start3A_235 = arith.constant 0 : i32
    %dma_start3A_236 = tpu.memref_slice %arg2[%dma_start3A_234, %dma_start3A_235] : memref<100000x32xf32, #tpu.memory_space<hbm>> -> memref<100000x32xf32, #tpu.memory_space<hbm>>
    tpu.enqueue_indirect_dma source(%dma_start3A_236 : memref<100000x32xf32, #tpu.memory_space<hbm>>) target(%arg38 : memref<800x32xf32, #tpu.memory_space<vmem>>) offsets(%arg10 : memref<800xi32, #tpu.memory_space<vmem>>) semaphore(%arg43 : memref<!tpu.dma_semaphore, #tpu.memory_space<semaphore_mem>>)
    %dma_wait3A_237 = arith.constant 0 : i32
    %dma_wait3A_238 = arith.constant 0 : i32
    %dma_wait3A_239 = tpu.memref_slice %arg2[%dma_wait3A_237, %dma_wait3A_238] : memref<100000x32xf32, #tpu.memory_space<hbm>> -> memref<100000x32xf32, #tpu.memory_space<hbm>>
    tpu.wait_indirect_dma semaphore(%arg44 : memref<!tpu.dma_semaphore, #tpu.memory_space<semaphore_mem>>) src(%dma_wait3A_239 : memref<100000x32xf32, #tpu.memory_space<hbm>>) dst(%arg39 : memref<800x32xf32, #tpu.memory_space<vmem>>)
    %add3A_240 = arith.constant 1600 : i32
    %add3A_241 = arith.addi %mul3A_2, %add3A_240 : i32
    %dma_start3A_242 = arith.constant 0 : i32
    %dma_start3A_243 = tpu.memref_slice %arg4[%add3A_241, %dma_start3A_242] : memref<819200x32xf32, #tpu.memory_space<hbm>> -> memref<800x32xf32, #tpu.memory_space<hbm>>
    %dma_start3A_244 = arith.constant 0 : i32
    %dma_start3A_245 = tpu.memref_slice %arg4[%add3A_241, %dma_start3A_244] : memref<819200x32xf32, #tpu.memory_space<hbm>> -> memref<800x32xf32, #tpu.memory_space<hbm>>
    tpu.enqueue_dma source(%arg39 : memref<800x32xf32, #tpu.memory_space<vmem>>) target(%dma_start3A_245 : memref<800x32xf32, #tpu.memory_space<hbm>>) target_semaphore(%arg48 : memref<!tpu.dma_semaphore, #tpu.memory_space<semaphore_mem>>)
    %dma_wait3A_246 = arith.constant 0 : i32
    %dma_wait3A_247 = tpu.memref_slice %arg4[%mul3A_2, %dma_wait3A_246] : memref<819200x32xf32, #tpu.memory_space<hbm>> -> memref<800x32xf32, #tpu.memory_space<hbm>>
    %dma_wait3A_248 = arith.constant 0 : i32
    %dma_wait3A_249 = tpu.memref_slice %arg4[%mul3A_2, %dma_wait3A_248] : memref<819200x32xf32, #tpu.memory_space<hbm>> -> memref<800x32xf32, #tpu.memory_space<hbm>>
    tpu.wait_dma2 semaphore(%arg48 : memref<!tpu.dma_semaphore, #tpu.memory_space<semaphore_mem>>) src(%arg39 : memref<800x32xf32, #tpu.memory_space<vmem>>) dst(%dma_wait3A_249 : memref<800x32xf32, #tpu.memory_space<hbm>>)
    %dma_start3A_250 = arith.constant 0 : i32
    %dma_start3A_251 = arith.constant 0 : i32
    %dma_start3A_252 = tpu.memref_slice %arg2[%dma_start3A_250, %dma_start3A_251] : memref<100000x32xf32, #tpu.memory_space<hbm>> -> memref<100000x32xf32, #tpu.memory_space<hbm>>
    tpu.enqueue_indirect_dma source(%dma_start3A_252 : memref<100000x32xf32, #tpu.memory_space<hbm>>) target(%arg39 : memref<800x32xf32, #tpu.memory_space<vmem>>) offsets(%arg11 : memref<800xi32, #tpu.memory_space<vmem>>) semaphore(%arg44 : memref<!tpu.dma_semaphore, #tpu.memory_space<semaphore_mem>>)
    %dma_wait3A_253 = arith.constant 0 : i32
    %dma_wait3A_254 = arith.constant 0 : i32
    %dma_wait3A_255 = tpu.memref_slice %arg2[%dma_wait3A_253, %dma_wait3A_254] : memref<100000x32xf32, #tpu.memory_space<hbm>> -> memref<100000x32xf32, #tpu.memory_space<hbm>>
    tpu.wait_indirect_dma semaphore(%arg45 : memref<!tpu.dma_semaphore, #tpu.memory_space<semaphore_mem>>) src(%dma_wait3A_255 : memref<100000x32xf32, #tpu.memory_space<hbm>>) dst(%arg40 : memref<800x32xf32, #tpu.memory_space<vmem>>)
    %add3A_256 = arith.constant 2400 : i32
    %add3A_257 = arith.addi %mul3A_2, %add3A_256 : i32
    %dma_start3A_258 = arith.constant 0 : i32
    %dma_start3A_259 = tpu.memref_slice %arg4[%add3A_257, %dma_start3A_258] : memref<819200x32xf32, #tpu.memory_space<hbm>> -> memref<800x32xf32, #tpu.memory_space<hbm>>
    %dma_start3A_260 = arith.constant 0 : i32
    %dma_start3A_261 = tpu.memref_slice %arg4[%add3A_257, %dma_start3A_260] : memref<819200x32xf32, #tpu.memory_space<hbm>> -> memref<800x32xf32, #tpu.memory_space<hbm>>
    tpu.enqueue_dma source(%arg40 : memref<800x32xf32, #tpu.memory_space<vmem>>) target(%dma_start3A_261 : memref<800x32xf32, #tpu.memory_space<hbm>>) target_semaphore(%arg49 : memref<!tpu.dma_semaphore, #tpu.memory_space<semaphore_mem>>)
    %dma_wait3A_262 = arith.constant 0 : i32
    %dma_wait3A_263 = tpu.memref_slice %arg4[%mul3A_2, %dma_wait3A_262] : memref<819200x32xf32, #tpu.memory_space<hbm>> -> memref<800x32xf32, #tpu.memory_space<hbm>>
    %dma_wait3A_264 = arith.constant 0 : i32
    %dma_wait3A_265 = tpu.memref_slice %arg4[%mul3A_2, %dma_wait3A_264] : memref<819200x32xf32, #tpu.memory_space<hbm>> -> memref<800x32xf32, #tpu.memory_space<hbm>>
    tpu.wait_dma2 semaphore(%arg49 : memref<!tpu.dma_semaphore, #tpu.memory_space<semaphore_mem>>) src(%arg40 : memref<800x32xf32, #tpu.memory_space<vmem>>) dst(%dma_wait3A_265 : memref<800x32xf32, #tpu.memory_space<hbm>>)
    %dma_start3A_266 = arith.constant 0 : i32
    %dma_start3A_267 = arith.constant 0 : i32
    %dma_start3A_268 = tpu.memref_slice %arg2[%dma_start3A_266, %dma_start3A_267] : memref<100000x32xf32, #tpu.memory_space<hbm>> -> memref<100000x32xf32, #tpu.memory_space<hbm>>
    tpu.enqueue_indirect_dma source(%dma_start3A_268 : memref<100000x32xf32, #tpu.memory_space<hbm>>) target(%arg40 : memref<800x32xf32, #tpu.memory_space<vmem>>) offsets(%arg12 : memref<800xi32, #tpu.memory_space<vmem>>) semaphore(%arg45 : memref<!tpu.dma_semaphore, #tpu.memory_space<semaphore_mem>>)
    %dma_wait3A_269 = arith.constant 0 : i32
    %dma_wait3A_270 = arith.constant 0 : i32
    %dma_wait3A_271 = tpu.memref_slice %arg2[%dma_wait3A_269, %dma_wait3A_270] : memref<100000x32xf32, #tpu.memory_space<hbm>> -> memref<100000x32xf32, #tpu.memory_space<hbm>>
    tpu.wait_indirect_dma semaphore(%arg42 : memref<!tpu.dma_semaphore, #tpu.memory_space<semaphore_mem>>) src(%dma_wait3A_271 : memref<100000x32xf32, #tpu.memory_space<hbm>>) dst(%arg37 : memref<800x32xf32, #tpu.memory_space<vmem>>)
    %add3A_272 = arith.constant 3200 : i32
    %add3A_273 = arith.addi %mul3A_2, %add3A_272 : i32
    %dma_start3A_274 = arith.constant 0 : i32
    %dma_start3A_275 = tpu.memref_slice %arg4[%add3A_273, %dma_start3A_274] : memref<819200x32xf32, #tpu.memory_space<hbm>> -> memref<800x32xf32, #tpu.memory_space<hbm>>
    %dma_start3A_276 = arith.constant 0 : i32
    %dma_start3A_277 = tpu.memref_slice %arg4[%add3A_273, %dma_start3A_276] : memref<819200x32xf32, #tpu.memory_space<hbm>> -> memref<800x32xf32, #tpu.memory_space<hbm>>
    tpu.enqueue_dma source(%arg37 : memref<800x32xf32, #tpu.memory_space<vmem>>) target(%dma_start3A_277 : memref<800x32xf32, #tpu.memory_space<hbm>>) target_semaphore(%arg46 : memref<!tpu.dma_semaphore, #tpu.memory_space<semaphore_mem>>)
    %dma_wait3A_278 = arith.constant 0 : i32
    %dma_wait3A_279 = tpu.memref_slice %arg4[%mul3A_2, %dma_wait3A_278] : memref<819200x32xf32, #tpu.memory_space<hbm>> -> memref<800x32xf32, #tpu.memory_space<hbm>>
    %dma_wait3A_280 = arith.constant 0 : i32
    %dma_wait3A_281 = tpu.memref_slice %arg4[%mul3A_2, %dma_wait3A_280] : memref<819200x32xf32, #tpu.memory_space<hbm>> -> memref<800x32xf32, #tpu.memory_space<hbm>>
    tpu.wait_dma2 semaphore(%arg46 : memref<!tpu.dma_semaphore, #tpu.memory_space<semaphore_mem>>) src(%arg37 : memref<800x32xf32, #tpu.memory_space<vmem>>) dst(%dma_wait3A_281 : memref<800x32xf32, #tpu.memory_space<hbm>>)
    %dma_start3A_282 = arith.constant 0 : i32
    %dma_start3A_283 = arith.constant 0 : i32
    %dma_start3A_284 = tpu.memref_slice %arg2[%dma_start3A_282, %dma_start3A_283] : memref<100000x32xf32, #tpu.memory_space<hbm>> -> memref<100000x32xf32, #tpu.memory_space<hbm>>
    tpu.enqueue_indirect_dma source(%dma_start3A_284 : memref<100000x32xf32, #tpu.memory_space<hbm>>) target(%arg37 : memref<800x32xf32, #tpu.memory_space<vmem>>) offsets(%arg13 : memref<800xi32, #tpu.memory_space<vmem>>) semaphore(%arg42 : memref<!tpu.dma_semaphore, #tpu.memory_space<semaphore_mem>>)
    %dma_wait3A_285 = arith.constant 0 : i32
    %dma_wait3A_286 = arith.constant 0 : i32
    %dma_wait3A_287 = tpu.memref_slice %arg2[%dma_wait3A_285, %dma_wait3A_286] : memref<100000x32xf32, #tpu.memory_space<hbm>> -> memref<100000x32xf32, #tpu.memory_space<hbm>>
    tpu.wait_indirect_dma semaphore(%arg43 : memref<!tpu.dma_semaphore, #tpu.memory_space<semaphore_mem>>) src(%dma_wait3A_287 : memref<100000x32xf32, #tpu.memory_space<hbm>>) dst(%arg38 : memref<800x32xf32, #tpu.memory_space<vmem>>)
    %add3A_288 = arith.constant 4000 : i32
    %add3A_289 = arith.addi %mul3A_2, %add3A_288 : i32
    %dma_start3A_290 = arith.constant 0 : i32
    %dma_start3A_291 = tpu.memref_slice %arg4[%add3A_289, %dma_start3A_290] : memref<819200x32xf32, #tpu.memory_space<hbm>> -> memref<800x32xf32, #tpu.memory_space<hbm>>
    %dma_start3A_292 = arith.constant 0 : i32
    %dma_start3A_293 = tpu.memref_slice %arg4[%add3A_289, %dma_start3A_292] : memref<819200x32xf32, #tpu.memory_space<hbm>> -> memref<800x32xf32, #tpu.memory_space<hbm>>
    tpu.enqueue_dma source(%arg38 : memref<800x32xf32, #tpu.memory_space<vmem>>) target(%dma_start3A_293 : memref<800x32xf32, #tpu.memory_space<hbm>>) target_semaphore(%arg47 : memref<!tpu.dma_semaphore, #tpu.memory_space<semaphore_mem>>)
    %dma_wait3A_294 = arith.constant 0 : i32
    %dma_wait3A_295 = tpu.memref_slice %arg4[%mul3A_2, %dma_wait3A_294] : memref<819200x32xf32, #tpu.memory_space<hbm>> -> memref<800x32xf32, #tpu.memory_space<hbm>>
    %dma_wait3A_296 = arith.constant 0 : i32
    %dma_wait3A_297 = tpu.memref_slice %arg4[%mul3A_2, %dma_wait3A_296] : memref<819200x32xf32, #tpu.memory_space<hbm>> -> memref<800x32xf32, #tpu.memory_space<hbm>>
    tpu.wait_dma2 semaphore(%arg47 : memref<!tpu.dma_semaphore, #tpu.memory_space<semaphore_mem>>) src(%arg38 : memref<800x32xf32, #tpu.memory_space<vmem>>) dst(%dma_wait3A_297 : memref<800x32xf32, #tpu.memory_space<hbm>>)
    %dma_start3A_298 = arith.constant 0 : i32
    %dma_start3A_299 = arith.constant 0 : i32
    %dma_start3A_300 = tpu.memref_slice %arg2[%dma_start3A_298, %dma_start3A_299] : memref<100000x32xf32, #tpu.memory_space<hbm>> -> memref<100000x32xf32, #tpu.memory_space<hbm>>
    tpu.enqueue_indirect_dma source(%dma_start3A_300 : memref<100000x32xf32, #tpu.memory_space<hbm>>) target(%arg38 : memref<800x32xf32, #tpu.memory_space<vmem>>) offsets(%arg14 : memref<800xi32, #tpu.memory_space<vmem>>) semaphore(%arg43 : memref<!tpu.dma_semaphore, #tpu.memory_space<semaphore_mem>>)
    %dma_wait3A_301 = arith.constant 0 : i32
    %dma_wait3A_302 = arith.constant 0 : i32
    %dma_wait3A_303 = tpu.memref_slice %arg2[%dma_wait3A_301, %dma_wait3A_302] : memref<100000x32xf32, #tpu.memory_space<hbm>> -> memref<100000x32xf32, #tpu.memory_space<hbm>>
    tpu.wait_indirect_dma semaphore(%arg44 : memref<!tpu.dma_semaphore, #tpu.memory_space<semaphore_mem>>) src(%dma_wait3A_303 : memref<100000x32xf32, #tpu.memory_space<hbm>>) dst(%arg39 : memref<800x32xf32, #tpu.memory_space<vmem>>)
    %add3A_304 = arith.constant 4800 : i32
    %add3A_305 = arith.addi %mul3A_2, %add3A_304 : i32
    %dma_start3A_306 = arith.constant 0 : i32
    %dma_start3A_307 = tpu.memref_slice %arg4[%add3A_305, %dma_start3A_306] : memref<819200x32xf32, #tpu.memory_space<hbm>> -> memref<800x32xf32, #tpu.memory_space<hbm>>
    %dma_start3A_308 = arith.constant 0 : i32
    %dma_start3A_309 = tpu.memref_slice %arg4[%add3A_305, %dma_start3A_308] : memref<819200x32xf32, #tpu.memory_space<hbm>> -> memref<800x32xf32, #tpu.memory_space<hbm>>
    tpu.enqueue_dma source(%arg39 : memref<800x32xf32, #tpu.memory_space<vmem>>) target(%dma_start3A_309 : memref<800x32xf32, #tpu.memory_space<hbm>>) target_semaphore(%arg48 : memref<!tpu.dma_semaphore, #tpu.memory_space<semaphore_mem>>)
    %dma_wait3A_310 = arith.constant 0 : i32
    %dma_wait3A_311 = tpu.memref_slice %arg4[%mul3A_2, %dma_wait3A_310] : memref<819200x32xf32, #tpu.memory_space<hbm>> -> memref<800x32xf32, #tpu.memory_space<hbm>>
    %dma_wait3A_312 = arith.constant 0 : i32
    %dma_wait3A_313 = tpu.memref_slice %arg4[%mul3A_2, %dma_wait3A_312] : memref<819200x32xf32, #tpu.memory_space<hbm>> -> memref<800x32xf32, #tpu.memory_space<hbm>>
    tpu.wait_dma2 semaphore(%arg48 : memref<!tpu.dma_semaphore, #tpu.memory_space<semaphore_mem>>) src(%arg39 : memref<800x32xf32, #tpu.memory_space<vmem>>) dst(%dma_wait3A_313 : memref<800x32xf32, #tpu.memory_space<hbm>>)
    %dma_start3A_314 = arith.constant 0 : i32
    %dma_start3A_315 = arith.constant 0 : i32
    %dma_start3A_316 = tpu.memref_slice %arg2[%dma_start3A_314, %dma_start3A_315] : memref<100000x32xf32, #tpu.memory_space<hbm>> -> memref<100000x32xf32, #tpu.memory_space<hbm>>
    tpu.enqueue_indirect_dma source(%dma_start3A_316 : memref<100000x32xf32, #tpu.memory_space<hbm>>) target(%arg39 : memref<800x32xf32, #tpu.memory_space<vmem>>) offsets(%arg15 : memref<800xi32, #tpu.memory_space<vmem>>) semaphore(%arg44 : memref<!tpu.dma_semaphore, #tpu.memory_space<semaphore_mem>>)
    %dma_wait3A_317 = arith.constant 0 : i32
    %dma_wait3A_318 = arith.constant 0 : i32
    %dma_wait3A_319 = tpu.memref_slice %arg2[%dma_wait3A_317, %dma_wait3A_318] : memref<100000x32xf32, #tpu.memory_space<hbm>> -> memref<100000x32xf32, #tpu.memory_space<hbm>>
    tpu.wait_indirect_dma semaphore(%arg45 : memref<!tpu.dma_semaphore, #tpu.memory_space<semaphore_mem>>) src(%dma_wait3A_319 : memref<100000x32xf32, #tpu.memory_space<hbm>>) dst(%arg40 : memref<800x32xf32, #tpu.memory_space<vmem>>)
    %add3A_320 = arith.constant 5600 : i32
    %add3A_321 = arith.addi %mul3A_2, %add3A_320 : i32
    %dma_start3A_322 = arith.constant 0 : i32
    %dma_start3A_323 = tpu.memref_slice %arg4[%add3A_321, %dma_start3A_322] : memref<819200x32xf32, #tpu.memory_space<hbm>> -> memref<800x32xf32, #tpu.memory_space<hbm>>
    %dma_start3A_324 = arith.constant 0 : i32
    %dma_start3A_325 = tpu.memref_slice %arg4[%add3A_321, %dma_start3A_324] : memref<819200x32xf32, #tpu.memory_space<hbm>> -> memref<800x32xf32, #tpu.memory_space<hbm>>
    tpu.enqueue_dma source(%arg40 : memref<800x32xf32, #tpu.memory_space<vmem>>) target(%dma_start3A_325 : memref<800x32xf32, #tpu.memory_space<hbm>>) target_semaphore(%arg49 : memref<!tpu.dma_semaphore, #tpu.memory_space<semaphore_mem>>)
    %dma_wait3A_326 = arith.constant 0 : i32
    %dma_wait3A_327 = tpu.memref_slice %arg4[%mul3A_2, %dma_wait3A_326] : memref<819200x32xf32, #tpu.memory_space<hbm>> -> memref<800x32xf32, #tpu.memory_space<hbm>>
    %dma_wait3A_328 = arith.constant 0 : i32
    %dma_wait3A_329 = tpu.memref_slice %arg4[%mul3A_2, %dma_wait3A_328] : memref<819200x32xf32, #tpu.memory_space<hbm>> -> memref<800x32xf32, #tpu.memory_space<hbm>>
    tpu.wait_dma2 semaphore(%arg49 : memref<!tpu.dma_semaphore, #tpu.memory_space<semaphore_mem>>) src(%arg40 : memref<800x32xf32, #tpu.memory_space<vmem>>) dst(%dma_wait3A_329 : memref<800x32xf32, #tpu.memory_space<hbm>>)
    %dma_start3A_330 = arith.constant 0 : i32
    %dma_start3A_331 = arith.constant 0 : i32
    %dma_start3A_332 = tpu.memref_slice %arg2[%dma_start3A_330, %dma_start3A_331] : memref<100000x32xf32, #tpu.memory_space<hbm>> -> memref<100000x32xf32, #tpu.memory_space<hbm>>
    tpu.enqueue_indirect_dma source(%dma_start3A_332 : memref<100000x32xf32, #tpu.memory_space<hbm>>) target(%arg40 : memref<800x32xf32, #tpu.memory_space<vmem>>) offsets(%arg16 : memref<800xi32, #tpu.memory_space<vmem>>) semaphore(%arg45 : memref<!tpu.dma_semaphore, #tpu.memory_space<semaphore_mem>>)
    %dma_wait3A_333 = arith.constant 0 : i32
    %dma_wait3A_334 = arith.constant 0 : i32
    %dma_wait3A_335 = tpu.memref_slice %arg2[%dma_wait3A_333, %dma_wait3A_334] : memref<100000x32xf32, #tpu.memory_space<hbm>> -> memref<100000x32xf32, #tpu.memory_space<hbm>>
    tpu.wait_indirect_dma semaphore(%arg42 : memref<!tpu.dma_semaphore, #tpu.memory_space<semaphore_mem>>) src(%dma_wait3A_335 : memref<100000x32xf32, #tpu.memory_space<hbm>>) dst(%arg37 : memref<800x32xf32, #tpu.memory_space<vmem>>)
    %add3A_336 = arith.constant 6400 : i32
    %add3A_337 = arith.addi %mul3A_2, %add3A_336 : i32
    %dma_start3A_338 = arith.constant 0 : i32
    %dma_start3A_339 = tpu.memref_slice %arg4[%add3A_337, %dma_start3A_338] : memref<819200x32xf32, #tpu.memory_space<hbm>> -> memref<800x32xf32, #tpu.memory_space<hbm>>
    %dma_start3A_340 = arith.constant 0 : i32
    %dma_start3A_341 = tpu.memref_slice %arg4[%add3A_337, %dma_start3A_340] : memref<819200x32xf32, #tpu.memory_space<hbm>> -> memref<800x32xf32, #tpu.memory_space<hbm>>
    tpu.enqueue_dma source(%arg37 : memref<800x32xf32, #tpu.memory_space<vmem>>) target(%dma_start3A_341 : memref<800x32xf32, #tpu.memory_space<hbm>>) target_semaphore(%arg46 : memref<!tpu.dma_semaphore, #tpu.memory_space<semaphore_mem>>)
    %dma_wait3A_342 = arith.constant 0 : i32
    %dma_wait3A_343 = tpu.memref_slice %arg4[%mul3A_2, %dma_wait3A_342] : memref<819200x32xf32, #tpu.memory_space<hbm>> -> memref<800x32xf32, #tpu.memory_space<hbm>>
    %dma_wait3A_344 = arith.constant 0 : i32
    %dma_wait3A_345 = tpu.memref_slice %arg4[%mul3A_2, %dma_wait3A_344] : memref<819200x32xf32, #tpu.memory_space<hbm>> -> memref<800x32xf32, #tpu.memory_space<hbm>>
    tpu.wait_dma2 semaphore(%arg46 : memref<!tpu.dma_semaphore, #tpu.memory_space<semaphore_mem>>) src(%arg37 : memref<800x32xf32, #tpu.memory_space<vmem>>) dst(%dma_wait3A_345 : memref<800x32xf32, #tpu.memory_space<hbm>>)
    %dma_start3A_346 = arith.constant 0 : i32
    %dma_start3A_347 = arith.constant 0 : i32
    %dma_start3A_348 = tpu.memref_slice %arg2[%dma_start3A_346, %dma_start3A_347] : memref<100000x32xf32, #tpu.memory_space<hbm>> -> memref<100000x32xf32, #tpu.memory_space<hbm>>
    tpu.enqueue_indirect_dma source(%dma_start3A_348 : memref<100000x32xf32, #tpu.memory_space<hbm>>) target(%arg37 : memref<800x32xf32, #tpu.memory_space<vmem>>) offsets(%arg17 : memref<800xi32, #tpu.memory_space<vmem>>) semaphore(%arg42 : memref<!tpu.dma_semaphore, #tpu.memory_space<semaphore_mem>>)
    %dma_wait3A_349 = arith.constant 0 : i32
    %dma_wait3A_350 = arith.constant 0 : i32
    %dma_wait3A_351 = tpu.memref_slice %arg2[%dma_wait3A_349, %dma_wait3A_350] : memref<100000x32xf32, #tpu.memory_space<hbm>> -> memref<100000x32xf32, #tpu.memory_space<hbm>>
    tpu.wait_indirect_dma semaphore(%arg43 : memref<!tpu.dma_semaphore, #tpu.memory_space<semaphore_mem>>) src(%dma_wait3A_351 : memref<100000x32xf32, #tpu.memory_space<hbm>>) dst(%arg38 : memref<800x32xf32, #tpu.memory_space<vmem>>)
    %add3A_352 = arith.constant 7200 : i32
    %add3A_353 = arith.addi %mul3A_2, %add3A_352 : i32
    %dma_start3A_354 = arith.constant 0 : i32
    %dma_start3A_355 = tpu.memref_slice %arg4[%add3A_353, %dma_start3A_354] : memref<819200x32xf32, #tpu.memory_space<hbm>> -> memref<800x32xf32, #tpu.memory_space<hbm>>
    %dma_start3A_356 = arith.constant 0 : i32
    %dma_start3A_357 = tpu.memref_slice %arg4[%add3A_353, %dma_start3A_356] : memref<819200x32xf32, #tpu.memory_space<hbm>> -> memref<800x32xf32, #tpu.memory_space<hbm>>
    tpu.enqueue_dma source(%arg38 : memref<800x32xf32, #tpu.memory_space<vmem>>) target(%dma_start3A_357 : memref<800x32xf32, #tpu.memory_space<hbm>>) target_semaphore(%arg47 : memref<!tpu.dma_semaphore, #tpu.memory_space<semaphore_mem>>)
    %dma_wait3A_358 = arith.constant 0 : i32
    %dma_wait3A_359 = tpu.memref_slice %arg4[%mul3A_2, %dma_wait3A_358] : memref<819200x32xf32, #tpu.memory_space<hbm>> -> memref<800x32xf32, #tpu.memory_space<hbm>>
    %dma_wait3A_360 = arith.constant 0 : i32
    %dma_wait3A_361 = tpu.memref_slice %arg4[%mul3A_2, %dma_wait3A_360] : memref<819200x32xf32, #tpu.memory_space<hbm>> -> memref<800x32xf32, #tpu.memory_space<hbm>>
    tpu.wait_dma2 semaphore(%arg47 : memref<!tpu.dma_semaphore, #tpu.memory_space<semaphore_mem>>) src(%arg38 : memref<800x32xf32, #tpu.memory_space<vmem>>) dst(%dma_wait3A_361 : memref<800x32xf32, #tpu.memory_space<hbm>>)
    %dma_start3A_362 = arith.constant 0 : i32
    %dma_start3A_363 = arith.constant 0 : i32
    %dma_start3A_364 = tpu.memref_slice %arg2[%dma_start3A_362, %dma_start3A_363] : memref<100000x32xf32, #tpu.memory_space<hbm>> -> memref<100000x32xf32, #tpu.memory_space<hbm>>
    tpu.enqueue_indirect_dma source(%dma_start3A_364 : memref<100000x32xf32, #tpu.memory_space<hbm>>) target(%arg38 : memref<800x32xf32, #tpu.memory_space<vmem>>) offsets(%arg18 : memref<800xi32, #tpu.memory_space<vmem>>) semaphore(%arg43 : memref<!tpu.dma_semaphore, #tpu.memory_space<semaphore_mem>>)
    %dma_wait3A_365 = arith.constant 0 : i32
    %dma_wait3A_366 = arith.constant 0 : i32
    %dma_wait3A_367 = tpu.memref_slice %arg2[%dma_wait3A_365, %dma_wait3A_366] : memref<100000x32xf32, #tpu.memory_space<hbm>> -> memref<100000x32xf32, #tpu.memory_space<hbm>>
    tpu.wait_indirect_dma semaphore(%arg44 : memref<!tpu.dma_semaphore, #tpu.memory_space<semaphore_mem>>) src(%dma_wait3A_367 : memref<100000x32xf32, #tpu.memory_space<hbm>>) dst(%arg39 : memref<800x32xf32, #tpu.memory_space<vmem>>)
    %add3A_368 = arith.constant 8000 : i32
    %add3A_369 = arith.addi %mul3A_2, %add3A_368 : i32
    %dma_start3A_370 = arith.constant 0 : i32
    %dma_start3A_371 = tpu.memref_slice %arg4[%add3A_369, %dma_start3A_370] : memref<819200x32xf32, #tpu.memory_space<hbm>> -> memref<800x32xf32, #tpu.memory_space<hbm>>
    %dma_start3A_372 = arith.constant 0 : i32
    %dma_start3A_373 = tpu.memref_slice %arg4[%add3A_369, %dma_start3A_372] : memref<819200x32xf32, #tpu.memory_space<hbm>> -> memref<800x32xf32, #tpu.memory_space<hbm>>
    tpu.enqueue_dma source(%arg39 : memref<800x32xf32, #tpu.memory_space<vmem>>) target(%dma_start3A_373 : memref<800x32xf32, #tpu.memory_space<hbm>>) target_semaphore(%arg48 : memref<!tpu.dma_semaphore, #tpu.memory_space<semaphore_mem>>)
    %dma_wait3A_374 = arith.constant 0 : i32
    %dma_wait3A_375 = tpu.memref_slice %arg4[%mul3A_2, %dma_wait3A_374] : memref<819200x32xf32, #tpu.memory_space<hbm>> -> memref<800x32xf32, #tpu.memory_space<hbm>>
    %dma_wait3A_376 = arith.constant 0 : i32
    %dma_wait3A_377 = tpu.memref_slice %arg4[%mul3A_2, %dma_wait3A_376] : memref<819200x32xf32, #tpu.memory_space<hbm>> -> memref<800x32xf32, #tpu.memory_space<hbm>>
    tpu.wait_dma2 semaphore(%arg48 : memref<!tpu.dma_semaphore, #tpu.memory_space<semaphore_mem>>) src(%arg39 : memref<800x32xf32, #tpu.memory_space<vmem>>) dst(%dma_wait3A_377 : memref<800x32xf32, #tpu.memory_space<hbm>>)
    %dma_start3A_378 = arith.constant 0 : i32
    %dma_start3A_379 = arith.constant 0 : i32
    %dma_start3A_380 = tpu.memref_slice %arg2[%dma_start3A_378, %dma_start3A_379] : memref<100000x32xf32, #tpu.memory_space<hbm>> -> memref<100000x32xf32, #tpu.memory_space<hbm>>
    tpu.enqueue_indirect_dma source(%dma_start3A_380 : memref<100000x32xf32, #tpu.memory_space<hbm>>) target(%arg39 : memref<800x32xf32, #tpu.memory_space<vmem>>) offsets(%arg19 : memref<800xi32, #tpu.memory_space<vmem>>) semaphore(%arg44 : memref<!tpu.dma_semaphore, #tpu.memory_space<semaphore_mem>>)
    %dma_wait3A_381 = arith.constant 0 : i32
    %dma_wait3A_382 = arith.constant 0 : i32
    %dma_wait3A_383 = tpu.memref_slice %arg2[%dma_wait3A_381, %dma_wait3A_382] : memref<100000x32xf32, #tpu.memory_space<hbm>> -> memref<100000x32xf32, #tpu.memory_space<hbm>>
    tpu.wait_indirect_dma semaphore(%arg45 : memref<!tpu.dma_semaphore, #tpu.memory_space<semaphore_mem>>) src(%dma_wait3A_383 : memref<100000x32xf32, #tpu.memory_space<hbm>>) dst(%arg40 : memref<800x32xf32, #tpu.memory_space<vmem>>)
    %add3A_384 = arith.constant 8800 : i32
    %add3A_385 = arith.addi %mul3A_2, %add3A_384 : i32
    %dma_start3A_386 = arith.constant 0 : i32
    %dma_start3A_387 = tpu.memref_slice %arg4[%add3A_385, %dma_start3A_386] : memref<819200x32xf32, #tpu.memory_space<hbm>> -> memref<800x32xf32, #tpu.memory_space<hbm>>
    %dma_start3A_388 = arith.constant 0 : i32
    %dma_start3A_389 = tpu.memref_slice %arg4[%add3A_385, %dma_start3A_388] : memref<819200x32xf32, #tpu.memory_space<hbm>> -> memref<800x32xf32, #tpu.memory_space<hbm>>
    tpu.enqueue_dma source(%arg40 : memref<800x32xf32, #tpu.memory_space<vmem>>) target(%dma_start3A_389 : memref<800x32xf32, #tpu.memory_space<hbm>>) target_semaphore(%arg49 : memref<!tpu.dma_semaphore, #tpu.memory_space<semaphore_mem>>)
    %dma_wait3A_390 = arith.constant 0 : i32
    %dma_wait3A_391 = tpu.memref_slice %arg4[%mul3A_2, %dma_wait3A_390] : memref<819200x32xf32, #tpu.memory_space<hbm>> -> memref<800x32xf32, #tpu.memory_space<hbm>>
    %dma_wait3A_392 = arith.constant 0 : i32
    %dma_wait3A_393 = tpu.memref_slice %arg4[%mul3A_2, %dma_wait3A_392] : memref<819200x32xf32, #tpu.memory_space<hbm>> -> memref<800x32xf32, #tpu.memory_space<hbm>>
    tpu.wait_dma2 semaphore(%arg49 : memref<!tpu.dma_semaphore, #tpu.memory_space<semaphore_mem>>) src(%arg40 : memref<800x32xf32, #tpu.memory_space<vmem>>) dst(%dma_wait3A_393 : memref<800x32xf32, #tpu.memory_space<hbm>>)
    %dma_start3A_394 = arith.constant 0 : i32
    %dma_start3A_395 = arith.constant 0 : i32
    %dma_start3A_396 = tpu.memref_slice %arg2[%dma_start3A_394, %dma_start3A_395] : memref<100000x32xf32, #tpu.memory_space<hbm>> -> memref<100000x32xf32, #tpu.memory_space<hbm>>
    tpu.enqueue_indirect_dma source(%dma_start3A_396 : memref<100000x32xf32, #tpu.memory_space<hbm>>) target(%arg40 : memref<800x32xf32, #tpu.memory_space<vmem>>) offsets(%arg20 : memref<800xi32, #tpu.memory_space<vmem>>) semaphore(%arg45 : memref<!tpu.dma_semaphore, #tpu.memory_space<semaphore_mem>>)
    %dma_wait3A_397 = arith.constant 0 : i32
    %dma_wait3A_398 = arith.constant 0 : i32
    %dma_wait3A_399 = tpu.memref_slice %arg2[%dma_wait3A_397, %dma_wait3A_398] : memref<100000x32xf32, #tpu.memory_space<hbm>> -> memref<100000x32xf32, #tpu.memory_space<hbm>>
    tpu.wait_indirect_dma semaphore(%arg42 : memref<!tpu.dma_semaphore, #tpu.memory_space<semaphore_mem>>) src(%dma_wait3A_399 : memref<100000x32xf32, #tpu.memory_space<hbm>>) dst(%arg37 : memref<800x32xf32, #tpu.memory_space<vmem>>)
    %add3A_400 = arith.constant 9600 : i32
    %add3A_401 = arith.addi %mul3A_2, %add3A_400 : i32
    %dma_start3A_402 = arith.constant 0 : i32
    %dma_start3A_403 = tpu.memref_slice %arg4[%add3A_401, %dma_start3A_402] : memref<819200x32xf32, #tpu.memory_space<hbm>> -> memref<800x32xf32, #tpu.memory_space<hbm>>
    %dma_start3A_404 = arith.constant 0 : i32
    %dma_start3A_405 = tpu.memref_slice %arg4[%add3A_401, %dma_start3A_404] : memref<819200x32xf32, #tpu.memory_space<hbm>> -> memref<800x32xf32, #tpu.memory_space<hbm>>
    tpu.enqueue_dma source(%arg37 : memref<800x32xf32, #tpu.memory_space<vmem>>) target(%dma_start3A_405 : memref<800x32xf32, #tpu.memory_space<hbm>>) target_semaphore(%arg46 : memref<!tpu.dma_semaphore, #tpu.memory_space<semaphore_mem>>)
    %dma_wait3A_406 = arith.constant 0 : i32
    %dma_wait3A_407 = tpu.memref_slice %arg4[%mul3A_2, %dma_wait3A_406] : memref<819200x32xf32, #tpu.memory_space<hbm>> -> memref<800x32xf32, #tpu.memory_space<hbm>>
    %dma_wait3A_408 = arith.constant 0 : i32
    %dma_wait3A_409 = tpu.memref_slice %arg4[%mul3A_2, %dma_wait3A_408] : memref<819200x32xf32, #tpu.memory_space<hbm>> -> memref<800x32xf32, #tpu.memory_space<hbm>>
    tpu.wait_dma2 semaphore(%arg46 : memref<!tpu.dma_semaphore, #tpu.memory_space<semaphore_mem>>) src(%arg37 : memref<800x32xf32, #tpu.memory_space<vmem>>) dst(%dma_wait3A_409 : memref<800x32xf32, #tpu.memory_space<hbm>>)
    %dma_start3A_410 = arith.constant 0 : i32
    %dma_start3A_411 = arith.constant 0 : i32
    %dma_start3A_412 = tpu.memref_slice %arg2[%dma_start3A_410, %dma_start3A_411] : memref<100000x32xf32, #tpu.memory_space<hbm>> -> memref<100000x32xf32, #tpu.memory_space<hbm>>
    tpu.enqueue_indirect_dma source(%dma_start3A_412 : memref<100000x32xf32, #tpu.memory_space<hbm>>) target(%arg37 : memref<800x32xf32, #tpu.memory_space<vmem>>) offsets(%arg21 : memref<800xi32, #tpu.memory_space<vmem>>) semaphore(%arg42 : memref<!tpu.dma_semaphore, #tpu.memory_space<semaphore_mem>>)
    %dma_wait3A_413 = arith.constant 0 : i32
    %dma_wait3A_414 = arith.constant 0 : i32
    %dma_wait3A_415 = tpu.memref_slice %arg2[%dma_wait3A_413, %dma_wait3A_414] : memref<100000x32xf32, #tpu.memory_space<hbm>> -> memref<100000x32xf32, #tpu.memory_space<hbm>>
    tpu.wait_indirect_dma semaphore(%arg43 : memref<!tpu.dma_semaphore, #tpu.memory_space<semaphore_mem>>) src(%dma_wait3A_415 : memref<100000x32xf32, #tpu.memory_space<hbm>>) dst(%arg38 : memref<800x32xf32, #tpu.memory_space<vmem>>)
    %add3A_416 = arith.constant 10400 : i32
    %add3A_417 = arith.addi %mul3A_2, %add3A_416 : i32
    %dma_start3A_418 = arith.constant 0 : i32
    %dma_start3A_419 = tpu.memref_slice %arg4[%add3A_417, %dma_start3A_418] : memref<819200x32xf32, #tpu.memory_space<hbm>> -> memref<800x32xf32, #tpu.memory_space<hbm>>
    %dma_start3A_420 = arith.constant 0 : i32
    %dma_start3A_421 = tpu.memref_slice %arg4[%add3A_417, %dma_start3A_420] : memref<819200x32xf32, #tpu.memory_space<hbm>> -> memref<800x32xf32, #tpu.memory_space<hbm>>
    tpu.enqueue_dma source(%arg38 : memref<800x32xf32, #tpu.memory_space<vmem>>) target(%dma_start3A_421 : memref<800x32xf32, #tpu.memory_space<hbm>>) target_semaphore(%arg47 : memref<!tpu.dma_semaphore, #tpu.memory_space<semaphore_mem>>)
    %dma_wait3A_422 = arith.constant 0 : i32
    %dma_wait3A_423 = tpu.memref_slice %arg4[%mul3A_2, %dma_wait3A_422] : memref<819200x32xf32, #tpu.memory_space<hbm>> -> memref<800x32xf32, #tpu.memory_space<hbm>>
    %dma_wait3A_424 = arith.constant 0 : i32
    %dma_wait3A_425 = tpu.memref_slice %arg4[%mul3A_2, %dma_wait3A_424] : memref<819200x32xf32, #tpu.memory_space<hbm>> -> memref<800x32xf32, #tpu.memory_space<hbm>>
    tpu.wait_dma2 semaphore(%arg47 : memref<!tpu.dma_semaphore, #tpu.memory_space<semaphore_mem>>) src(%arg38 : memref<800x32xf32, #tpu.memory_space<vmem>>) dst(%dma_wait3A_425 : memref<800x32xf32, #tpu.memory_space<hbm>>)
    %dma_start3A_426 = arith.constant 0 : i32
    %dma_start3A_427 = arith.constant 0 : i32
    %dma_start3A_428 = tpu.memref_slice %arg2[%dma_start3A_426, %dma_start3A_427] : memref<100000x32xf32, #tpu.memory_space<hbm>> -> memref<100000x32xf32, #tpu.memory_space<hbm>>
    tpu.enqueue_indirect_dma source(%dma_start3A_428 : memref<100000x32xf32, #tpu.memory_space<hbm>>) target(%arg38 : memref<800x32xf32, #tpu.memory_space<vmem>>) offsets(%arg22 : memref<800xi32, #tpu.memory_space<vmem>>) semaphore(%arg43 : memref<!tpu.dma_semaphore, #tpu.memory_space<semaphore_mem>>)
    %dma_wait3A_429 = arith.constant 0 : i32
    %dma_wait3A_430 = arith.constant 0 : i32
    %dma_wait3A_431 = tpu.memref_slice %arg2[%dma_wait3A_429, %dma_wait3A_430] : memref<100000x32xf32, #tpu.memory_space<hbm>> -> memref<100000x32xf32, #tpu.memory_space<hbm>>
    tpu.wait_indirect_dma semaphore(%arg44 : memref<!tpu.dma_semaphore, #tpu.memory_space<semaphore_mem>>) src(%dma_wait3A_431 : memref<100000x32xf32, #tpu.memory_space<hbm>>) dst(%arg39 : memref<800x32xf32, #tpu.memory_space<vmem>>)
    %add3A_432 = arith.constant 11200 : i32
    %add3A_433 = arith.addi %mul3A_2, %add3A_432 : i32
    %dma_start3A_434 = arith.constant 0 : i32
    %dma_start3A_435 = tpu.memref_slice %arg4[%add3A_433, %dma_start3A_434] : memref<819200x32xf32, #tpu.memory_space<hbm>> -> memref<800x32xf32, #tpu.memory_space<hbm>>
    %dma_start3A_436 = arith.constant 0 : i32
    %dma_start3A_437 = tpu.memref_slice %arg4[%add3A_433, %dma_start3A_436] : memref<819200x32xf32, #tpu.memory_space<hbm>> -> memref<800x32xf32, #tpu.memory_space<hbm>>
    tpu.enqueue_dma source(%arg39 : memref<800x32xf32, #tpu.memory_space<vmem>>) target(%dma_start3A_437 : memref<800x32xf32, #tpu.memory_space<hbm>>) target_semaphore(%arg48 : memref<!tpu.dma_semaphore, #tpu.memory_space<semaphore_mem>>)
    %dma_wait3A_438 = arith.constant 0 : i32
    %dma_wait3A_439 = tpu.memref_slice %arg4[%mul3A_2, %dma_wait3A_438] : memref<819200x32xf32, #tpu.memory_space<hbm>> -> memref<800x32xf32, #tpu.memory_space<hbm>>
    %dma_wait3A_440 = arith.constant 0 : i32
    %dma_wait3A_441 = tpu.memref_slice %arg4[%mul3A_2, %dma_wait3A_440] : memref<819200x32xf32, #tpu.memory_space<hbm>> -> memref<800x32xf32, #tpu.memory_space<hbm>>
    tpu.wait_dma2 semaphore(%arg48 : memref<!tpu.dma_semaphore, #tpu.memory_space<semaphore_mem>>) src(%arg39 : memref<800x32xf32, #tpu.memory_space<vmem>>) dst(%dma_wait3A_441 : memref<800x32xf32, #tpu.memory_space<hbm>>)
    %dma_start3A_442 = arith.constant 0 : i32
    %dma_start3A_443 = arith.constant 0 : i32
    %dma_start3A_444 = tpu.memref_slice %arg2[%dma_start3A_442, %dma_start3A_443] : memref<100000x32xf32, #tpu.memory_space<hbm>> -> memref<100000x32xf32, #tpu.memory_space<hbm>>
    tpu.enqueue_indirect_dma source(%dma_start3A_444 : memref<100000x32xf32, #tpu.memory_space<hbm>>) target(%arg39 : memref<800x32xf32, #tpu.memory_space<vmem>>) offsets(%arg23 : memref<800xi32, #tpu.memory_space<vmem>>) semaphore(%arg44 : memref<!tpu.dma_semaphore, #tpu.memory_space<semaphore_mem>>)
    %dma_wait3A_445 = arith.constant 0 : i32
    %dma_wait3A_446 = arith.constant 0 : i32
    %dma_wait3A_447 = tpu.memref_slice %arg2[%dma_wait3A_445, %dma_wait3A_446] : memref<100000x32xf32, #tpu.memory_space<hbm>> -> memref<100000x32xf32, #tpu.memory_space<hbm>>
    tpu.wait_indirect_dma semaphore(%arg45 : memref<!tpu.dma_semaphore, #tpu.memory_space<semaphore_mem>>) src(%dma_wait3A_447 : memref<100000x32xf32, #tpu.memory_space<hbm>>) dst(%arg40 : memref<800x32xf32, #tpu.memory_space<vmem>>)
    %add3A_448 = arith.constant 12000 : i32
    %add3A_449 = arith.addi %mul3A_2, %add3A_448 : i32
    %dma_start3A_450 = arith.constant 0 : i32
    %dma_start3A_451 = tpu.memref_slice %arg4[%add3A_449, %dma_start3A_450] : memref<819200x32xf32, #tpu.memory_space<hbm>> -> memref<800x32xf32, #tpu.memory_space<hbm>>
    %dma_start3A_452 = arith.constant 0 : i32
    %dma_start3A_453 = tpu.memref_slice %arg4[%add3A_449, %dma_start3A_452] : memref<819200x32xf32, #tpu.memory_space<hbm>> -> memref<800x32xf32, #tpu.memory_space<hbm>>
    tpu.enqueue_dma source(%arg40 : memref<800x32xf32, #tpu.memory_space<vmem>>) target(%dma_start3A_453 : memref<800x32xf32, #tpu.memory_space<hbm>>) target_semaphore(%arg49 : memref<!tpu.dma_semaphore, #tpu.memory_space<semaphore_mem>>)
    %dma_wait3A_454 = arith.constant 0 : i32
    %dma_wait3A_455 = tpu.memref_slice %arg4[%mul3A_2, %dma_wait3A_454] : memref<819200x32xf32, #tpu.memory_space<hbm>> -> memref<800x32xf32, #tpu.memory_space<hbm>>
    %dma_wait3A_456 = arith.constant 0 : i32
    %dma_wait3A_457 = tpu.memref_slice %arg4[%mul3A_2, %dma_wait3A_456] : memref<819200x32xf32, #tpu.memory_space<hbm>> -> memref<800x32xf32, #tpu.memory_space<hbm>>
    tpu.wait_dma2 semaphore(%arg49 : memref<!tpu.dma_semaphore, #tpu.memory_space<semaphore_mem>>) src(%arg40 : memref<800x32xf32, #tpu.memory_space<vmem>>) dst(%dma_wait3A_457 : memref<800x32xf32, #tpu.memory_space<hbm>>)
    %dma_start3A_458 = arith.constant 0 : i32
    %dma_start3A_459 = arith.constant 0 : i32
    %dma_start3A_460 = tpu.memref_slice %arg2[%dma_start3A_458, %dma_start3A_459] : memref<100000x32xf32, #tpu.memory_space<hbm>> -> memref<100000x32xf32, #tpu.memory_space<hbm>>
    tpu.enqueue_indirect_dma source(%dma_start3A_460 : memref<100000x32xf32, #tpu.memory_space<hbm>>) target(%arg40 : memref<800x32xf32, #tpu.memory_space<vmem>>) offsets(%arg24 : memref<800xi32, #tpu.memory_space<vmem>>) semaphore(%arg45 : memref<!tpu.dma_semaphore, #tpu.memory_space<semaphore_mem>>)
    %dma_wait3A_461 = arith.constant 0 : i32
    %dma_wait3A_462 = arith.constant 0 : i32
    %dma_wait3A_463 = tpu.memref_slice %arg2[%dma_wait3A_461, %dma_wait3A_462] : memref<100000x32xf32, #tpu.memory_space<hbm>> -> memref<100000x32xf32, #tpu.memory_space<hbm>>
    tpu.wait_indirect_dma semaphore(%arg42 : memref<!tpu.dma_semaphore, #tpu.memory_space<semaphore_mem>>) src(%dma_wait3A_463 : memref<100000x32xf32, #tpu.memory_space<hbm>>) dst(%arg37 : memref<800x32xf32, #tpu.memory_space<vmem>>)
    %add3A_464 = arith.constant 12800 : i32
    %add3A_465 = arith.addi %mul3A_2, %add3A_464 : i32
    %dma_start3A_466 = arith.constant 0 : i32
    %dma_start3A_467 = tpu.memref_slice %arg4[%add3A_465, %dma_start3A_466] : memref<819200x32xf32, #tpu.memory_space<hbm>> -> memref<800x32xf32, #tpu.memory_space<hbm>>
    %dma_start3A_468 = arith.constant 0 : i32
    %dma_start3A_469 = tpu.memref_slice %arg4[%add3A_465, %dma_start3A_468] : memref<819200x32xf32, #tpu.memory_space<hbm>> -> memref<800x32xf32, #tpu.memory_space<hbm>>
    tpu.enqueue_dma source(%arg37 : memref<800x32xf32, #tpu.memory_space<vmem>>) target(%dma_start3A_469 : memref<800x32xf32, #tpu.memory_space<hbm>>) target_semaphore(%arg46 : memref<!tpu.dma_semaphore, #tpu.memory_space<semaphore_mem>>)
    %dma_wait3A_470 = arith.constant 0 : i32
    %dma_wait3A_471 = tpu.memref_slice %arg4[%mul3A_2, %dma_wait3A_470] : memref<819200x32xf32, #tpu.memory_space<hbm>> -> memref<800x32xf32, #tpu.memory_space<hbm>>
    %dma_wait3A_472 = arith.constant 0 : i32
    %dma_wait3A_473 = tpu.memref_slice %arg4[%mul3A_2, %dma_wait3A_472] : memref<819200x32xf32, #tpu.memory_space<hbm>> -> memref<800x32xf32, #tpu.memory_space<hbm>>
    tpu.wait_dma2 semaphore(%arg46 : memref<!tpu.dma_semaphore, #tpu.memory_space<semaphore_mem>>) src(%arg37 : memref<800x32xf32, #tpu.memory_space<vmem>>) dst(%dma_wait3A_473 : memref<800x32xf32, #tpu.memory_space<hbm>>)
    %dma_start3A_474 = arith.constant 0 : i32
    %dma_start3A_475 = arith.constant 0 : i32
    %dma_start3A_476 = tpu.memref_slice %arg2[%dma_start3A_474, %dma_start3A_475] : memref<100000x32xf32, #tpu.memory_space<hbm>> -> memref<100000x32xf32, #tpu.memory_space<hbm>>
    tpu.enqueue_indirect_dma source(%dma_start3A_476 : memref<100000x32xf32, #tpu.memory_space<hbm>>) target(%arg37 : memref<800x32xf32, #tpu.memory_space<vmem>>) offsets(%arg25 : memref<800xi32, #tpu.memory_space<vmem>>) semaphore(%arg42 : memref<!tpu.dma_semaphore, #tpu.memory_space<semaphore_mem>>)
    %dma_wait3A_477 = arith.constant 0 : i32
    %dma_wait3A_478 = arith.constant 0 : i32
    %dma_wait3A_479 = tpu.memref_slice %arg2[%dma_wait3A_477, %dma_wait3A_478] : memref<100000x32xf32, #tpu.memory_space<hbm>> -> memref<100000x32xf32, #tpu.memory_space<hbm>>
    tpu.wait_indirect_dma semaphore(%arg43 : memref<!tpu.dma_semaphore, #tpu.memory_space<semaphore_mem>>) src(%dma_wait3A_479 : memref<100000x32xf32, #tpu.memory_space<hbm>>) dst(%arg38 : memref<800x32xf32, #tpu.memory_space<vmem>>)
    %add3A_480 = arith.constant 13600 : i32
    %add3A_481 = arith.addi %mul3A_2, %add3A_480 : i32
    %dma_start3A_482 = arith.constant 0 : i32
    %dma_start3A_483 = tpu.memref_slice %arg4[%add3A_481, %dma_start3A_482] : memref<819200x32xf32, #tpu.memory_space<hbm>> -> memref<800x32xf32, #tpu.memory_space<hbm>>
    %dma_start3A_484 = arith.constant 0 : i32
    %dma_start3A_485 = tpu.memref_slice %arg4[%add3A_481, %dma_start3A_484] : memref<819200x32xf32, #tpu.memory_space<hbm>> -> memref<800x32xf32, #tpu.memory_space<hbm>>
    tpu.enqueue_dma source(%arg38 : memref<800x32xf32, #tpu.memory_space<vmem>>) target(%dma_start3A_485 : memref<800x32xf32, #tpu.memory_space<hbm>>) target_semaphore(%arg47 : memref<!tpu.dma_semaphore, #tpu.memory_space<semaphore_mem>>)
    %dma_wait3A_486 = arith.constant 0 : i32
    %dma_wait3A_487 = tpu.memref_slice %arg4[%mul3A_2, %dma_wait3A_486] : memref<819200x32xf32, #tpu.memory_space<hbm>> -> memref<800x32xf32, #tpu.memory_space<hbm>>
    %dma_wait3A_488 = arith.constant 0 : i32
    %dma_wait3A_489 = tpu.memref_slice %arg4[%mul3A_2, %dma_wait3A_488] : memref<819200x32xf32, #tpu.memory_space<hbm>> -> memref<800x32xf32, #tpu.memory_space<hbm>>
    tpu.wait_dma2 semaphore(%arg47 : memref<!tpu.dma_semaphore, #tpu.memory_space<semaphore_mem>>) src(%arg38 : memref<800x32xf32, #tpu.memory_space<vmem>>) dst(%dma_wait3A_489 : memref<800x32xf32, #tpu.memory_space<hbm>>)
    %dma_start3A_490 = arith.constant 0 : i32
    %dma_start3A_491 = arith.constant 0 : i32
    %dma_start3A_492 = tpu.memref_slice %arg2[%dma_start3A_490, %dma_start3A_491] : memref<100000x32xf32, #tpu.memory_space<hbm>> -> memref<100000x32xf32, #tpu.memory_space<hbm>>
    tpu.enqueue_indirect_dma source(%dma_start3A_492 : memref<100000x32xf32, #tpu.memory_space<hbm>>) target(%arg38 : memref<800x32xf32, #tpu.memory_space<vmem>>) offsets(%arg26 : memref<800xi32, #tpu.memory_space<vmem>>) semaphore(%arg43 : memref<!tpu.dma_semaphore, #tpu.memory_space<semaphore_mem>>)
    %dma_wait3A_493 = arith.constant 0 : i32
    %dma_wait3A_494 = arith.constant 0 : i32
    %dma_wait3A_495 = tpu.memref_slice %arg2[%dma_wait3A_493, %dma_wait3A_494] : memref<100000x32xf32, #tpu.memory_space<hbm>> -> memref<100000x32xf32, #tpu.memory_space<hbm>>
    tpu.wait_indirect_dma semaphore(%arg44 : memref<!tpu.dma_semaphore, #tpu.memory_space<semaphore_mem>>) src(%dma_wait3A_495 : memref<100000x32xf32, #tpu.memory_space<hbm>>) dst(%arg39 : memref<800x32xf32, #tpu.memory_space<vmem>>)
    %add3A_496 = arith.constant 14400 : i32
    %add3A_497 = arith.addi %mul3A_2, %add3A_496 : i32
    %dma_start3A_498 = arith.constant 0 : i32
    %dma_start3A_499 = tpu.memref_slice %arg4[%add3A_497, %dma_start3A_498] : memref<819200x32xf32, #tpu.memory_space<hbm>> -> memref<800x32xf32, #tpu.memory_space<hbm>>
    %dma_start3A_500 = arith.constant 0 : i32
    %dma_start3A_501 = tpu.memref_slice %arg4[%add3A_497, %dma_start3A_500] : memref<819200x32xf32, #tpu.memory_space<hbm>> -> memref<800x32xf32, #tpu.memory_space<hbm>>
    tpu.enqueue_dma source(%arg39 : memref<800x32xf32, #tpu.memory_space<vmem>>) target(%dma_start3A_501 : memref<800x32xf32, #tpu.memory_space<hbm>>) target_semaphore(%arg48 : memref<!tpu.dma_semaphore, #tpu.memory_space<semaphore_mem>>)
    %dma_wait3A_502 = arith.constant 0 : i32
    %dma_wait3A_503 = tpu.memref_slice %arg4[%mul3A_2, %dma_wait3A_502] : memref<819200x32xf32, #tpu.memory_space<hbm>> -> memref<800x32xf32, #tpu.memory_space<hbm>>
    %dma_wait3A_504 = arith.constant 0 : i32
    %dma_wait3A_505 = tpu.memref_slice %arg4[%mul3A_2, %dma_wait3A_504] : memref<819200x32xf32, #tpu.memory_space<hbm>> -> memref<800x32xf32, #tpu.memory_space<hbm>>
    tpu.wait_dma2 semaphore(%arg48 : memref<!tpu.dma_semaphore, #tpu.memory_space<semaphore_mem>>) src(%arg39 : memref<800x32xf32, #tpu.memory_space<vmem>>) dst(%dma_wait3A_505 : memref<800x32xf32, #tpu.memory_space<hbm>>)
    %dma_start3A_506 = arith.constant 0 : i32
    %dma_start3A_507 = arith.constant 0 : i32
    %dma_start3A_508 = tpu.memref_slice %arg2[%dma_start3A_506, %dma_start3A_507] : memref<100000x32xf32, #tpu.memory_space<hbm>> -> memref<100000x32xf32, #tpu.memory_space<hbm>>
    tpu.enqueue_indirect_dma source(%dma_start3A_508 : memref<100000x32xf32, #tpu.memory_space<hbm>>) target(%arg39 : memref<800x32xf32, #tpu.memory_space<vmem>>) offsets(%arg27 : memref<800xi32, #tpu.memory_space<vmem>>) semaphore(%arg44 : memref<!tpu.dma_semaphore, #tpu.memory_space<semaphore_mem>>)
    %dma_wait3A_509 = arith.constant 0 : i32
    %dma_wait3A_510 = arith.constant 0 : i32
    %dma_wait3A_511 = tpu.memref_slice %arg2[%dma_wait3A_509, %dma_wait3A_510] : memref<100000x32xf32, #tpu.memory_space<hbm>> -> memref<100000x32xf32, #tpu.memory_space<hbm>>
    tpu.wait_indirect_dma semaphore(%arg45 : memref<!tpu.dma_semaphore, #tpu.memory_space<semaphore_mem>>) src(%dma_wait3A_511 : memref<100000x32xf32, #tpu.memory_space<hbm>>) dst(%arg40 : memref<800x32xf32, #tpu.memory_space<vmem>>)
    %add3A_512 = arith.constant 15200 : i32
    %add3A_513 = arith.addi %mul3A_2, %add3A_512 : i32
    %dma_start3A_514 = arith.constant 0 : i32
    %dma_start3A_515 = tpu.memref_slice %arg4[%add3A_513, %dma_start3A_514] : memref<819200x32xf32, #tpu.memory_space<hbm>> -> memref<800x32xf32, #tpu.memory_space<hbm>>
    %dma_start3A_516 = arith.constant 0 : i32
    %dma_start3A_517 = tpu.memref_slice %arg4[%add3A_513, %dma_start3A_516] : memref<819200x32xf32, #tpu.memory_space<hbm>> -> memref<800x32xf32, #tpu.memory_space<hbm>>
    tpu.enqueue_dma source(%arg40 : memref<800x32xf32, #tpu.memory_space<vmem>>) target(%dma_start3A_517 : memref<800x32xf32, #tpu.memory_space<hbm>>) target_semaphore(%arg49 : memref<!tpu.dma_semaphore, #tpu.memory_space<semaphore_mem>>)
    %dma_wait3A_518 = arith.constant 0 : i32
    %dma_wait3A_519 = tpu.memref_slice %arg4[%mul3A_2, %dma_wait3A_518] : memref<819200x32xf32, #tpu.memory_space<hbm>> -> memref<800x32xf32, #tpu.memory_space<hbm>>
    %dma_wait3A_520 = arith.constant 0 : i32
    %dma_wait3A_521 = tpu.memref_slice %arg4[%mul3A_2, %dma_wait3A_520] : memref<819200x32xf32, #tpu.memory_space<hbm>> -> memref<800x32xf32, #tpu.memory_space<hbm>>
    tpu.wait_dma2 semaphore(%arg49 : memref<!tpu.dma_semaphore, #tpu.memory_space<semaphore_mem>>) src(%arg40 : memref<800x32xf32, #tpu.memory_space<vmem>>) dst(%dma_wait3A_521 : memref<800x32xf32, #tpu.memory_space<hbm>>)
    %dma_start3A_522 = arith.constant 0 : i32
    %dma_start3A_523 = arith.constant 0 : i32
    %dma_start3A_524 = tpu.memref_slice %arg2[%dma_start3A_522, %dma_start3A_523] : memref<100000x32xf32, #tpu.memory_space<hbm>> -> memref<100000x32xf32, #tpu.memory_space<hbm>>
    tpu.enqueue_indirect_dma source(%dma_start3A_524 : memref<100000x32xf32, #tpu.memory_space<hbm>>) target(%arg40 : memref<800x32xf32, #tpu.memory_space<vmem>>) offsets(%arg28 : memref<800xi32, #tpu.memory_space<vmem>>) semaphore(%arg45 : memref<!tpu.dma_semaphore, #tpu.memory_space<semaphore_mem>>)
    %dma_wait3A_525 = arith.constant 0 : i32
    %dma_wait3A_526 = arith.constant 0 : i32
    %dma_wait3A_527 = tpu.memref_slice %arg2[%dma_wait3A_525, %dma_wait3A_526] : memref<100000x32xf32, #tpu.memory_space<hbm>> -> memref<100000x32xf32, #tpu.memory_space<hbm>>
    tpu.wait_indirect_dma semaphore(%arg42 : memref<!tpu.dma_semaphore, #tpu.memory_space<semaphore_mem>>) src(%dma_wait3A_527 : memref<100000x32xf32, #tpu.memory_space<hbm>>) dst(%arg37 : memref<800x32xf32, #tpu.memory_space<vmem>>)
    %add3A_528 = arith.constant 16000 : i32
    %add3A_529 = arith.addi %mul3A_2, %add3A_528 : i32
    %dma_start3A_530 = arith.constant 0 : i32
    %dma_start3A_531 = tpu.memref_slice %arg4[%add3A_529, %dma_start3A_530] : memref<819200x32xf32, #tpu.memory_space<hbm>> -> memref<800x32xf32, #tpu.memory_space<hbm>>
    %dma_start3A_532 = arith.constant 0 : i32
    %dma_start3A_533 = tpu.memref_slice %arg4[%add3A_529, %dma_start3A_532] : memref<819200x32xf32, #tpu.memory_space<hbm>> -> memref<800x32xf32, #tpu.memory_space<hbm>>
    tpu.enqueue_dma source(%arg37 : memref<800x32xf32, #tpu.memory_space<vmem>>) target(%dma_start3A_533 : memref<800x32xf32, #tpu.memory_space<hbm>>) target_semaphore(%arg46 : memref<!tpu.dma_semaphore, #tpu.memory_space<semaphore_mem>>)
    %dma_wait3A_534 = arith.constant 0 : i32
    %dma_wait3A_535 = tpu.memref_slice %arg4[%mul3A_2, %dma_wait3A_534] : memref<819200x32xf32, #tpu.memory_space<hbm>> -> memref<800x32xf32, #tpu.memory_space<hbm>>
    %dma_wait3A_536 = arith.constant 0 : i32
    %dma_wait3A_537 = tpu.memref_slice %arg4[%mul3A_2, %dma_wait3A_536] : memref<819200x32xf32, #tpu.memory_space<hbm>> -> memref<800x32xf32, #tpu.memory_space<hbm>>
    tpu.wait_dma2 semaphore(%arg46 : memref<!tpu.dma_semaphore, #tpu.memory_space<semaphore_mem>>) src(%arg37 : memref<800x32xf32, #tpu.memory_space<vmem>>) dst(%dma_wait3A_537 : memref<800x32xf32, #tpu.memory_space<hbm>>)
    %dma_start3A_538 = arith.constant 0 : i32
    %dma_start3A_539 = arith.constant 0 : i32
    %dma_start3A_540 = tpu.memref_slice %arg2[%dma_start3A_538, %dma_start3A_539] : memref<100000x32xf32, #tpu.memory_space<hbm>> -> memref<100000x32xf32, #tpu.memory_space<hbm>>
    tpu.enqueue_indirect_dma source(%dma_start3A_540 : memref<100000x32xf32, #tpu.memory_space<hbm>>) target(%arg37 : memref<800x32xf32, #tpu.memory_space<vmem>>) offsets(%arg29 : memref<800xi32, #tpu.memory_space<vmem>>) semaphore(%arg42 : memref<!tpu.dma_semaphore, #tpu.memory_space<semaphore_mem>>)
    %dma_wait3A_541 = arith.constant 0 : i32
    %dma_wait3A_542 = arith.constant 0 : i32
    %dma_wait3A_543 = tpu.memref_slice %arg2[%dma_wait3A_541, %dma_wait3A_542] : memref<100000x32xf32, #tpu.memory_space<hbm>> -> memref<100000x32xf32, #tpu.memory_space<hbm>>
    tpu.wait_indirect_dma semaphore(%arg43 : memref<!tpu.dma_semaphore, #tpu.memory_space<semaphore_mem>>) src(%dma_wait3A_543 : memref<100000x32xf32, #tpu.memory_space<hbm>>) dst(%arg38 : memref<800x32xf32, #tpu.memory_space<vmem>>)
    %add3A_544 = arith.constant 16800 : i32
    %add3A_545 = arith.addi %mul3A_2, %add3A_544 : i32
    %dma_start3A_546 = arith.constant 0 : i32
    %dma_start3A_547 = tpu.memref_slice %arg4[%add3A_545, %dma_start3A_546] : memref<819200x32xf32, #tpu.memory_space<hbm>> -> memref<800x32xf32, #tpu.memory_space<hbm>>
    %dma_start3A_548 = arith.constant 0 : i32
    %dma_start3A_549 = tpu.memref_slice %arg4[%add3A_545, %dma_start3A_548] : memref<819200x32xf32, #tpu.memory_space<hbm>> -> memref<800x32xf32, #tpu.memory_space<hbm>>
    tpu.enqueue_dma source(%arg38 : memref<800x32xf32, #tpu.memory_space<vmem>>) target(%dma_start3A_549 : memref<800x32xf32, #tpu.memory_space<hbm>>) target_semaphore(%arg47 : memref<!tpu.dma_semaphore, #tpu.memory_space<semaphore_mem>>)
    %dma_wait3A_550 = arith.constant 0 : i32
    %dma_wait3A_551 = tpu.memref_slice %arg4[%mul3A_2, %dma_wait3A_550] : memref<819200x32xf32, #tpu.memory_space<hbm>> -> memref<800x32xf32, #tpu.memory_space<hbm>>
    %dma_wait3A_552 = arith.constant 0 : i32
    %dma_wait3A_553 = tpu.memref_slice %arg4[%mul3A_2, %dma_wait3A_552] : memref<819200x32xf32, #tpu.memory_space<hbm>> -> memref<800x32xf32, #tpu.memory_space<hbm>>
    tpu.wait_dma2 semaphore(%arg47 : memref<!tpu.dma_semaphore, #tpu.memory_space<semaphore_mem>>) src(%arg38 : memref<800x32xf32, #tpu.memory_space<vmem>>) dst(%dma_wait3A_553 : memref<800x32xf32, #tpu.memory_space<hbm>>)
    %dma_start3A_554 = arith.constant 0 : i32
    %dma_start3A_555 = arith.constant 0 : i32
    %dma_start3A_556 = tpu.memref_slice %arg2[%dma_start3A_554, %dma_start3A_555] : memref<100000x32xf32, #tpu.memory_space<hbm>> -> memref<100000x32xf32, #tpu.memory_space<hbm>>
    tpu.enqueue_indirect_dma source(%dma_start3A_556 : memref<100000x32xf32, #tpu.memory_space<hbm>>) target(%arg38 : memref<800x32xf32, #tpu.memory_space<vmem>>) offsets(%arg30 : memref<800xi32, #tpu.memory_space<vmem>>) semaphore(%arg43 : memref<!tpu.dma_semaphore, #tpu.memory_space<semaphore_mem>>)
    %dma_wait3A_557 = arith.constant 0 : i32
    %dma_wait3A_558 = arith.constant 0 : i32
    %dma_wait3A_559 = tpu.memref_slice %arg2[%dma_wait3A_557, %dma_wait3A_558] : memref<100000x32xf32, #tpu.memory_space<hbm>> -> memref<100000x32xf32, #tpu.memory_space<hbm>>
    tpu.wait_indirect_dma semaphore(%arg44 : memref<!tpu.dma_semaphore, #tpu.memory_space<semaphore_mem>>) src(%dma_wait3A_559 : memref<100000x32xf32, #tpu.memory_space<hbm>>) dst(%arg39 : memref<800x32xf32, #tpu.memory_space<vmem>>)
    %add3A_560 = arith.constant 17600 : i32
    %add3A_561 = arith.addi %mul3A_2, %add3A_560 : i32
    %dma_start3A_562 = arith.constant 0 : i32
    %dma_start3A_563 = tpu.memref_slice %arg4[%add3A_561, %dma_start3A_562] : memref<819200x32xf32, #tpu.memory_space<hbm>> -> memref<800x32xf32, #tpu.memory_space<hbm>>
    %dma_start3A_564 = arith.constant 0 : i32
    %dma_start3A_565 = tpu.memref_slice %arg4[%add3A_561, %dma_start3A_564] : memref<819200x32xf32, #tpu.memory_space<hbm>> -> memref<800x32xf32, #tpu.memory_space<hbm>>
    tpu.enqueue_dma source(%arg39 : memref<800x32xf32, #tpu.memory_space<vmem>>) target(%dma_start3A_565 : memref<800x32xf32, #tpu.memory_space<hbm>>) target_semaphore(%arg48 : memref<!tpu.dma_semaphore, #tpu.memory_space<semaphore_mem>>)
    %dma_wait3A_566 = arith.constant 0 : i32
    %dma_wait3A_567 = tpu.memref_slice %arg4[%mul3A_2, %dma_wait3A_566] : memref<819200x32xf32, #tpu.memory_space<hbm>> -> memref<800x32xf32, #tpu.memory_space<hbm>>
    %dma_wait3A_568 = arith.constant 0 : i32
    %dma_wait3A_569 = tpu.memref_slice %arg4[%mul3A_2, %dma_wait3A_568] : memref<819200x32xf32, #tpu.memory_space<hbm>> -> memref<800x32xf32, #tpu.memory_space<hbm>>
    tpu.wait_dma2 semaphore(%arg48 : memref<!tpu.dma_semaphore, #tpu.memory_space<semaphore_mem>>) src(%arg39 : memref<800x32xf32, #tpu.memory_space<vmem>>) dst(%dma_wait3A_569 : memref<800x32xf32, #tpu.memory_space<hbm>>)
    %dma_start3A_570 = arith.constant 0 : i32
    %dma_start3A_571 = arith.constant 0 : i32
    %dma_start3A_572 = tpu.memref_slice %arg2[%dma_start3A_570, %dma_start3A_571] : memref<100000x32xf32, #tpu.memory_space<hbm>> -> memref<100000x32xf32, #tpu.memory_space<hbm>>
    tpu.enqueue_indirect_dma source(%dma_start3A_572 : memref<100000x32xf32, #tpu.memory_space<hbm>>) target(%arg39 : memref<800x32xf32, #tpu.memory_space<vmem>>) offsets(%arg31 : memref<800xi32, #tpu.memory_space<vmem>>) semaphore(%arg44 : memref<!tpu.dma_semaphore, #tpu.memory_space<semaphore_mem>>)
    %dma_wait3A_573 = arith.constant 0 : i32
    %dma_wait3A_574 = arith.constant 0 : i32
    %dma_wait3A_575 = tpu.memref_slice %arg2[%dma_wait3A_573, %dma_wait3A_574] : memref<100000x32xf32, #tpu.memory_space<hbm>> -> memref<100000x32xf32, #tpu.memory_space<hbm>>
    tpu.wait_indirect_dma semaphore(%arg45 : memref<!tpu.dma_semaphore, #tpu.memory_space<semaphore_mem>>) src(%dma_wait3A_575 : memref<100000x32xf32, #tpu.memory_space<hbm>>) dst(%arg40 : memref<800x32xf32, #tpu.memory_space<vmem>>)
    %add3A_576 = arith.constant 18400 : i32
    %add3A_577 = arith.addi %mul3A_2, %add3A_576 : i32
    %dma_start3A_578 = arith.constant 0 : i32
    %dma_start3A_579 = tpu.memref_slice %arg4[%add3A_577, %dma_start3A_578] : memref<819200x32xf32, #tpu.memory_space<hbm>> -> memref<800x32xf32, #tpu.memory_space<hbm>>
    %dma_start3A_580 = arith.constant 0 : i32
    %dma_start3A_581 = tpu.memref_slice %arg4[%add3A_577, %dma_start3A_580] : memref<819200x32xf32, #tpu.memory_space<hbm>> -> memref<800x32xf32, #tpu.memory_space<hbm>>
    tpu.enqueue_dma source(%arg40 : memref<800x32xf32, #tpu.memory_space<vmem>>) target(%dma_start3A_581 : memref<800x32xf32, #tpu.memory_space<hbm>>) target_semaphore(%arg49 : memref<!tpu.dma_semaphore, #tpu.memory_space<semaphore_mem>>)
    %dma_wait3A_582 = arith.constant 0 : i32
    %dma_wait3A_583 = tpu.memref_slice %arg4[%mul3A_2, %dma_wait3A_582] : memref<819200x32xf32, #tpu.memory_space<hbm>> -> memref<800x32xf32, #tpu.memory_space<hbm>>
    %dma_wait3A_584 = arith.constant 0 : i32
    %dma_wait3A_585 = tpu.memref_slice %arg4[%mul3A_2, %dma_wait3A_584] : memref<819200x32xf32, #tpu.memory_space<hbm>> -> memref<800x32xf32, #tpu.memory_space<hbm>>
    tpu.wait_dma2 semaphore(%arg49 : memref<!tpu.dma_semaphore, #tpu.memory_space<semaphore_mem>>) src(%arg40 : memref<800x32xf32, #tpu.memory_space<vmem>>) dst(%dma_wait3A_585 : memref<800x32xf32, #tpu.memory_space<hbm>>)
    %dma_start3A_586 = arith.constant 0 : i32
    %dma_start3A_587 = arith.constant 0 : i32
    %dma_start3A_588 = tpu.memref_slice %arg2[%dma_start3A_586, %dma_start3A_587] : memref<100000x32xf32, #tpu.memory_space<hbm>> -> memref<100000x32xf32, #tpu.memory_space<hbm>>
    tpu.enqueue_indirect_dma source(%dma_start3A_588 : memref<100000x32xf32, #tpu.memory_space<hbm>>) target(%arg40 : memref<800x32xf32, #tpu.memory_space<vmem>>) offsets(%arg32 : memref<800xi32, #tpu.memory_space<vmem>>) semaphore(%arg45 : memref<!tpu.dma_semaphore, #tpu.memory_space<semaphore_mem>>)
    %dma_wait3A_589 = arith.constant 0 : i32
    %dma_wait3A_590 = arith.constant 0 : i32
    %dma_wait3A_591 = tpu.memref_slice %arg2[%dma_wait3A_589, %dma_wait3A_590] : memref<100000x32xf32, #tpu.memory_space<hbm>> -> memref<100000x32xf32, #tpu.memory_space<hbm>>
    tpu.wait_indirect_dma semaphore(%arg42 : memref<!tpu.dma_semaphore, #tpu.memory_space<semaphore_mem>>) src(%dma_wait3A_591 : memref<100000x32xf32, #tpu.memory_space<hbm>>) dst(%arg37 : memref<800x32xf32, #tpu.memory_space<vmem>>)
    %add3A_592 = arith.constant 19200 : i32
    %add3A_593 = arith.addi %mul3A_2, %add3A_592 : i32
    %dma_start3A_594 = arith.constant 0 : i32
    %dma_start3A_595 = tpu.memref_slice %arg4[%add3A_593, %dma_start3A_594] : memref<819200x32xf32, #tpu.memory_space<hbm>> -> memref<800x32xf32, #tpu.memory_space<hbm>>
    %dma_start3A_596 = arith.constant 0 : i32
    %dma_start3A_597 = tpu.memref_slice %arg4[%add3A_593, %dma_start3A_596] : memref<819200x32xf32, #tpu.memory_space<hbm>> -> memref<800x32xf32, #tpu.memory_space<hbm>>
    tpu.enqueue_dma source(%arg37 : memref<800x32xf32, #tpu.memory_space<vmem>>) target(%dma_start3A_597 : memref<800x32xf32, #tpu.memory_space<hbm>>) target_semaphore(%arg46 : memref<!tpu.dma_semaphore, #tpu.memory_space<semaphore_mem>>)
    %dma_wait3A_598 = arith.constant 0 : i32
    %dma_wait3A_599 = tpu.memref_slice %arg4[%mul3A_2, %dma_wait3A_598] : memref<819200x32xf32, #tpu.memory_space<hbm>> -> memref<800x32xf32, #tpu.memory_space<hbm>>
    %dma_wait3A_600 = arith.constant 0 : i32
    %dma_wait3A_601 = tpu.memref_slice %arg4[%mul3A_2, %dma_wait3A_600] : memref<819200x32xf32, #tpu.memory_space<hbm>> -> memref<800x32xf32, #tpu.memory_space<hbm>>
    tpu.wait_dma2 semaphore(%arg46 : memref<!tpu.dma_semaphore, #tpu.memory_space<semaphore_mem>>) src(%arg37 : memref<800x32xf32, #tpu.memory_space<vmem>>) dst(%dma_wait3A_601 : memref<800x32xf32, #tpu.memory_space<hbm>>)
    %dma_start3A_602 = arith.constant 0 : i32
    %dma_start3A_603 = arith.constant 0 : i32
    %dma_start3A_604 = tpu.memref_slice %arg2[%dma_start3A_602, %dma_start3A_603] : memref<100000x32xf32, #tpu.memory_space<hbm>> -> memref<100000x32xf32, #tpu.memory_space<hbm>>
    tpu.enqueue_indirect_dma source(%dma_start3A_604 : memref<100000x32xf32, #tpu.memory_space<hbm>>) target(%arg37 : memref<800x32xf32, #tpu.memory_space<vmem>>) offsets(%arg33 : memref<800xi32, #tpu.memory_space<vmem>>) semaphore(%arg42 : memref<!tpu.dma_semaphore, #tpu.memory_space<semaphore_mem>>)
    %dma_wait3A_605 = arith.constant 0 : i32
    %dma_wait3A_606 = arith.constant 0 : i32
    %dma_wait3A_607 = tpu.memref_slice %arg2[%dma_wait3A_605, %dma_wait3A_606] : memref<100000x32xf32, #tpu.memory_space<hbm>> -> memref<100000x32xf32, #tpu.memory_space<hbm>>
    tpu.wait_indirect_dma semaphore(%arg43 : memref<!tpu.dma_semaphore, #tpu.memory_space<semaphore_mem>>) src(%dma_wait3A_607 : memref<100000x32xf32, #tpu.memory_space<hbm>>) dst(%arg38 : memref<800x32xf32, #tpu.memory_space<vmem>>)
    %add3A_608 = arith.constant 20000 : i32
    %add3A_609 = arith.addi %mul3A_2, %add3A_608 : i32
    %dma_start3A_610 = arith.constant 0 : i32
    %dma_start3A_611 = tpu.memref_slice %arg4[%add3A_609, %dma_start3A_610] : memref<819200x32xf32, #tpu.memory_space<hbm>> -> memref<800x32xf32, #tpu.memory_space<hbm>>
    %dma_start3A_612 = arith.constant 0 : i32
    %dma_start3A_613 = tpu.memref_slice %arg4[%add3A_609, %dma_start3A_612] : memref<819200x32xf32, #tpu.memory_space<hbm>> -> memref<800x32xf32, #tpu.memory_space<hbm>>
    tpu.enqueue_dma source(%arg38 : memref<800x32xf32, #tpu.memory_space<vmem>>) target(%dma_start3A_613 : memref<800x32xf32, #tpu.memory_space<hbm>>) target_semaphore(%arg47 : memref<!tpu.dma_semaphore, #tpu.memory_space<semaphore_mem>>)
    %dma_wait3A_614 = arith.constant 0 : i32
    %dma_wait3A_615 = tpu.memref_slice %arg4[%mul3A_2, %dma_wait3A_614] : memref<819200x32xf32, #tpu.memory_space<hbm>> -> memref<800x32xf32, #tpu.memory_space<hbm>>
    %dma_wait3A_616 = arith.constant 0 : i32
    %dma_wait3A_617 = tpu.memref_slice %arg4[%mul3A_2, %dma_wait3A_616] : memref<819200x32xf32, #tpu.memory_space<hbm>> -> memref<800x32xf32, #tpu.memory_space<hbm>>
    tpu.wait_dma2 semaphore(%arg47 : memref<!tpu.dma_semaphore, #tpu.memory_space<semaphore_mem>>) src(%arg38 : memref<800x32xf32, #tpu.memory_space<vmem>>) dst(%dma_wait3A_617 : memref<800x32xf32, #tpu.memory_space<hbm>>)
    %dma_start3A_618 = arith.constant 0 : i32
    %dma_start3A_619 = arith.constant 0 : i32
    %dma_start3A_620 = tpu.memref_slice %arg2[%dma_start3A_618, %dma_start3A_619] : memref<100000x32xf32, #tpu.memory_space<hbm>> -> memref<100000x32xf32, #tpu.memory_space<hbm>>
    tpu.enqueue_indirect_dma source(%dma_start3A_620 : memref<100000x32xf32, #tpu.memory_space<hbm>>) target(%arg38 : memref<800x32xf32, #tpu.memory_space<vmem>>) offsets(%arg34 : memref<800xi32, #tpu.memory_space<vmem>>) semaphore(%arg43 : memref<!tpu.dma_semaphore, #tpu.memory_space<semaphore_mem>>)
    %dma_wait3A_621 = arith.constant 0 : i32
    %dma_wait3A_622 = arith.constant 0 : i32
    %dma_wait3A_623 = tpu.memref_slice %arg2[%dma_wait3A_621, %dma_wait3A_622] : memref<100000x32xf32, #tpu.memory_space<hbm>> -> memref<100000x32xf32, #tpu.memory_space<hbm>>
    tpu.wait_indirect_dma semaphore(%arg44 : memref<!tpu.dma_semaphore, #tpu.memory_space<semaphore_mem>>) src(%dma_wait3A_623 : memref<100000x32xf32, #tpu.memory_space<hbm>>) dst(%arg39 : memref<800x32xf32, #tpu.memory_space<vmem>>)
    %add3A_624 = arith.constant 20800 : i32
    %add3A_625 = arith.addi %mul3A_2, %add3A_624 : i32
    %dma_start3A_626 = arith.constant 0 : i32
    %dma_start3A_627 = tpu.memref_slice %arg4[%add3A_625, %dma_start3A_626] : memref<819200x32xf32, #tpu.memory_space<hbm>> -> memref<800x32xf32, #tpu.memory_space<hbm>>
    %dma_start3A_628 = arith.constant 0 : i32
    %dma_start3A_629 = tpu.memref_slice %arg4[%add3A_625, %dma_start3A_628] : memref<819200x32xf32, #tpu.memory_space<hbm>> -> memref<800x32xf32, #tpu.memory_space<hbm>>
    tpu.enqueue_dma source(%arg39 : memref<800x32xf32, #tpu.memory_space<vmem>>) target(%dma_start3A_629 : memref<800x32xf32, #tpu.memory_space<hbm>>) target_semaphore(%arg48 : memref<!tpu.dma_semaphore, #tpu.memory_space<semaphore_mem>>)
    %dma_wait3A_630 = arith.constant 0 : i32
    %dma_wait3A_631 = tpu.memref_slice %arg4[%mul3A_2, %dma_wait3A_630] : memref<819200x32xf32, #tpu.memory_space<hbm>> -> memref<800x32xf32, #tpu.memory_space<hbm>>
    %dma_wait3A_632 = arith.constant 0 : i32
    %dma_wait3A_633 = tpu.memref_slice %arg4[%mul3A_2, %dma_wait3A_632] : memref<819200x32xf32, #tpu.memory_space<hbm>> -> memref<800x32xf32, #tpu.memory_space<hbm>>
    tpu.wait_dma2 semaphore(%arg48 : memref<!tpu.dma_semaphore, #tpu.memory_space<semaphore_mem>>) src(%arg39 : memref<800x32xf32, #tpu.memory_space<vmem>>) dst(%dma_wait3A_633 : memref<800x32xf32, #tpu.memory_space<hbm>>)
    %dma_start3A_634 = arith.constant 0 : i32
    %dma_start3A_635 = arith.constant 0 : i32
    %dma_start3A_636 = tpu.memref_slice %arg2[%dma_start3A_634, %dma_start3A_635] : memref<100000x32xf32, #tpu.memory_space<hbm>> -> memref<100000x32xf32, #tpu.memory_space<hbm>>
    tpu.enqueue_indirect_dma source(%dma_start3A_636 : memref<100000x32xf32, #tpu.memory_space<hbm>>) target(%arg39 : memref<800x32xf32, #tpu.memory_space<vmem>>) offsets(%arg35 : memref<800xi32, #tpu.memory_space<vmem>>) semaphore(%arg44 : memref<!tpu.dma_semaphore, #tpu.memory_space<semaphore_mem>>)
    %dma_wait3A_637 = arith.constant 0 : i32
    %dma_wait3A_638 = arith.constant 0 : i32
    %dma_wait3A_639 = tpu.memref_slice %arg2[%dma_wait3A_637, %dma_wait3A_638] : memref<100000x32xf32, #tpu.memory_space<hbm>> -> memref<100000x32xf32, #tpu.memory_space<hbm>>
    tpu.wait_indirect_dma semaphore(%arg45 : memref<!tpu.dma_semaphore, #tpu.memory_space<semaphore_mem>>) src(%dma_wait3A_639 : memref<100000x32xf32, #tpu.memory_space<hbm>>) dst(%arg40 : memref<800x32xf32, #tpu.memory_space<vmem>>)
    %add3A_640 = arith.constant 21600 : i32
    %add3A_641 = arith.addi %mul3A_2, %add3A_640 : i32
    %dma_start3A_642 = arith.constant 0 : i32
    %dma_start3A_643 = tpu.memref_slice %arg4[%add3A_641, %dma_start3A_642] : memref<819200x32xf32, #tpu.memory_space<hbm>> -> memref<800x32xf32, #tpu.memory_space<hbm>>
    %dma_start3A_644 = arith.constant 0 : i32
    %dma_start3A_645 = tpu.memref_slice %arg4[%add3A_641, %dma_start3A_644] : memref<819200x32xf32, #tpu.memory_space<hbm>> -> memref<800x32xf32, #tpu.memory_space<hbm>>
    tpu.enqueue_dma source(%arg40 : memref<800x32xf32, #tpu.memory_space<vmem>>) target(%dma_start3A_645 : memref<800x32xf32, #tpu.memory_space<hbm>>) target_semaphore(%arg49 : memref<!tpu.dma_semaphore, #tpu.memory_space<semaphore_mem>>)
    %dma_wait3A_646 = arith.constant 0 : i32
    %dma_wait3A_647 = tpu.memref_slice %arg4[%mul3A_2, %dma_wait3A_646] : memref<819200x32xf32, #tpu.memory_space<hbm>> -> memref<800x32xf32, #tpu.memory_space<hbm>>
    %dma_wait3A_648 = arith.constant 0 : i32
    %dma_wait3A_649 = tpu.memref_slice %arg4[%mul3A_2, %dma_wait3A_648] : memref<819200x32xf32, #tpu.memory_space<hbm>> -> memref<800x32xf32, #tpu.memory_space<hbm>>
    tpu.wait_dma2 semaphore(%arg49 : memref<!tpu.dma_semaphore, #tpu.memory_space<semaphore_mem>>) src(%arg40 : memref<800x32xf32, #tpu.memory_space<vmem>>) dst(%dma_wait3A_649 : memref<800x32xf32, #tpu.memory_space<hbm>>)
    %dma_start3A_650 = arith.constant 0 : i32
    %dma_start3A_651 = arith.constant 0 : i32
    %dma_start3A_652 = tpu.memref_slice %arg2[%dma_start3A_650, %dma_start3A_651] : memref<100000x32xf32, #tpu.memory_space<hbm>> -> memref<100000x32xf32, #tpu.memory_space<hbm>>
    tpu.enqueue_indirect_dma source(%dma_start3A_652 : memref<100000x32xf32, #tpu.memory_space<hbm>>) target(%arg40 : memref<800x32xf32, #tpu.memory_space<vmem>>) offsets(%arg36 : memref<800xi32, #tpu.memory_space<vmem>>) semaphore(%arg45 : memref<!tpu.dma_semaphore, #tpu.memory_space<semaphore_mem>>)
    %dma_wait3A_653 = arith.constant 0 : i32
    %dma_wait3A_654 = arith.constant 0 : i32
    %dma_wait3A_655 = tpu.memref_slice %arg2[%dma_wait3A_653, %dma_wait3A_654] : memref<100000x32xf32, #tpu.memory_space<hbm>> -> memref<100000x32xf32, #tpu.memory_space<hbm>>
    tpu.wait_indirect_dma semaphore(%arg42 : memref<!tpu.dma_semaphore, #tpu.memory_space<semaphore_mem>>) src(%dma_wait3A_655 : memref<100000x32xf32, #tpu.memory_space<hbm>>) dst(%arg37 : memref<800x32xf32, #tpu.memory_space<vmem>>)
    %add3A_656 = arith.constant 22400 : i32
    %add3A_657 = arith.addi %mul3A_2, %add3A_656 : i32
    %dma_start3A_658 = arith.constant 0 : i32
    %dma_start3A_659 = tpu.memref_slice %arg4[%add3A_657, %dma_start3A_658] : memref<819200x32xf32, #tpu.memory_space<hbm>> -> memref<800x32xf32, #tpu.memory_space<hbm>>
    %dma_start3A_660 = arith.constant 0 : i32
    %dma_start3A_661 = tpu.memref_slice %arg4[%add3A_657, %dma_start3A_660] : memref<819200x32xf32, #tpu.memory_space<hbm>> -> memref<800x32xf32, #tpu.memory_space<hbm>>
    tpu.enqueue_dma source(%arg37 : memref<800x32xf32, #tpu.memory_space<vmem>>) target(%dma_start3A_661 : memref<800x32xf32, #tpu.memory_space<hbm>>) target_semaphore(%arg46 : memref<!tpu.dma_semaphore, #tpu.memory_space<semaphore_mem>>)
    %dma_wait3A_662 = arith.constant 0 : i32
    %dma_wait3A_663 = arith.constant 0 : i32
    %dma_wait3A_664 = tpu.memref_slice %arg2[%dma_wait3A_662, %dma_wait3A_663] : memref<100000x32xf32, #tpu.memory_space<hbm>> -> memref<100000x32xf32, #tpu.memory_space<hbm>>
    tpu.wait_indirect_dma semaphore(%arg43 : memref<!tpu.dma_semaphore, #tpu.memory_space<semaphore_mem>>) src(%dma_wait3A_664 : memref<100000x32xf32, #tpu.memory_space<hbm>>) dst(%arg38 : memref<800x32xf32, #tpu.memory_space<vmem>>)
    %add3A_665 = arith.constant 23200 : i32
    %add3A_666 = arith.addi %mul3A_2, %add3A_665 : i32
    %dma_start3A_667 = arith.constant 0 : i32
    %dma_start3A_668 = tpu.memref_slice %arg4[%add3A_666, %dma_start3A_667] : memref<819200x32xf32, #tpu.memory_space<hbm>> -> memref<800x32xf32, #tpu.memory_space<hbm>>
    %dma_start3A_669 = arith.constant 0 : i32
    %dma_start3A_670 = tpu.memref_slice %arg4[%add3A_666, %dma_start3A_669] : memref<819200x32xf32, #tpu.memory_space<hbm>> -> memref<800x32xf32, #tpu.memory_space<hbm>>
    tpu.enqueue_dma source(%arg38 : memref<800x32xf32, #tpu.memory_space<vmem>>) target(%dma_start3A_670 : memref<800x32xf32, #tpu.memory_space<hbm>>) target_semaphore(%arg47 : memref<!tpu.dma_semaphore, #tpu.memory_space<semaphore_mem>>)
    %dma_wait3A_671 = arith.constant 0 : i32
    %dma_wait3A_672 = arith.constant 0 : i32
    %dma_wait3A_673 = tpu.memref_slice %arg2[%dma_wait3A_671, %dma_wait3A_672] : memref<100000x32xf32, #tpu.memory_space<hbm>> -> memref<100000x32xf32, #tpu.memory_space<hbm>>
    tpu.wait_indirect_dma semaphore(%arg44 : memref<!tpu.dma_semaphore, #tpu.memory_space<semaphore_mem>>) src(%dma_wait3A_673 : memref<100000x32xf32, #tpu.memory_space<hbm>>) dst(%arg39 : memref<800x32xf32, #tpu.memory_space<vmem>>)
    %add3A_674 = arith.constant 24000 : i32
    %add3A_675 = arith.addi %mul3A_2, %add3A_674 : i32
    %dma_start3A_676 = arith.constant 0 : i32
    %dma_start3A_677 = tpu.memref_slice %arg4[%add3A_675, %dma_start3A_676] : memref<819200x32xf32, #tpu.memory_space<hbm>> -> memref<800x32xf32, #tpu.memory_space<hbm>>
    %dma_start3A_678 = arith.constant 0 : i32
    %dma_start3A_679 = tpu.memref_slice %arg4[%add3A_675, %dma_start3A_678] : memref<819200x32xf32, #tpu.memory_space<hbm>> -> memref<800x32xf32, #tpu.memory_space<hbm>>
    tpu.enqueue_dma source(%arg39 : memref<800x32xf32, #tpu.memory_space<vmem>>) target(%dma_start3A_679 : memref<800x32xf32, #tpu.memory_space<hbm>>) target_semaphore(%arg48 : memref<!tpu.dma_semaphore, #tpu.memory_space<semaphore_mem>>)
    %dma_wait3A_680 = arith.constant 0 : i32
    %dma_wait3A_681 = arith.constant 0 : i32
    %dma_wait3A_682 = tpu.memref_slice %arg2[%dma_wait3A_680, %dma_wait3A_681] : memref<100000x32xf32, #tpu.memory_space<hbm>> -> memref<100000x32xf32, #tpu.memory_space<hbm>>
    tpu.wait_indirect_dma semaphore(%arg45 : memref<!tpu.dma_semaphore, #tpu.memory_space<semaphore_mem>>) src(%dma_wait3A_682 : memref<100000x32xf32, #tpu.memory_space<hbm>>) dst(%arg40 : memref<800x32xf32, #tpu.memory_space<vmem>>)
    %add3A_683 = arith.constant 24800 : i32
    %add3A_684 = arith.addi %mul3A_2, %add3A_683 : i32
    %dma_start3A_685 = arith.constant 0 : i32
    %dma_start3A_686 = tpu.memref_slice %arg4[%add3A_684, %dma_start3A_685] : memref<819200x32xf32, #tpu.memory_space<hbm>> -> memref<800x32xf32, #tpu.memory_space<hbm>>
    %dma_start3A_687 = arith.constant 0 : i32
    %dma_start3A_688 = tpu.memref_slice %arg4[%add3A_684, %dma_start3A_687] : memref<819200x32xf32, #tpu.memory_space<hbm>> -> memref<800x32xf32, #tpu.memory_space<hbm>>
    tpu.enqueue_dma source(%arg40 : memref<800x32xf32, #tpu.memory_space<vmem>>) target(%dma_start3A_688 : memref<800x32xf32, #tpu.memory_space<hbm>>) target_semaphore(%arg49 : memref<!tpu.dma_semaphore, #tpu.memory_space<semaphore_mem>>)
    %dma_wait3A_689 = arith.constant 0 : i32
    %dma_wait3A_690 = tpu.memref_slice %arg4[%mul3A_2, %dma_wait3A_689] : memref<819200x32xf32, #tpu.memory_space<hbm>> -> memref<800x32xf32, #tpu.memory_space<hbm>>
    %dma_wait3A_691 = arith.constant 0 : i32
    %dma_wait3A_692 = tpu.memref_slice %arg4[%mul3A_2, %dma_wait3A_691] : memref<819200x32xf32, #tpu.memory_space<hbm>> -> memref<800x32xf32, #tpu.memory_space<hbm>>
    tpu.wait_dma2 semaphore(%arg46 : memref<!tpu.dma_semaphore, #tpu.memory_space<semaphore_mem>>) src(%arg37 : memref<800x32xf32, #tpu.memory_space<vmem>>) dst(%dma_wait3A_692 : memref<800x32xf32, #tpu.memory_space<hbm>>)
    %dma_wait3A_693 = arith.constant 0 : i32
    %dma_wait3A_694 = tpu.memref_slice %arg4[%mul3A_2, %dma_wait3A_693] : memref<819200x32xf32, #tpu.memory_space<hbm>> -> memref<800x32xf32, #tpu.memory_space<hbm>>
    %dma_wait3A_695 = arith.constant 0 : i32
    %dma_wait3A_696 = tpu.memref_slice %arg4[%mul3A_2, %dma_wait3A_695] : memref<819200x32xf32, #tpu.memory_space<hbm>> -> memref<800x32xf32, #tpu.memory_space<hbm>>
    tpu.wait_dma2 semaphore(%arg47 : memref<!tpu.dma_semaphore, #tpu.memory_space<semaphore_mem>>) src(%arg38 : memref<800x32xf32, #tpu.memory_space<vmem>>) dst(%dma_wait3A_696 : memref<800x32xf32, #tpu.memory_space<hbm>>)
    %dma_wait3A_697 = arith.constant 0 : i32
    %dma_wait3A_698 = tpu.memref_slice %arg4[%mul3A_2, %dma_wait3A_697] : memref<819200x32xf32, #tpu.memory_space<hbm>> -> memref<800x32xf32, #tpu.memory_space<hbm>>
    %dma_wait3A_699 = arith.constant 0 : i32
    %dma_wait3A_700 = tpu.memref_slice %arg4[%mul3A_2, %dma_wait3A_699] : memref<819200x32xf32, #tpu.memory_space<hbm>> -> memref<800x32xf32, #tpu.memory_space<hbm>>
    tpu.wait_dma2 semaphore(%arg48 : memref<!tpu.dma_semaphore, #tpu.memory_space<semaphore_mem>>) src(%arg39 : memref<800x32xf32, #tpu.memory_space<vmem>>) dst(%dma_wait3A_700 : memref<800x32xf32, #tpu.memory_space<hbm>>)
    %dma_wait3A_701 = arith.constant 0 : i32
    %dma_wait3A_702 = tpu.memref_slice %arg4[%mul3A_2, %dma_wait3A_701] : memref<819200x32xf32, #tpu.memory_space<hbm>> -> memref<800x32xf32, #tpu.memory_space<hbm>>
    %dma_wait3A_703 = arith.constant 0 : i32
    %dma_wait3A_704 = tpu.memref_slice %arg4[%mul3A_2, %dma_wait3A_703] : memref<819200x32xf32, #tpu.memory_space<hbm>> -> memref<800x32xf32, #tpu.memory_space<hbm>>
    tpu.wait_dma2 semaphore(%arg49 : memref<!tpu.dma_semaphore, #tpu.memory_space<semaphore_mem>>) src(%arg40 : memref<800x32xf32, #tpu.memory_space<vmem>>) dst(%dma_wait3A_704 : memref<800x32xf32, #tpu.memory_space<hbm>>)
    return
  }
}

</mosaic_0001>

<sc_bundles>
// kernel: kernel.3.cloned.1.call-start
scs
__scs_entry_jumppad:
0x0: {  	(pc) =	sbr.rel $0x88, $3  }
0x1: {  	(tag) =	ssettag $0x0;
	lr =	simm.s32 $0x1  }
0x2: {  	[smem:$0x3F9F] =	sst lr;
	_ =	strace $0xD0000000  }
0x3: {  	_ = 	snop  }
0x4: {  	_ = 	snop  }
0x5: {  	_ = 	snop  }
0x6: {  	_ = 	snop  }
0x7: {  	_ = 	snop  }
__scs_overlays_trampoline_lowered:
0x8: {  	[smem:$0x3FAE] =	sst s0  }
0x9: {  	[smem:$0x3FAF] =	sst s1  }
0xa: {  	[smem:$0x3FB0] =	sst s2  }
0xb: {  	[smem:$0x3FB1] =	sst s3  }
0xc: {  	[smem:$0x3FB2] =	sst s4  }
0xd: {  	[smem:$0x3FB3] =	sst s5  }
0xe: {  	[smem:$0x3FB4] =	sst s6  }
0xf: {  	[smem:$0x3FB5] =	sst s7  }
0x10: {  	[smem:$0x3FB6] =	sst s8  }
0x11: {  	[smem:$0x3FB7] =	sst s9;
	s0 =	simm.s32 @!p0 $0x0  }
0x12: {  	s1 =	sld [smem:$0x3F9D];
	s0 =	simm.s32 @p0 $0x1  }
0x13: {  	[smem:$0x3FB8] =	sst s0;
	s0 =	simm.s32 @!p1 $0x0  }
0x14: {  	s2 =	sld [smem:$0x3F9C];
	s0 =	simm.s32 @p1 $0x1  }
0x15: {  	[smem:$0x3FB9] =	sst s0;
	s0 =	simm.s32 @!p2 $0x0  }
0x16: {  	s3 =	sld [smem:$0x3FDB];
	s0 =	simm.s32 @p2 $0x1  }
0x17: {  	s4 =	simm.s32 $0x1BF5;
	[smem:$0x3FBB] =	sst s0  }
0x18: {  	s0 =	sld [smem:$0x3F9E];
	_ =	swait.ge [sflag:s4], $0x0  }
0x19: {  	s7 =	sld [smem:$0x3F9F]  }
0x1a: {  	s8 =	sadd.s32 $0xFFFFE003, lr  }
0x1b: {  	s9 =	sadd.s32 $0xFFFFFEF7, lr;
	s5 =	simm.s32 $0xFFFFFFFF;
	p2 =	slt.u32 s8, $0xFFFFF086  }
0x1c: {  	p1 =	slt.u32 s9, $0xF7A;
	s5 =	simm.s32 @!p2 $0x0  }
0x1d: {  	s5 =	simm.s32 @p1 $0x1;
	p0 =	seq.s32 s7, s2  }
0x1e: {  	s7 =	smul.u32 @!p0 $0xF7A, s2;
	p2 =	seq.s32 @!p0 s5, $0x0  }
0x1f: {  	s9 =	smul.u32 $0xF7A, s1;
	s8 =	simm.s32 @!p0 $0x1BF5;
	p2 =	por !p2, p0  }
0x20: {  	[sflag:s8] =	ssyncset.s32 @!p0 $0xFFFFF086;
	s6 =	sadd.s32 @!p0 s3, s7;
	s7 =	simm.s32 @!p0 $0x108  }
0x21: {  	s3 =	sadd.s32 s3, s9;
	s6 =	sadd.s32 @!p0 $0x88, s6;
	s7 =	simm.s32 @p2 $0x1082  }
0x22: {  	[simem:s7], [sflag:s8] =	dma.local @!p0 [hbm:s6], $0xF7A  }
0x23: {  	s9 =	sor.u32 $0xD0000000, s2;
	s6 =	simm.s32 $0x108;
	_ =	swait.ge @!p0 [sflag:s8], $0x0  }
0x24: {  	s3 =	sadd.s32 $0x88, s3;
	s6 =	simm.s32 @!p1 $0x1082;
	[sflag:s4] =	ssyncset.s32 $0xFFFFF086  }
0x25: {  	[simem:s6], [sflag:s4] =	dma.local [hbm:s3], $0xF7A  }
0x26: {  	[smem:$0x3F9F] =	sst s1;
	(tag) =	ssettag s2;
	_ =	strace s9  }
0x27: {  	s1 =	sld [smem:$0x3FAF]  }
0x28: {  	s2 =	sld [smem:$0x3FB0]  }
0x29: {  	s4 =	sld [smem:$0x3FB2]  }
0x2a: {  	p0 =	seq.s32 s5, $0x0;
	s5 =	sld [smem:$0x3FB3]  }
0x2b: {  	s6 =	sld [smem:$0x3FB4]  }
0x2c: {  	s7 =	sld [smem:$0x3FB5]  }
0x2d: {  	s3 =	simm.s32 $0x108;
	s8 =	sld [smem:$0x3FB6]  }
0x2e: {  	s3 =	simm.s32 @!p0 $0x1082;
	s9 =	sld [smem:$0x3FB7]  }
0x2f: {  	lr =	sadd.s32 s0, s3;
	s0 =	sld [smem:$0x3FAE]  }
0x30: {  	s3 =	sld [smem:$0x3FB1]  }
0x31: {  	[smem:$0x3FBA] =	sst s10  }
0x32: {  	s10 =	sld [smem:$0x3FB8];
	_ =	sdelay $0x3  }
0x33: {  	p0 =	seq.s32 s10, $0x1;
	s10 =	sld [smem:$0x3FBA];
	_ =	sdelay $0x3  }
0x34: {  	[smem:$0x3FBA] =	sst s10  }
0x35: {  	s10 =	sld [smem:$0x3FB9];
	_ =	sdelay $0x3  }
0x36: {  	p1 =	seq.s32 s10, $0x1;
	s10 =	sld [smem:$0x3FBA];
	_ =	sdelay $0x3  }
0x37: {  	[smem:$0x3FBA] =	sst s10  }
0x38: {  	s10 =	sld [smem:$0x3FBB]  }
0x39: {  	_ = 	snop;
	(pc) =	sbr.ind lr, $3  }
0x3a: {  	_ = 	snop  }
0x3b: {  	_ = 	snop  }
0x3c: {  	p2 =	seq.s32 s10, $0x1;
	s10 =	sld [smem:$0x3FBA]  }
0x3d: {  	_ =	shalt  }
0x3e: {  	_ =	shalt  }
0x3f: {  	_ =	shalt  }
0x40: {  	_ =	shalt  }
0x41: {  	_ =	shalt  }
0x42: {  	_ =	shalt  }
0x43: {  	_ =	shalt  }
0x44: {  	_ =	shalt  }
0x45: {  	_ =	shalt  }
0x46: {  	_ =	shalt  }
0x47: {  	_ =	shalt  }
0x48: {  	_ =	shalt  }
0x49: {  	_ =	shalt  }
0x4a: {  	_ =	shalt  }
0x4b: {  	_ =	shalt  }
0x4c: {  	_ =	shalt  }
0x4d: {  	_ =	shalt  }
0x4e: {  	_ =	shalt  }
0x4f: {  	_ =	shalt  }
0x50: {  	_ =	shalt  }
0x51: {  	_ =	shalt  }
0x52: {  	_ =	shalt  }
0x53: {  	_ =	shalt  }
0x54: {  	_ =	shalt  }
0x55: {  	_ =	shalt  }
0x56: {  	_ =	shalt  }
0x57: {  	_ =	shalt  }
0x58: {  	_ =	shalt  }
0x59: {  	_ =	shalt  }
0x5a: {  	_ =	shalt  }
0x5b: {  	_ =	shalt  }
0x5c: {  	_ =	shalt  }
0x5d: {  	_ =	shalt  }
0x5e: {  	_ =	shalt  }
0x5f: {  	_ =	shalt  }
0x60: {  	_ =	shalt  }
0x61: {  	_ =	shalt  }
0x62: {  	_ =	shalt  }
0x63: {  	_ =	shalt  }
0x64: {  	_ =	shalt  }
0x65: {  	_ =	shalt  }
0x66: {  	_ =	shalt  }
0x67: {  	_ =	shalt  }
0x68: {  	_ =	shalt  }
0x69: {  	_ =	shalt  }
0x6a: {  	_ =	shalt  }
0x6b: {  	_ =	shalt  }
0x6c: {  	_ =	shalt  }
0x6d: {  	_ =	shalt  }
0x6e: {  	_ =	shalt  }
0x6f: {  	_ =	shalt  }
0x70: {  	_ =	shalt  }
0x71: {  	_ =	shalt  }
0x72: {  	_ =	shalt  }
0x73: {  	_ =	shalt  }
0x74: {  	_ =	shalt  }
0x75: {  	_ =	shalt  }
0x76: {  	_ =	shalt  }
0x77: {  	_ =	shalt  }
0x78: {  	_ =	shalt  }
0x79: {  	_ =	shalt  }
0x7a: {  	_ =	shalt  }
0x7b: {  	_ =	shalt  }
0x7c: {  	_ =	shalt  }
0x7d: {  	_ =	shalt  }
0x7e: {  	_ =	shalt  }
0x7f: {  	_ =	shalt  }
0x80: {  	_ =	shalt  }
0x81: {  	_ =	shalt  }
0x82: {  	_ =	shalt  }
0x83: {  	_ =	shalt  }
0x84: {  	_ =	shalt  }
0x85: {  	_ =	shalt  }
0x86: {  	_ =	shalt  }
0x87: {  	_ =	shalt  }
.Lfunc_end0:
.L_simem_size_0:
called_computation.2_lowered:
.L_overlay_start_0:
0x88: {  	s2 =	sld [smem:$0x3FD9]  }
0x89: {  	s3 =	sld [smem:$0x3FFE];
	_ =	sdelay $0x1  }
0x8a: {  	s1 =	srdreg.scid  }
0x8b: {  	s0 =	sand.u32 $0x1, s1  }
0x8c: {  	s17 =	sshll.u32 s0, $0xA;
	s2 =	sadd.s32 s3, s2  }
0x8d: {  	s2 =	sadd.s32 s2, s17  }
0x8e: {  	[smem:$0x3FC6] =	sst s2  }
0x8f: {  	_ = 	snop  }
0x90: {  	s2 =	sld [smem:$0x3FD0];
	(tm) =	ssettm $0x1  }
0x91: {  	s18 =	sld [smem:$0x3FFB];
	_ =	sdelay $0x3  }
0x92: {  	_ =	strace s18  }
0x93: {  	s3 =	sld [smem:$0x3FFC];
	_ =	sdelay $0x3  }
0x94: {  	_ =	strace s3  }
0x95: {  	s3 =	sld [smem:$0x3FFD];
	_ =	sdelay $0x3  }
0x96: {  	_ =	strace s3  }
0x97: {  	_ =	strace $0x8FFFFFFF  }
0x98: {  	s19 =	sld [smem:$0x3FDB];
	_ =	sdelay $0x1  }
0x99: {  	s4 =	simm.s32 $_scs_section_size  }
0x9a: {  	s5 =	simm.s32 $_size__tile_overlayer_lowered;
	s6 =	simm.s32 $_tile_overlayer_lowered  }
0x9b: {  	s22 =	simm.s32 $0x1BFF;
	s21 =	sshll.u32 s6, $0x1;
	s3 =	sadd.s32 s4, s19  }
0x9c: {  	s7 =	simm.s32 $0x0;
	s20 =	sshll.u32 s5, $0x1;
	s5 =	sadd.s32 s21, s3  }
0x9d: {  	[timem:s7], [sflag:s22] =	dma.local [hbm:s5], s20  }
0x9e: {  	_ =	swait.ge [sflag:s22], s20  }
0x9f: {  	s4 =	ssub.s32 $0x0, s20;
	[sflag:s22] =	ssyncset.done $0x0  }
0xa0: {  	[sflag:s22] =	ssyncadd.s32 s4;
	_ =	sdelay $0x1  }
0xa1: {  	s23 =	simm.s32 $0x1B8B  }
0xa2: {  	_ =	swait.ge [sflag:s23], $0x1  }
0xa3: {  	[sflag:s23] =	ssyncset.done $0x0  }
0xa4: {  	s25 =	simm.s32 $0x1B8E;
	s24 =	sld [smem:$0x3FFE];
	[sflag:s23] =	ssyncadd.s32 $0xFFFFFFFF  }
0xa5: {  	s26 =	simm.s32 $execute0_lowered;
	[smem:$0x3FD2] =	sst s25  }
0xa6: {  	s5 =	sshll.u32 s26, $0x1;
	_ =	strace $0x80000046;
	[dreg:$0x1] =	wrdreg $0xFFFFFFFF  }
0xa7: {  	s28 =	simm.s32 $_size_execute0_lowered;
	s3 =	sadd.s32 s3, s5;
	[dreg:$0x0] =	wrdreg $0x0  }
0xa8: {  	s5 =	sshll.u32 s28, $0x1;
	[dreg:$0x2] =	wrdreg s3  }
0xa9: {  	[dreg:$0x3] =	wrdreg s5  }
0xaa: {  	[dreg:$0x4] =	wrdreg $0xC0  }
0xab: {  	_ =	task [dreg:s7], $0x5FFFF  }
0xac: {  	[dreg:$0x1] =	wrdreg $0xFFFFFFFF  }
0xad: {  	[dreg:$0x0] =	wrdreg $0x60  }
0xae: {  	[dreg:$0x2] =	wrdreg s24  }
0xaf: {  	[dreg:$0x3] =	wrdreg s2  }
0xb0: {  	[dreg:$0x4] =	wrdreg $0x9  }
0xb1: {  	_ =	task.clear_ibuf [dreg:s7], $0x5FFFF;
	_ =	strace $0x90000046  }
0xb2: {  	s29 =	simm.s32 $0x9;
	_ =	strace $0x80000048  }
0xb3: {  	_ =	swait.ge [sflag:s29], $0x1  }
0xb4: {  	[sflag:s29] =	ssyncadd.s32 $0xFFFFFFFF  }
0xb5: {  	_ =	strace $0x90000048  }
0xb6: {  	_ =	sfence  }
0xb7: {  	s30 =	sld [smem:$0x0];
	_ =	sdelay $0x2  }
0xb8: {  	s31 =	sshll.u32 s1, $0xD;
	s1 =	sshrl.u32 s1, $0x2  }
0xb9: {  	s3 =	sand.u32 $0x4000, s31;
	s1 =	sadd.s32 s1, s30  }
0xba: {  	s0 =	sor.u32 s3, s0;
	s1 =	sshll.u32 s1, $0x11  }
0xbb: {  	s0 =	sor.u32 s1, s0  }
0xbc: {  	s0 =	sadd.s32 $0x8F2B, s0  }
0xbd: {  	[sflag:s0] =	ssyncadd.remote.s32 $0x1  }
0xbe: {  	_ =	sfence.sel $0xFFFF  }
0xbf: {  	[dreg:$0x0] =	wrdreg $0xFFFFFFFF;
	(pc) =	sbr.abs _section_cstart, $3  }
0xc0: {  	[dreg:$0x1] =	wrdreg $0xFFFFFFFF  }
0xc1: {  	_ =	task.clear_ibuf [dreg:s7], $0x2FFFF;
	_ =	strace $0x9FFFFFFF  }
0xc2: {  	(tm) =	ssettm $0x7FFFFFFF  }
0xc3: {  	_ =	shalt  }
tec
execute0_lowered:
.L_overlay_start_1:
0x0: {  	(tag) =	ssettag $0x1  }
0x1: {  	s3 =	rddreg [dreg:$0x0];
	s0 =	srdreg.scid  }
0x2: {  	s1 =	stileid.u32;
	s4 =	rddreg [dreg:$0x1]  }
0x3: {  	s2 =	simm.s32 $0x0;
	s5 =	sand.u32 $0x1, s0;
	s22 =	sshll.u32 s1, $0x1  }
0x4: {  	[smem:$0x7FF] =	sst s2;
	s0 =	sor.u32 s5, s22  }
0x5: {  	[smem:$0x7E9] =	sst s5;
	s11 =	smul.u32 $0x6400, s0  }
0x6: {  	[smem:$0x7D4] =	sst s0  }
0x7: {  	s7 =	sadd.s32 $0xC00, s3;
	_ =	strace $0x80000047;
	s0 =	sshrl.u32 s11, $0x3  }
0x8: {  	s23 =	sor.u32 $0x320, s11;
	s25 =	sadd.s32 $0x640, s11;
	s5 =	sadd.s32 $0x960, s11  }
0x9: {  	s8 =	sadd.s32 $0xC80, s11;
	s10 =	sadd.s32 $0xFA0, s11;
	[smem:$0x7D7] =	sst s23  }
0xa: {  	s15 =	sadd.s32 $0x12C0, s11;
	s28 =	sadd.s32 $0x41A0, s11;
	[smem:$0x7D9] =	sst s25  }
0xb: {  	s29 =	sadd.s32 $0x44C0, s11;
	s30 =	sadd.s32 $0x47E0, s11;
	[smem:$0x7DB] =	sst s5  }
0xc: {  	s31 =	sadd.s32 $0x4B00, s11;
	s0 =	sadd.s32 s7, s0;
	[smem:$0x7DD] =	sst s8  }
0xd: {  	s24 =	sshrl.u32 s23, $0x3;
	s1 =	sshrl.u32 s25, $0x3;
	[smem:$0x7DF] =	sst s10  }
0xe: {  	s6 =	sshrl.u32 s5, $0x3;
	s9 =	sshrl.u32 s8, $0x3;
	[smem:$0x7E1] =	sst s15  }
0xf: {  	s13 =	sshrl.u32 s10, $0x3;
	[dreg:$0x3] =	wrdreg s0;
	s26 =	sadd.s32 s7, s24  }
0x10: {  	s16 =	sshrl.u32 s15, $0x3;
	s3 =	sadd.s32 s7, s1;
	[dreg:$0x4] =	wrdreg s26  }
0x11: {  	s15 =	sadd.s32 $0x1C20, s11;
	s0 =	sadd.s32 s7, s6;
	[dreg:$0x5] =	wrdreg s3  }
0x12: {  	s12 =	sadd.s32 s7, s9;
	s14 =	sadd.s32 s7, s13;
	[dreg:$0x6] =	wrdreg s0  }
0x13: {  	s13 =	sadd.s32 $0x15E0, s11;
	s21 =	sshrl.u32 s15, $0x3;
	[dreg:$0x7] =	wrdreg s12  }
0x14: {  	[dreg:$0x8] =	wrdreg s14;
	s0 =	sadd.s32 s7, s16;
	s17 =	sshrl.u32 s13, $0x3  }
0x15: {  	s14 =	sadd.s32 $0x1900, s11;
	s16 =	sadd.s32 $0x1F40, s11;
	[dreg:$0x9] =	wrdreg s0  }
0x16: {  	s18 =	sadd.s32 s7, s17;
	s19 =	sshrl.u32 s14, $0x3;
	s0 =	sadd.s32 s7, s21  }
0x17: {  	s22 =	sshrl.u32 s16, $0x3;
	s17 =	sadd.s32 $0x2260, s11;
	[dreg:$0xa] =	wrdreg s18  }
0x18: {  	s21 =	sadd.s32 $0x2EE0, s11;
	s20 =	sadd.s32 s7, s19;
	[dreg:$0xc] =	wrdreg s0  }
0x19: {  	s23 =	sadd.s32 s7, s22;
	s24 =	sshrl.u32 s17, $0x3;
	s18 =	sadd.s32 $0x28A0, s11  }
0x1a: {  	s19 =	sadd.s32 $0x2BC0, s11;
	s9 =	sshrl.u32 s21, $0x3;
	[dreg:$0xb] =	wrdreg s20  }
0x1b: {  	s22 =	sadd.s32 $0x3200, s11;
	[dreg:$0xd] =	wrdreg s23;
	s25 =	sadd.s32 s7, s24  }
0x1c: {  	s20 =	sadd.s32 $0x2580, s11;
	s1 =	sshrl.u32 s18, $0x3;
	s6 =	sshrl.u32 s19, $0x3  }
0x1d: {  	s10 =	sshrl.u32 s22, $0x3;
	s23 =	sadd.s32 $0x3520, s11;
	[dreg:$0xe] =	wrdreg s25  }
0x1e: {  	s26 =	sshrl.u32 s20, $0x3;
	s5 =	sadd.s32 s7, s1;
	s8 =	sadd.s32 s7, s6  }
0x1f: {  	s12 =	sadd.s32 s7, s10;
	s24 =	sshrl.u32 s23, $0x3;
	[dreg:$0x10] =	wrdreg s5  }
0x20: {  	s10 =	sshrl.u32 s29, $0x3;
	s0 =	sadd.s32 s7, s26;
	[dreg:$0x11] =	wrdreg s8  }
0x21: {  	[dreg:$0x13] =	wrdreg s12;
	s25 =	sadd.s32 s7, s24;
	s24 =	sadd.s32 $0x3840, s11  }
0x22: {  	s12 =	sadd.s32 s7, s10;
	s10 =	sadd.s32 $0x5140, s11;
	[dreg:$0xf] =	wrdreg s0  }
0x23: {  	s0 =	sadd.s32 s7, s9;
	[dreg:$0x14] =	wrdreg s25;
	s26 =	sshrl.u32 s24, $0x3  }
0x24: {  	s25 =	sadd.s32 $0x3B60, s11;
	s9 =	sshrl.u32 s28, $0x3;
	[dreg:$0x19] =	wrdreg s12  }
0x25: {  	s12 =	sadd.s32 $0x4E20, s11;
	[dreg:$0x12] =	wrdreg s0;
	s0 =	sadd.s32 s7, s26  }
0x26: {  	s1 =	sshrl.u32 s25, $0x3;
	s26 =	sadd.s32 $0x3E80, s11;
	[dreg:$0x15] =	wrdreg s0  }
0x27: {  	s5 =	sadd.s32 s7, s1;
	s6 =	sshrl.u32 s26, $0x3;
	s0 =	sadd.s32 s7, s9  }
0x28: {  	s1 =	sshrl.u32 s30, $0x3;
	s9 =	sshrl.u32 s10, $0x3;
	[dreg:$0x16] =	wrdreg s5  }
0x29: {  	s8 =	sadd.s32 s7, s6;
	[dreg:$0x18] =	wrdreg s0;
	s3 =	sadd.s32 s7, s1  }
0x2a: {  	s5 =	sshrl.u32 s31, $0x3;
	s6 =	sshrl.u32 s12, $0x3;
	[dreg:$0x17] =	wrdreg s8  }
0x2b: {  	s1 =	sadd.s32 s7, s9;
	[dreg:$0x1a] =	wrdreg s3;
	s8 =	sadd.s32 s7, s6  }
0x2c: {  	s9 =	sadd.s32 $0x5460, s11;
	[dreg:$0x1c] =	wrdreg s8;
	s8 =	sadd.s32 $0x5780, s11  }
0x2d: {  	s0 =	sadd.s32 s7, s5;
	s3 =	sshrl.u32 s9, $0x3;
	s5 =	sshrl.u32 s8, $0x3  }
0x2e: {  	[dreg:$0x1b] =	wrdreg s0;
	s0 =	sadd.s32 s7, s3;
	s3 =	sadd.s32 s7, s5  }
0x2f: {  	[dreg:$0x1f] =	wrdreg s3  }
0x30: {  	s6 =	sadd.s32 $0x5AA0, s11;
	s3 =	sld [smem:$0x7D4]  }
0x31: {  	[dreg:$0x1d] =	wrdreg s1;
	s5 =	sshrl.u32 s6, $0x3  }
0x32: {  	[dreg:$0x1e] =	wrdreg s0;
	s1 =	sadd.s32 s7, s5;
	s5 =	sadd.s32 $0x5DC0, s11  }
0x33: {  	s11 =	sadd.s32 $0x60E0, s11;
	s0 =	sshrl.u32 s5, $0x3;
	s3 =	smul.u32 $0x19000, s3  }
0x34: {  	[smem:$0x7D3] =	sst s1;
	s1 =	sadd.s32 s7, s0;
	s0 =	sshrl.u32 s11, $0x3  }
0x35: {  	s0 =	sadd.s32 s7, s0;
	s7 =	sadd.s32 s4, s3;
	s3 =	sld [smem:$0x7D7]  }
0x36: {  	_ = 	snop  }
0x37: {  	[smem:$0x7D5] =	sst s1  }
0x38: {  	s1 =	sshll.u32 s3, $0x2;
	s3 =	sld [smem:$0x7D9];
	_ =	sdelay $0x1  }
0x39: {  	[smem:$0x7D8] =	sst s7  }
0x3a: {  	s7 =	sadd.s32 s4, s1;
	s1 =	sshll.u32 s3, $0x2;
	s3 =	sld [smem:$0x7DB]  }
0x3b: {  	_ = 	snop  }
0x3c: {  	[smem:$0x7DA] =	sst s7  }
0x3d: {  	s7 =	sadd.s32 s4, s1;
	s1 =	sshll.u32 s3, $0x2;
	s3 =	sld [smem:$0x7DD]  }
0x3e: {  	_ = 	snop  }
0x3f: {  	[smem:$0x7DC] =	sst s7  }
0x40: {  	s7 =	sadd.s32 s4, s1;
	s1 =	sshll.u32 s3, $0x2;
	s3 =	sld [smem:$0x7DF]  }
0x41: {  	_ = 	snop  }
0x42: {  	p0 =	por $0x0, $0x0;
	[smem:$0x7DE] =	sst s7  }
0x43: {  	s7 =	sadd.s32 s4, s1;
	s1 =	sshll.u32 s3, $0x2;
	s3 =	sld [smem:$0x7E1]  }
0x44: {  	s13 =	sshll.u32 s13, $0x2;
	s16 =	sshll.u32 s16, $0x2;
	s23 =	sshll.u32 s23, $0x2  }
0x45: {  	s6 =	sshll.u32 s6, $0x2;
	s5 =	sshll.u32 s5, $0x2;
	[smem:$0x7D6] =	sst s0  }
0x46: {  	[smem:$0x7E0] =	sst s7;
	s7 =	sadd.s32 s4, s1;
	s1 =	sshll.u32 s3, $0x2  }
0x47: {  	[smem:$0x7E2] =	sst s7;
	s3 =	sadd.s32 s4, s13;
	s7 =	sadd.s32 s4, s1  }
0x48: {  	[smem:$0x7E4] =	sst s3;
	s1 =	sadd.s32 s4, s16;
	s3 =	sshll.u32 s17, $0x2  }
0x49: {  	s16 =	sshll.u32 s18, $0x2;
	s17 =	sshll.u32 s19, $0x2;
	s19 =	sshll.u32 s21, $0x2  }
0x4a: {  	s21 =	sshll.u32 s22, $0x2;
	[smem:$0x7E3] =	sst s7;
	s7 =	sshll.u32 s14, $0x2  }
0x4b: {  	s14 =	sshll.u32 s15, $0x2;
	[smem:$0x7E7] =	sst s1;
	s0 =	sadd.s32 s4, s16  }
0x4c: {  	s18 =	sadd.s32 s4, s17;
	s22 =	sadd.s32 s4, s21;
	[smem:$0x7EB] =	sst s0  }
0x4d: {  	s16 =	sshll.u32 s25, $0x2;
	s13 =	sadd.s32 s4, s7;
	[smem:$0x7EC] =	sst s18  }
0x4e: {  	s15 =	sadd.s32 s4, s14;
	s7 =	sadd.s32 s4, s3;
	[smem:$0x7EE] =	sst s22  }
0x4f: {  	s17 =	sadd.s32 s4, s16;
	s18 =	sshll.u32 s26, $0x2;
	[smem:$0x7E5] =	sst s13  }
0x50: {  	s22 =	sshll.u32 s29, $0x2;
	s26 =	sshll.u32 s31, $0x2;
	[smem:$0x7E6] =	sst s15  }
0x51: {  	s31 =	simm.s32 $0x3B60;
	s29 =	simm.s32 $0x41A0;
	[smem:$0x7E8] =	sst s7  }
0x52: {  	s13 =	sshll.u32 s20, $0x2;
	s15 =	sld [smem:$0x7E9];
	s20 =	sadd.s32 s4, s19  }
0x53: {  	[smem:$0x7F1] =	sst s17;
	s19 =	sadd.s32 s4, s18;
	s7 =	sadd.s32 s4, s26  }
0x54: {  	s17 =	sshll.u32 s9, $0x2;
	s9 =	simm.s32 $0x19000;
	[smem:$0x7ED] =	sst s20  }
0x55: {  	s14 =	sadd.s32 s4, s13;
	s13 =	sadd.s32 s4, s23;
	[smem:$0x7F2] =	sst s19  }
0x56: {  	s20 =	sshll.u32 s28, $0x2;
	s23 =	sadd.s32 s4, s22;
	[smem:$0x7F6] =	sst s7  }
0x57: {  	s18 =	sadd.s32 s4, s17;
	s19 =	sshll.u32 s8, $0x2;
	s22 =	sadd.s32 s4, s5  }
0x58: {  	s28 =	simm.s32 $0x44C0;
	s17 =	simm.s32 $0x2;
	s8 =	simm.s32 $0x6  }
0x59: {  	s7 =	simm.s32 $0x7;
	s5 =	simm.s32 $0x9;
	[smem:$0x7EA] =	sst s14  }
0x5a: {  	s14 =	sshll.u32 s24, $0x2;
	[smem:$0x7EF] =	sst s13;
	s21 =	sadd.s32 s4, s20  }
0x5b: {  	s24 =	sshll.u32 s30, $0x2;
	[smem:$0x7F4] =	sst s23;
	s13 =	sshll.u32 s12, $0x2  }
0x5c: {  	[smem:$0x7F9] =	sst s18;
	s20 =	sadd.s32 s4, s19;
	s23 =	sshll.u32 s11, $0x2  }
0x5d: {  	[smem:$0x7FC] =	sst s22;
	s30 =	simm.s32 $0x3E80;
	s22 =	simm.s32 $0x5460  }
0x5e: {  	s19 =	simm.s32 $0x5DC0;
	s18 =	simm.s32 $0x60E0;
	s11 =	simm.s32 $0xC800  }
0x5f: {  	s12 =	simm.s32 $0x5;
	s1 =	ssub.s32 $0x2, s15;
	[smem:$0x7F3] =	sst s21  }
0x60: {  	s15 =	sadd.s32 s4, s14;
	s25 =	sadd.s32 s4, s24;
	[smem:$0x7FA] =	sst s20  }
0x61: {  	s14 =	sadd.s32 s4, s13;
	s21 =	sadd.s32 s4, s6;
	[smem:$0x7F0] =	sst s15  }
0x62: {  	s24 =	sadd.s32 s4, s23;
	s23 =	simm.s32 $0x5140;
	[smem:$0x7F5] =	sst s25  }
0x63: {  	s20 =	simm.s32 $0x5AA0;
	s3 =	sshrl.u32 s1, $0x1;
	[smem:$0x7F7] =	sst s14  }
0x64: {  	s13 =	simm.s32 $0x4;
	[smem:$0x7FB] =	sst s21;
	s1 =	ssub.s32 s1, s3  }
0x65: {  	s6 =	simm.s32 $0x8;
	s25 =	rddreg [dreg:$0x0];
	s26 =	smax.u32 s1, $0x1  }
0x66: {  	s15 =	sshll.u32 s10, $0x2;
	[smem:$0x7FD] =	sst s24;
	p1 =	sne.s32 s26, $0x1  }
.Ltmp0:
0x67: {  	s24 =	simm.s32 $0x4E20;
	s21 =	simm.s32 $0x5780;
	(pc) =	sbr.rel @!p1 .LBB2_3-.Ltmp0, $4  }
0x68: {  	s14 =	simm.s32 $0x6400;
	s10 =	simm.s32 $0x12C00;
	s16 =	sadd.s32 s4, s15  }
0x69: {  	s3 =	sadd.s32 $0x19C00, s25;
	s4 =	simm.s32 $0x320;
	s25 =	simm.s32 $0x4B00  }
0x6a: {  	s15 =	simm.s32 $0x3;
	[smem:$0x7F8] =	sst s16;
	s1 =	simm.s32 $0x1  }
0x6b: {  	s16 =	rddreg [dreg:$0x3];
	s0 =	sadd.s32 $0xFFFFFFFF, s26;
	s26 =	simm.s32 $0x47E0  }
0x6c: {  	[smem:$0x7D2] =	sst s0  }
0x6d: {  	s10 =	rddreg [dreg:$0x4]  }
0x6e: {  	[tilespmem:s2], [sflag:$0x1] =	stream.linear.gather [hbm4b:s16+s2], $0x320, $0x38;
	[tilespmem:$0x1F400] =	vst v63  }
0x6f: {  	s11 =	rddreg [dreg:$0x5]  }
0x70: {  	[tilespmem:s4], [sflag:$0x1] =	stream.linear.gather [hbm4b:s10+s2], $0x320, $0x38;
	[tilespmem:$0x1F400] =	vst v63  }
0x71: {  	s0 =	rddreg [dreg:$0x6];
	s10 =	simm.s32 $0x640  }
0x72: {  	[tilespmem:s10], [sflag:$0x1] =	stream.linear.gather [hbm4b:s11+s2], $0x320, $0x38;
	[tilespmem:$0x1F400] =	vst v63  }
0x73: {  	s16 =	rddreg [dreg:$0x7];
	s11 =	simm.s32 $0x960  }
0x74: {  	[tilespmem:s11], [sflag:$0x1] =	stream.linear.gather [hbm4b:s0+s2], $0x320, $0x38;
	[tilespmem:$0x1F400] =	vst v63  }
0x75: {  	s10 =	simm.s32 $0xC80;
	s0 =	rddreg [dreg:$0x8]  }
0x76: {  	[tilespmem:s10], [sflag:$0x1] =	stream.linear.gather [hbm4b:s16+s2], $0x320, $0x38;
	[tilespmem:$0x1F400] =	vst v63  }
0x77: {  	s16 =	rddreg [dreg:$0x9];
	s10 =	simm.s32 $0xFA0  }
0x78: {  	[tilespmem:s10], [sflag:$0x1] =	stream.linear.gather [hbm4b:s0+s2], $0x320, $0x38;
	[tilespmem:$0x1F400] =	vst v63  }
0x79: {  	s0 =	rddreg [dreg:$0xa];
	s10 =	simm.s32 $0x12C0  }
0x7a: {  	[tilespmem:s10], [sflag:$0x1] =	stream.linear.gather [hbm4b:s16+s2], $0x320, $0x38;
	[tilespmem:$0x1F400] =	vst v63  }
0x7b: {  	s16 =	rddreg [dreg:$0xb];
	s10 =	simm.s32 $0x15E0  }
0x7c: {  	[tilespmem:s10], [sflag:$0x1] =	stream.linear.gather [hbm4b:s0+s2], $0x320, $0x38;
	[tilespmem:$0x1F400] =	vst v63  }
0x7d: {  	s0 =	rddreg [dreg:$0xc];
	s10 =	simm.s32 $0x1900  }
0x7e: {  	[tilespmem:s10], [sflag:$0x1] =	stream.linear.gather [hbm4b:s16+s2], $0x320, $0x38;
	[tilespmem:$0x1F400] =	vst v63  }
0x7f: {  	s16 =	rddreg [dreg:$0xd];
	s10 =	simm.s32 $0x1C20  }
0x80: {  	[tilespmem:s10], [sflag:$0x1] =	stream.linear.gather [hbm4b:s0+s2], $0x320, $0x38;
	[tilespmem:$0x1F400] =	vst v63  }
0x81: {  	s0 =	rddreg [dreg:$0xe];
	s10 =	simm.s32 $0x1F40  }
0x82: {  	[tilespmem:s10], [sflag:$0x1] =	stream.linear.gather [hbm4b:s16+s2], $0x320, $0x38;
	[tilespmem:$0x1F400] =	vst v63  }
0x83: {  	s16 =	rddreg [dreg:$0xf];
	s10 =	simm.s32 $0x2260  }
0x84: {  	[tilespmem:s10], [sflag:$0x1] =	stream.linear.gather [hbm4b:s0+s2], $0x320, $0x38;
	[tilespmem:$0x1F400] =	vst v63  }
0x85: {  	s0 =	rddreg [dreg:$0x10];
	s10 =	simm.s32 $0x2580  }
0x86: {  	[tilespmem:s10], [sflag:$0x1] =	stream.linear.gather [hbm4b:s16+s2], $0x320, $0x38;
	[tilespmem:$0x1F400] =	vst v63  }
0x87: {  	s16 =	rddreg [dreg:$0x11];
	s10 =	simm.s32 $0x28A0  }
0x88: {  	[tilespmem:s10], [sflag:$0x1] =	stream.linear.gather [hbm4b:s0+s2], $0x320, $0x38;
	[tilespmem:$0x1F400] =	vst v63  }
0x89: {  	s0 =	rddreg [dreg:$0x12];
	s10 =	simm.s32 $0x2BC0  }
0x8a: {  	[tilespmem:s10], [sflag:$0x1] =	stream.linear.gather [hbm4b:s16+s2], $0x320, $0x38;
	[tilespmem:$0x1F400] =	vst v63  }
0x8b: {  	s16 =	rddreg [dreg:$0x13];
	s10 =	simm.s32 $0x2EE0  }
0x8c: {  	[tilespmem:s10], [sflag:$0x1] =	stream.linear.gather [hbm4b:s0+s2], $0x320, $0x38;
	[tilespmem:$0x1F400] =	vst v63  }
0x8d: {  	s0 =	rddreg [dreg:$0x14];
	s10 =	simm.s32 $0x3200  }
0x8e: {  	[tilespmem:s10], [sflag:$0x1] =	stream.linear.gather [hbm4b:s16+s2], $0x320, $0x38;
	[tilespmem:$0x1F400] =	vst v63  }
0x8f: {  	s16 =	rddreg [dreg:$0x15];
	s10 =	simm.s32 $0x3520  }
0x90: {  	[tilespmem:s10], [sflag:$0x1] =	stream.linear.gather [hbm4b:s0+s2], $0x320, $0x38;
	[tilespmem:$0x1F400] =	vst v63  }
0x91: {  	s0 =	rddreg [dreg:$0x16];
	s10 =	simm.s32 $0x3840  }
0x92: {  	[tilespmem:s10], [sflag:$0x1] =	stream.linear.gather [hbm4b:s16+s2], $0x320, $0x38;
	[tilespmem:$0x1F400] =	vst v63  }
0x93: {  	s16 =	rddreg [dreg:$0x17]  }
0x94: {  	[tilespmem:s31], [sflag:$0x1] =	stream.linear.gather [hbm4b:s0+s2], $0x320, $0x38;
	[tilespmem:$0x1F400] =	vst v63  }
0x95: {  	s10 =	rddreg [dreg:$0x18]  }
0x96: {  	[tilespmem:s30], [sflag:$0x1] =	stream.linear.gather [hbm4b:s16+s2], $0x320, $0x38;
	[tilespmem:$0x1F400] =	vst v63  }
0x97: {  	s16 =	rddreg [dreg:$0x19]  }
0x98: {  	[tilespmem:s29], [sflag:$0x1] =	stream.linear.gather [hbm4b:s10+s2], $0x320, $0x38;
	[tilespmem:$0x1F400] =	vst v63  }
0x99: {  	s10 =	rddreg [dreg:$0x1a]  }
0x9a: {  	[tilespmem:s28], [sflag:$0x1] =	stream.linear.gather [hbm4b:s16+s2], $0x320, $0x38;
	[tilespmem:$0x1F400] =	vst v63  }
0x9b: {  	s16 =	rddreg [dreg:$0x1b]  }
0x9c: {  	[tilespmem:s26], [sflag:$0x1] =	stream.linear.gather [hbm4b:s10+s2], $0x320, $0x38;
	[tilespmem:$0x1F400] =	vst v63  }
0x9d: {  	s10 =	rddreg [dreg:$0x1c]  }
0x9e: {  	[tilespmem:s25], [sflag:$0x1] =	stream.linear.gather [hbm4b:s16+s2], $0x320, $0x38;
	[tilespmem:$0x1F400] =	vst v63  }
0x9f: {  	s16 =	rddreg [dreg:$0x1d]  }
0xa0: {  	[tilespmem:s24], [sflag:$0x1] =	stream.linear.gather [hbm4b:s10+s2], $0x320, $0x38;
	[tilespmem:$0x1F400] =	vst v63  }
0xa1: {  	s10 =	rddreg [dreg:$0x1e]  }
0xa2: {  	[tilespmem:s23], [sflag:$0x1] =	stream.linear.gather [hbm4b:s16+s2], $0x320, $0x38;
	[tilespmem:$0x1F400] =	vst v63  }
0xa3: {  	s16 =	rddreg [dreg:$0x1f]  }
0xa4: {  	[tilespmem:s22], [sflag:$0x1] =	stream.linear.gather [hbm4b:s10+s2], $0x320, $0x38;
	[tilespmem:$0x1F400] =	vst v63  }
0xa5: {  	s10 =	sld [smem:$0x7D3]  }
0xa6: {  	[tilespmem:s21], [sflag:$0x1] =	stream.linear.gather [hbm4b:s16+s2], $0x320, $0x38;
	[tilespmem:$0x1F400] =	vst v63  }
0xa7: {  	s16 =	sld [smem:$0x7D5]  }
0xa8: {  	[tilespmem:s20], [sflag:$0x1] =	stream.linear.gather [hbm4b:s10+s2], $0x320, $0x38;
	[tilespmem:$0x1F400] =	vst v63  }
0xa9: {  	s10 =	sld [smem:$0x7D6]  }
0xaa: {  	[tilespmem:s19], [sflag:$0x1] =	stream.linear.gather [hbm4b:s16+s2], $0x320, $0x38;
	[tilespmem:$0x1F400] =	vst v63  }
0xab: {  	_ = 	snop  }
0xac: {  	[tilespmem:s18], [sflag:$0x1] =	stream.linear.gather [hbm4b:s10+s2], $0x320, $0x38;
	[tilespmem:$0x1F400] =	vst v63  }
0xad: {  	_ =	swait.ge [sflag:s1], $0x320  }
0xae: {  	[sflag:s1] =	ssyncset.done $0x0  }
0xaf: {  	[sflag:s1] =	ssyncadd.s32 $0xFFFFFCE0  }
0xb0: {  	_ =	swait.ge [sflag:s1], $0x320  }
0xb1: {  	[sflag:s1] =	ssyncset.done $0x0  }
0xb2: {  	[sflag:s1] =	ssyncadd.s32 $0xFFFFFCE0  }
0xb3: {  	_ =	swait.ge [sflag:s1], $0x320  }
0xb4: {  	[sflag:s1] =	ssyncset.done $0x0  }
0xb5: {  	[sflag:s1] =	ssyncadd.s32 $0xFFFFFCE0  }
0xb6: {  	_ =	swait.ge [sflag:s1], $0x320  }
0xb7: {  	[sflag:s1] =	ssyncset.done $0x0  }
0xb8: {  	[sflag:s1] =	ssyncadd.s32 $0xFFFFFCE0  }
0xb9: {  	_ =	swait.ge [sflag:s1], $0x320  }
0xba: {  	[sflag:s1] =	ssyncset.done $0x0  }
0xbb: {  	[sflag:s1] =	ssyncadd.s32 $0xFFFFFCE0  }
0xbc: {  	_ =	swait.ge [sflag:s1], $0x320  }
0xbd: {  	[sflag:s1] =	ssyncset.done $0x0  }
0xbe: {  	[sflag:s1] =	ssyncadd.s32 $0xFFFFFCE0  }
0xbf: {  	_ =	swait.ge [sflag:s1], $0x320  }
0xc0: {  	[sflag:s1] =	ssyncset.done $0x0  }
0xc1: {  	[sflag:s1] =	ssyncadd.s32 $0xFFFFFCE0  }
0xc2: {  	_ =	swait.ge [sflag:s1], $0x320  }
0xc3: {  	[sflag:s1] =	ssyncset.done $0x0  }
0xc4: {  	[sflag:s1] =	ssyncadd.s32 $0xFFFFFCE0  }
0xc5: {  	_ =	swait.ge [sflag:s1], $0x320  }
0xc6: {  	[sflag:s1] =	ssyncset.done $0x0  }
0xc7: {  	[sflag:s1] =	ssyncadd.s32 $0xFFFFFCE0  }
0xc8: {  	_ =	swait.ge [sflag:s1], $0x320  }
0xc9: {  	[sflag:s1] =	ssyncset.done $0x0  }
0xca: {  	[sflag:s1] =	ssyncadd.s32 $0xFFFFFCE0  }
0xcb: {  	_ =	swait.ge [sflag:s1], $0x320  }
0xcc: {  	[sflag:s1] =	ssyncset.done $0x0  }
0xcd: {  	[sflag:s1] =	ssyncadd.s32 $0xFFFFFCE0  }
0xce: {  	_ =	swait.ge [sflag:s1], $0x320  }
0xcf: {  	[sflag:s1] =	ssyncset.done $0x0  }
0xd0: {  	[sflag:s1] =	ssyncadd.s32 $0xFFFFFCE0  }
0xd1: {  	_ =	swait.ge [sflag:s1], $0x320  }
0xd2: {  	[sflag:s1] =	ssyncset.done $0x0  }
0xd3: {  	[sflag:s1] =	ssyncadd.s32 $0xFFFFFCE0  }
0xd4: {  	_ =	swait.ge [sflag:s1], $0x320  }
0xd5: {  	[sflag:s1] =	ssyncset.done $0x0  }
0xd6: {  	[sflag:s1] =	ssyncadd.s32 $0xFFFFFCE0  }
0xd7: {  	_ =	swait.ge [sflag:s1], $0x320  }
0xd8: {  	[sflag:s1] =	ssyncset.done $0x0  }
0xd9: {  	[sflag:s1] =	ssyncadd.s32 $0xFFFFFCE0  }
0xda: {  	_ =	swait.ge [sflag:s1], $0x320  }
0xdb: {  	[sflag:s1] =	ssyncset.done $0x0  }
0xdc: {  	[sflag:s1] =	ssyncadd.s32 $0xFFFFFCE0  }
0xdd: {  	_ =	swait.ge [sflag:s1], $0x320  }
0xde: {  	[sflag:s1] =	ssyncset.done $0x0  }
0xdf: {  	[sflag:s1] =	ssyncadd.s32 $0xFFFFFCE0  }
0xe0: {  	_ =	swait.ge [sflag:s1], $0x320  }
0xe1: {  	[sflag:s1] =	ssyncset.done $0x0  }
0xe2: {  	[sflag:s1] =	ssyncadd.s32 $0xFFFFFCE0  }
0xe3: {  	_ =	swait.ge [sflag:s1], $0x320  }
0xe4: {  	[sflag:s1] =	ssyncset.done $0x0  }
0xe5: {  	[sflag:s1] =	ssyncadd.s32 $0xFFFFFCE0  }
0xe6: {  	_ =	swait.ge [sflag:s1], $0x320  }
0xe7: {  	[sflag:s1] =	ssyncset.done $0x0  }
0xe8: {  	[sflag:s1] =	ssyncadd.s32 $0xFFFFFCE0  }
0xe9: {  	_ =	swait.ge [sflag:s1], $0x320  }
0xea: {  	[sflag:s1] =	ssyncset.done $0x0  }
0xeb: {  	[sflag:s1] =	ssyncadd.s32 $0xFFFFFCE0  }
0xec: {  	_ =	swait.ge [sflag:s1], $0x320  }
0xed: {  	[sflag:s1] =	ssyncset.done $0x0  }
0xee: {  	[sflag:s1] =	ssyncadd.s32 $0xFFFFFCE0  }
0xef: {  	_ =	swait.ge [sflag:s1], $0x320  }
0xf0: {  	[sflag:s1] =	ssyncset.done $0x0  }
0xf1: {  	[sflag:s1] =	ssyncadd.s32 $0xFFFFFCE0  }
0xf2: {  	_ =	swait.ge [sflag:s1], $0x320  }
0xf3: {  	[sflag:s1] =	ssyncset.done $0x0  }
0xf4: {  	[sflag:s1] =	ssyncadd.s32 $0xFFFFFCE0  }
0xf5: {  	_ =	swait.ge [sflag:s1], $0x320  }
0xf6: {  	[sflag:s1] =	ssyncset.done $0x0  }
0xf7: {  	[sflag:s1] =	ssyncadd.s32 $0xFFFFFCE0  }
0xf8: {  	_ =	swait.ge [sflag:s1], $0x320  }
0xf9: {  	[sflag:s1] =	ssyncset.done $0x0  }
0xfa: {  	[sflag:s1] =	ssyncadd.s32 $0xFFFFFCE0  }
0xfb: {  	_ =	swait.ge [sflag:s1], $0x320  }
0xfc: {  	[sflag:s1] =	ssyncset.done $0x0  }
0xfd: {  	[sflag:s1] =	ssyncadd.s32 $0xFFFFFCE0  }
0xfe: {  	_ =	swait.ge [sflag:s1], $0x320  }
0xff: {  	[sflag:s1] =	ssyncset.done $0x0  }
0x100: {  	[sflag:s1] =	ssyncadd.s32 $0xFFFFFCE0  }
0x101: {  	_ =	swait.ge [sflag:s1], $0x320  }
0x102: {  	[sflag:s1] =	ssyncset.done $0x0  }
0x103: {  	[sflag:s1] =	ssyncadd.s32 $0xFFFFFCE0  }
0x104: {  	_ =	swait.ge [sflag:s1], $0x320  }
0x105: {  	[sflag:s1] =	ssyncset.done $0x0  }
0x106: {  	[sflag:s1] =	ssyncadd.s32 $0xFFFFFCE0  }
0x107: {  	_ =	swait.ge [sflag:s1], $0x320  }
0x108: {  	[sflag:s1] =	ssyncset.done $0x0  }
0x109: {  	[sflag:s1] =	ssyncadd.s32 $0xFFFFFCE0  }
0x10a: {  	_ =	swait.ge [sflag:s1], $0x320  }
0x10b: {  	[sflag:s1] =	ssyncset.done $0x0  }
0x10c: {  	[sflag:s1] =	ssyncadd.s32 $0xFFFFFCE0  }
0x10d: {  	[tilespmem:s14], [sflag:$0x2] =	stream.indirect.gather [hbm4b:s3+s4], $0x20, s2, s4, $0xb8;
	[tilespmem:$0x1F400] =	vst v63  }
0x10e: {  	s16 =	simm.s32 $0xC800  }
0x10f: {  	[tilespmem:s16], [sflag:$0x3] =	stream.indirect.gather [hbm4b:s3+s4], $0x20, s4, s4, $0xb8;
	[tilespmem:$0x1F400] =	vst v63  }
0x110: {  	s10 =	simm.s32 $0x12C00;
	s16 =	simm.s32 $0x640  }
0x111: {  	[tilespmem:s10], [sflag:$0x4] =	stream.indirect.gather [hbm4b:s3+s4], $0x20, s16, s4, $0xb8;
	[tilespmem:$0x1F400] =	vst v63  }
0x112: {  	_ = 	snop  }
0x113: {  	[tilespmem:s9], [sflag:$0x5] =	stream.indirect.gather [hbm4b:s3+s4], $0x20, s11, s4, $0xb8;
	[tilespmem:$0x1F400] =	vst v63  }
0x114: {  	_ =	swait.ge [sflag:s17], $0x6400  }
0x115: {  	s16 =	sld [smem:$0x7D8]  }
0x116: {  	[sflag:s17] =	ssyncset.done $0x0  }
0x117: {  	[sflag:s17] =	ssyncadd.s32 $0xFFFF9C00  }
0x118: {  	[hbm4b:s16+s2] =	stream.linear.scatter [tilespmem:s14], [sflag:$0x6], $0x6400, $0x38;
	[tilespmem:$0x1F400] =	vst v63  }
0x119: {  	_ =	swait.ge [sflag:s8], $0x6400  }
0x11a: {  	[sflag:s8] =	ssyncset.done $0x0  }
0x11b: {  	s16 =	simm.s32 $0xC80;
	[sflag:s8] =	ssyncadd.s32 $0xFFFF9C00  }
0x11c: {  	[tilespmem:s14], [sflag:$0x2] =	stream.indirect.gather [hbm4b:s3+s4], $0x20, s16, s4, $0xb8;
	[tilespmem:$0x1F400] =	vst v63  }
0x11d: {  	_ =	swait.ge [sflag:s15], $0x6400  }
0x11e: {  	s16 =	sld [smem:$0x7DA]  }
0x11f: {  	[sflag:s15] =	ssyncset.done $0x0  }
0x120: {  	s11 =	simm.s32 $0xC800;
	[sflag:s15] =	ssyncadd.s32 $0xFFFF9C00  }
0x121: {  	[hbm4b:s16+s2] =	stream.linear.scatter [tilespmem:s11], [sflag:$0x7], $0x6400, $0x38;
	[tilespmem:$0x1F400] =	vst v63  }
0x122: {  	_ =	swait.ge [sflag:s7], $0x6400  }
0x123: {  	[sflag:s7] =	ssyncset.done $0x0  }
0x124: {  	s16 =	simm.s32 $0xFA0;
	[sflag:s7] =	ssyncadd.s32 $0xFFFF9C00  }
0x125: {  	[tilespmem:s11], [sflag:$0x3] =	stream.indirect.gather [hbm4b:s3+s4], $0x20, s16, s4, $0xb8;
	[tilespmem:$0x1F400] =	vst v63  }
0x126: {  	_ =	swait.ge [sflag:s13], $0x6400  }
0x127: {  	s16 =	sld [smem:$0x7DC]  }
0x128: {  	[sflag:s13] =	ssyncset.done $0x0  }
0x129: {  	s10 =	simm.s32 $0x12C00;
	[sflag:s13] =	ssyncadd.s32 $0xFFFF9C00  }
0x12a: {  	[hbm4b:s16+s2] =	stream.linear.scatter [tilespmem:s10], [sflag:$0x8], $0x6400, $0x38;
	[tilespmem:$0x1F400] =	vst v63  }
0x12b: {  	_ =	swait.ge [sflag:s6], $0x6400  }
0x12c: {  	[sflag:s6] =	ssyncset.done $0x0  }
0x12d: {  	s16 =	simm.s32 $0x12C0;
	[sflag:s6] =	ssyncadd.s32 $0xFFFF9C00  }
0x12e: {  	[tilespmem:s10], [sflag:$0x4] =	stream.indirect.gather [hbm4b:s3+s4], $0x20, s16, s4, $0xb8;
	[tilespmem:$0x1F400] =	vst v63  }
0x12f: {  	_ =	swait.ge [sflag:s12], $0x6400  }
0x130: {  	s16 =	sld [smem:$0x7DE]  }
0x131: {  	[sflag:s12] =	ssyncset.done $0x0  }
0x132: {  	[sflag:s12] =	ssyncadd.s32 $0xFFFF9C00  }
0x133: {  	[hbm4b:s16+s2] =	stream.linear.scatter [tilespmem:s9], [sflag:$0x9], $0x6400, $0x38;
	[tilespmem:$0x1F400] =	vst v63  }
0x134: {  	_ =	swait.ge [sflag:s5], $0x6400  }
0x135: {  	[sflag:s5] =	ssyncset.done $0x0  }
0x136: {  	s16 =	simm.s32 $0x15E0;
	[sflag:s5] =	ssyncadd.s32 $0xFFFF9C00  }
0x137: {  	[tilespmem:s9], [sflag:$0x5] =	stream.indirect.gather [hbm4b:s3+s4], $0x20, s16, s4, $0xb8;
	[tilespmem:$0x1F400] =	vst v63  }
0x138: {  	_ =	swait.ge [sflag:s17], $0x6400  }
0x139: {  	s16 =	sld [smem:$0x7E0]  }
0x13a: {  	[sflag:s17] =	ssyncset.done $0x0  }
0x13b: {  	[sflag:s17] =	ssyncadd.s32 $0xFFFF9C00  }
0x13c: {  	[hbm4b:s16+s2] =	stream.linear.scatter [tilespmem:s14], [sflag:$0x6], $0x6400, $0x38;
	[tilespmem:$0x1F400] =	vst v63  }
0x13d: {  	_ =	swait.ge [sflag:s8], $0x6400  }
0x13e: {  	[sflag:s8] =	ssyncset.done $0x0  }
0x13f: {  	s16 =	simm.s32 $0x1900;
	[sflag:s8] =	ssyncadd.s32 $0xFFFF9C00  }
0x140: {  	[tilespmem:s14], [sflag:$0x2] =	stream.indirect.gather [hbm4b:s3+s4], $0x20, s16, s4, $0xb8;
	[tilespmem:$0x1F400] =	vst v63  }
0x141: {  	_ =	swait.ge [sflag:s15], $0x6400  }
0x142: {  	s16 =	sld [smem:$0x7E2]  }
0x143: {  	[sflag:s15] =	ssyncset.done $0x0  }
0x144: {  	[sflag:s15] =	ssyncadd.s32 $0xFFFF9C00  }
0x145: {  	[hbm4b:s16+s2] =	stream.linear.scatter [tilespmem:s11], [sflag:$0x7], $0x6400, $0x38;
	[tilespmem:$0x1F400] =	vst v63  }
0x146: {  	_ =	swait.ge [sflag:s7], $0x6400  }
0x147: {  	[sflag:s7] =	ssyncset.done $0x0  }
0x148: {  	s16 =	simm.s32 $0x1C20;
	[sflag:s7] =	ssyncadd.s32 $0xFFFF9C00  }
0x149: {  	[tilespmem:s11], [sflag:$0x3] =	stream.indirect.gather [hbm4b:s3+s4], $0x20, s16, s4, $0xb8;
	[tilespmem:$0x1F400] =	vst v63  }
0x14a: {  	_ =	swait.ge [sflag:s13], $0x6400  }
0x14b: {  	s16 =	sld [smem:$0x7E3]  }
0x14c: {  	[sflag:s13] =	ssyncset.done $0x0  }
0x14d: {  	[sflag:s13] =	ssyncadd.s32 $0xFFFF9C00  }
0x14e: {  	[hbm4b:s16+s2] =	stream.linear.scatter [tilespmem:s10], [sflag:$0x8], $0x6400, $0x38;
	[tilespmem:$0x1F400] =	vst v63  }
0x14f: {  	_ =	swait.ge [sflag:s6], $0x6400  }
0x150: {  	[sflag:s6] =	ssyncset.done $0x0  }
0x151: {  	s16 =	simm.s32 $0x1F40;
	[sflag:s6] =	ssyncadd.s32 $0xFFFF9C00  }
0x152: {  	[tilespmem:s10], [sflag:$0x4] =	stream.indirect.gather [hbm4b:s3+s4], $0x20, s16, s4, $0xb8;
	[tilespmem:$0x1F400] =	vst v63  }
0x153: {  	_ =	swait.ge [sflag:s12], $0x6400  }
0x154: {  	s16 =	sld [smem:$0x7E4]  }
0x155: {  	[sflag:s12] =	ssyncset.done $0x0  }
0x156: {  	[sflag:s12] =	ssyncadd.s32 $0xFFFF9C00  }
0x157: {  	[hbm4b:s16+s2] =	stream.linear.scatter [tilespmem:s9], [sflag:$0x9], $0x6400, $0x38;
	[tilespmem:$0x1F400] =	vst v63  }
0x158: {  	_ =	swait.ge [sflag:s5], $0x6400  }
0x159: {  	[sflag:s5] =	ssyncset.done $0x0  }
0x15a: {  	s16 =	simm.s32 $0x2260;
	[sflag:s5] =	ssyncadd.s32 $0xFFFF9C00  }
0x15b: {  	[tilespmem:s9], [sflag:$0x5] =	stream.indirect.gather [hbm4b:s3+s4], $0x20, s16, s4, $0xb8;
	[tilespmem:$0x1F400] =	vst v63  }
0x15c: {  	_ =	swait.ge [sflag:s17], $0x6400  }
0x15d: {  	s16 =	sld [smem:$0x7E5]  }
0x15e: {  	[sflag:s17] =	ssyncset.done $0x0  }
0x15f: {  	[sflag:s17] =	ssyncadd.s32 $0xFFFF9C00  }
0x160: {  	[hbm4b:s16+s2] =	stream.linear.scatter [tilespmem:s14], [sflag:$0x6], $0x6400, $0x38;
	[tilespmem:$0x1F400] =	vst v63  }
0x161: {  	_ =	swait.ge [sflag:s8], $0x6400  }
0x162: {  	[sflag:s8] =	ssyncset.done $0x0  }
0x163: {  	s16 =	simm.s32 $0x2580;
	[sflag:s8] =	ssyncadd.s32 $0xFFFF9C00  }
0x164: {  	[tilespmem:s14], [sflag:$0x2] =	stream.indirect.gather [hbm4b:s3+s4], $0x20, s16, s4, $0xb8;
	[tilespmem:$0x1F400] =	vst v63  }
0x165: {  	_ =	swait.ge [sflag:s15], $0x6400  }
0x166: {  	s16 =	sld [smem:$0x7E6]  }
0x167: {  	[sflag:s15] =	ssyncset.done $0x0  }
0x168: {  	[sflag:s15] =	ssyncadd.s32 $0xFFFF9C00  }
0x169: {  	[hbm4b:s16+s2] =	stream.linear.scatter [tilespmem:s11], [sflag:$0x7], $0x6400, $0x38;
	[tilespmem:$0x1F400] =	vst v63  }
0x16a: {  	_ =	swait.ge [sflag:s7], $0x6400  }
0x16b: {  	[sflag:s7] =	ssyncset.done $0x0  }
0x16c: {  	s16 =	simm.s32 $0x28A0;
	[sflag:s7] =	ssyncadd.s32 $0xFFFF9C00  }
0x16d: {  	[tilespmem:s11], [sflag:$0x3] =	stream.indirect.gather [hbm4b:s3+s4], $0x20, s16, s4, $0xb8;
	[tilespmem:$0x1F400] =	vst v63  }
0x16e: {  	_ =	swait.ge [sflag:s13], $0x6400  }
0x16f: {  	s16 =	sld [smem:$0x7E7]  }
0x170: {  	[sflag:s13] =	ssyncset.done $0x0  }
0x171: {  	[sflag:s13] =	ssyncadd.s32 $0xFFFF9C00  }
0x172: {  	[hbm4b:s16+s2] =	stream.linear.scatter [tilespmem:s10], [sflag:$0x8], $0x6400, $0x38;
	[tilespmem:$0x1F400] =	vst v63  }
0x173: {  	_ =	swait.ge [sflag:s6], $0x6400  }
0x174: {  	[sflag:s6] =	ssyncset.done $0x0  }
0x175: {  	s16 =	simm.s32 $0x2BC0;
	[sflag:s6] =	ssyncadd.s32 $0xFFFF9C00  }
0x176: {  	[tilespmem:s10], [sflag:$0x4] =	stream.indirect.gather [hbm4b:s3+s4], $0x20, s16, s4, $0xb8;
	[tilespmem:$0x1F400] =	vst v63  }
0x177: {  	_ =	swait.ge [sflag:s12], $0x6400  }
0x178: {  	s16 =	sld [smem:$0x7E8]  }
0x179: {  	[sflag:s12] =	ssyncset.done $0x0  }
0x17a: {  	[sflag:s12] =	ssyncadd.s32 $0xFFFF9C00  }
0x17b: {  	[hbm4b:s16+s2] =	stream.linear.scatter [tilespmem:s9], [sflag:$0x9], $0x6400, $0x38;
	[tilespmem:$0x1F400] =	vst v63  }
0x17c: {  	_ =	swait.ge [sflag:s5], $0x6400  }
0x17d: {  	[sflag:s5] =	ssyncset.done $0x0  }
0x17e: {  	s16 =	simm.s32 $0x2EE0;
	[sflag:s5] =	ssyncadd.s32 $0xFFFF9C00  }
0x17f: {  	[tilespmem:s9], [sflag:$0x5] =	stream.indirect.gather [hbm4b:s3+s4], $0x20, s16, s4, $0xb8;
	[tilespmem:$0x1F400] =	vst v63  }
0x180: {  	_ =	swait.ge [sflag:s17], $0x6400  }
0x181: {  	s16 =	sld [smem:$0x7EA]  }
0x182: {  	[sflag:s17] =	ssyncset.done $0x0  }
0x183: {  	[sflag:s17] =	ssyncadd.s32 $0xFFFF9C00  }
0x184: {  	[hbm4b:s16+s2] =	stream.linear.scatter [tilespmem:s14], [sflag:$0x6], $0x6400, $0x38;
	[tilespmem:$0x1F400] =	vst v63  }
0x185: {  	_ =	swait.ge [sflag:s8], $0x6400  }
0x186: {  	[sflag:s8] =	ssyncset.done $0x0  }
0x187: {  	s16 =	simm.s32 $0x3200;
	[sflag:s8] =	ssyncadd.s32 $0xFFFF9C00  }
0x188: {  	[tilespmem:s14], [sflag:$0x2] =	stream.indirect.gather [hbm4b:s3+s4], $0x20, s16, s4, $0xb8;
	[tilespmem:$0x1F400] =	vst v63  }
0x189: {  	_ =	swait.ge [sflag:s15], $0x6400  }
0x18a: {  	s16 =	sld [smem:$0x7EB]  }
0x18b: {  	[sflag:s15] =	ssyncset.done $0x0  }
0x18c: {  	[sflag:s15] =	ssyncadd.s32 $0xFFFF9C00  }
0x18d: {  	[hbm4b:s16+s2] =	stream.linear.scatter [tilespmem:s11], [sflag:$0x7], $0x6400, $0x38;
	[tilespmem:$0x1F400] =	vst v63  }
0x18e: {  	_ =	swait.ge [sflag:s7], $0x6400  }
0x18f: {  	[sflag:s7] =	ssyncset.done $0x0  }
0x190: {  	s16 =	simm.s32 $0x3520;
	[sflag:s7] =	ssyncadd.s32 $0xFFFF9C00  }
0x191: {  	[tilespmem:s11], [sflag:$0x3] =	stream.indirect.gather [hbm4b:s3+s4], $0x20, s16, s4, $0xb8;
	[tilespmem:$0x1F400] =	vst v63  }
0x192: {  	_ =	swait.ge [sflag:s13], $0x6400  }
0x193: {  	s16 =	sld [smem:$0x7EC]  }
0x194: {  	[sflag:s13] =	ssyncset.done $0x0  }
0x195: {  	[sflag:s13] =	ssyncadd.s32 $0xFFFF9C00  }
0x196: {  	[hbm4b:s16+s2] =	stream.linear.scatter [tilespmem:s10], [sflag:$0x8], $0x6400, $0x38;
	[tilespmem:$0x1F400] =	vst v63  }
0x197: {  	_ =	swait.ge [sflag:s6], $0x6400  }
0x198: {  	[sflag:s6] =	ssyncset.done $0x0  }
0x199: {  	s16 =	simm.s32 $0x3840;
	[sflag:s6] =	ssyncadd.s32 $0xFFFF9C00  }
0x19a: {  	[tilespmem:s10], [sflag:$0x4] =	stream.indirect.gather [hbm4b:s3+s4], $0x20, s16, s4, $0xb8;
	[tilespmem:$0x1F400] =	vst v63  }
0x19b: {  	_ =	swait.ge [sflag:s12], $0x6400  }
0x19c: {  	s16 =	sld [smem:$0x7ED]  }
0x19d: {  	[sflag:s12] =	ssyncset.done $0x0  }
0x19e: {  	[sflag:s12] =	ssyncadd.s32 $0xFFFF9C00  }
0x19f: {  	[hbm4b:s16+s2] =	stream.linear.scatter [tilespmem:s9], [sflag:$0x9], $0x6400, $0x38;
	[tilespmem:$0x1F400] =	vst v63  }
0x1a0: {  	_ =	swait.ge [sflag:s5], $0x6400  }
0x1a1: {  	[sflag:s5] =	ssyncset.done $0x0  }
0x1a2: {  	[sflag:s5] =	ssyncadd.s32 $0xFFFF9C00  }
0x1a3: {  	[tilespmem:s9], [sflag:$0x5] =	stream.indirect.gather [hbm4b:s3+s4], $0x20, s31, s4, $0xb8;
	[tilespmem:$0x1F400] =	vst v63  }
0x1a4: {  	_ =	swait.ge [sflag:s17], $0x6400  }
0x1a5: {  	s16 =	sld [smem:$0x7EE]  }
0x1a6: {  	[sflag:s17] =	ssyncset.done $0x0  }
0x1a7: {  	[sflag:s17] =	ssyncadd.s32 $0xFFFF9C00  }
0x1a8: {  	[hbm4b:s16+s2] =	stream.linear.scatter [tilespmem:s14], [sflag:$0x6], $0x6400, $0x38;
	[tilespmem:$0x1F400] =	vst v63  }
0x1a9: {  	_ =	swait.ge [sflag:s8], $0x6400  }
0x1aa: {  	[sflag:s8] =	ssyncset.done $0x0  }
0x1ab: {  	[sflag:s8] =	ssyncadd.s32 $0xFFFF9C00  }
0x1ac: {  	[tilespmem:s14], [sflag:$0x2] =	stream.indirect.gather [hbm4b:s3+s4], $0x20, s30, s4, $0xb8;
	[tilespmem:$0x1F400] =	vst v63  }
0x1ad: {  	_ =	swait.ge [sflag:s15], $0x6400  }
0x1ae: {  	s16 =	sld [smem:$0x7EF]  }
0x1af: {  	[sflag:s15] =	ssyncset.done $0x0  }
0x1b0: {  	[sflag:s15] =	ssyncadd.s32 $0xFFFF9C00  }
0x1b1: {  	[hbm4b:s16+s2] =	stream.linear.scatter [tilespmem:s11], [sflag:$0x7], $0x6400, $0x38;
	[tilespmem:$0x1F400] =	vst v63  }
0x1b2: {  	_ =	swait.ge [sflag:s7], $0x6400  }
0x1b3: {  	[sflag:s7] =	ssyncset.done $0x0  }
0x1b4: {  	[sflag:s7] =	ssyncadd.s32 $0xFFFF9C00  }
0x1b5: {  	[tilespmem:s11], [sflag:$0x3] =	stream.indirect.gather [hbm4b:s3+s4], $0x20, s29, s4, $0xb8;
	[tilespmem:$0x1F400] =	vst v63  }
0x1b6: {  	_ =	swait.ge [sflag:s13], $0x6400  }
0x1b7: {  	s16 =	sld [smem:$0x7F0]  }
0x1b8: {  	[sflag:s13] =	ssyncset.done $0x0  }
0x1b9: {  	[sflag:s13] =	ssyncadd.s32 $0xFFFF9C00  }
0x1ba: {  	[hbm4b:s16+s2] =	stream.linear.scatter [tilespmem:s10], [sflag:$0x8], $0x6400, $0x38;
	[tilespmem:$0x1F400] =	vst v63  }
0x1bb: {  	_ =	swait.ge [sflag:s6], $0x6400  }
0x1bc: {  	[sflag:s6] =	ssyncset.done $0x0  }
0x1bd: {  	[sflag:s6] =	ssyncadd.s32 $0xFFFF9C00  }
0x1be: {  	[tilespmem:s10], [sflag:$0x4] =	stream.indirect.gather [hbm4b:s3+s4], $0x20, s28, s4, $0xb8;
	[tilespmem:$0x1F400] =	vst v63  }
0x1bf: {  	_ =	swait.ge [sflag:s12], $0x6400  }
0x1c0: {  	s16 =	sld [smem:$0x7F1]  }
0x1c1: {  	[sflag:s12] =	ssyncset.done $0x0  }
0x1c2: {  	[sflag:s12] =	ssyncadd.s32 $0xFFFF9C00  }
0x1c3: {  	[hbm4b:s16+s2] =	stream.linear.scatter [tilespmem:s9], [sflag:$0x9], $0x6400, $0x38;
	[tilespmem:$0x1F400] =	vst v63  }
0x1c4: {  	_ =	swait.ge [sflag:s5], $0x6400  }
0x1c5: {  	[sflag:s5] =	ssyncset.done $0x0  }
0x1c6: {  	[sflag:s5] =	ssyncadd.s32 $0xFFFF9C00  }
0x1c7: {  	[tilespmem:s9], [sflag:$0x5] =	stream.indirect.gather [hbm4b:s3+s4], $0x20, s26, s4, $0xb8;
	[tilespmem:$0x1F400] =	vst v63  }
0x1c8: {  	_ =	swait.ge [sflag:s17], $0x6400  }
0x1c9: {  	s16 =	sld [smem:$0x7F2]  }
0x1ca: {  	[sflag:s17] =	ssyncset.done $0x0  }
0x1cb: {  	[sflag:s17] =	ssyncadd.s32 $0xFFFF9C00  }
0x1cc: {  	[hbm4b:s16+s2] =	stream.linear.scatter [tilespmem:s14], [sflag:$0x6], $0x6400, $0x38;
	[tilespmem:$0x1F400] =	vst v63  }
0x1cd: {  	_ =	swait.ge [sflag:s8], $0x6400  }
0x1ce: {  	[sflag:s8] =	ssyncset.done $0x0  }
0x1cf: {  	[sflag:s8] =	ssyncadd.s32 $0xFFFF9C00  }
0x1d0: {  	[tilespmem:s14], [sflag:$0x2] =	stream.indirect.gather [hbm4b:s3+s4], $0x20, s25, s4, $0xb8;
	[tilespmem:$0x1F400] =	vst v63  }
0x1d1: {  	_ =	swait.ge [sflag:s15], $0x6400  }
0x1d2: {  	s16 =	sld [smem:$0x7F3]  }
0x1d3: {  	[sflag:s15] =	ssyncset.done $0x0  }
0x1d4: {  	[sflag:s15] =	ssyncadd.s32 $0xFFFF9C00  }
0x1d5: {  	[hbm4b:s16+s2] =	stream.linear.scatter [tilespmem:s11], [sflag:$0x7], $0x6400, $0x38;
	[tilespmem:$0x1F400] =	vst v63  }
0x1d6: {  	_ =	swait.ge [sflag:s7], $0x6400  }
0x1d7: {  	[sflag:s7] =	ssyncset.done $0x0  }
0x1d8: {  	[sflag:s7] =	ssyncadd.s32 $0xFFFF9C00  }
0x1d9: {  	[tilespmem:s11], [sflag:$0x3] =	stream.indirect.gather [hbm4b:s3+s4], $0x20, s24, s4, $0xb8;
	[tilespmem:$0x1F400] =	vst v63  }
0x1da: {  	_ =	swait.ge [sflag:s13], $0x6400  }
0x1db: {  	s16 =	sld [smem:$0x7F4]  }
0x1dc: {  	[sflag:s13] =	ssyncset.done $0x0  }
0x1dd: {  	[sflag:s13] =	ssyncadd.s32 $0xFFFF9C00  }
0x1de: {  	[hbm4b:s16+s2] =	stream.linear.scatter [tilespmem:s10], [sflag:$0x8], $0x6400, $0x38;
	[tilespmem:$0x1F400] =	vst v63  }
0x1df: {  	_ =	swait.ge [sflag:s6], $0x6400  }
0x1e0: {  	[sflag:s6] =	ssyncset.done $0x0  }
0x1e1: {  	[sflag:s6] =	ssyncadd.s32 $0xFFFF9C00  }
0x1e2: {  	[tilespmem:s10], [sflag:$0x4] =	stream.indirect.gather [hbm4b:s3+s4], $0x20, s23, s4, $0xb8;
	[tilespmem:$0x1F400] =	vst v63  }
0x1e3: {  	_ =	swait.ge [sflag:s12], $0x6400  }
0x1e4: {  	s16 =	sld [smem:$0x7F5]  }
0x1e5: {  	[sflag:s12] =	ssyncset.done $0x0  }
0x1e6: {  	[sflag:s12] =	ssyncadd.s32 $0xFFFF9C00  }
0x1e7: {  	[hbm4b:s16+s2] =	stream.linear.scatter [tilespmem:s9], [sflag:$0x9], $0x6400, $0x38;
	[tilespmem:$0x1F400] =	vst v63  }
0x1e8: {  	_ =	swait.ge [sflag:s5], $0x6400  }
0x1e9: {  	[sflag:s5] =	ssyncset.done $0x0  }
0x1ea: {  	[sflag:s5] =	ssyncadd.s32 $0xFFFF9C00  }
0x1eb: {  	[tilespmem:s9], [sflag:$0x5] =	stream.indirect.gather [hbm4b:s3+s4], $0x20, s22, s4, $0xb8;
	[tilespmem:$0x1F400] =	vst v63  }
0x1ec: {  	_ =	swait.ge [sflag:s17], $0x6400  }
0x1ed: {  	s16 =	sld [smem:$0x7F6]  }
0x1ee: {  	[sflag:s17] =	ssyncset.done $0x0  }
0x1ef: {  	[sflag:s17] =	ssyncadd.s32 $0xFFFF9C00  }
0x1f0: {  	[hbm4b:s16+s2] =	stream.linear.scatter [tilespmem:s14], [sflag:$0x6], $0x6400, $0x38;
	[tilespmem:$0x1F400] =	vst v63  }
0x1f1: {  	_ =	swait.ge [sflag:s8], $0x6400  }
0x1f2: {  	[sflag:s8] =	ssyncset.done $0x0  }
0x1f3: {  	[sflag:s8] =	ssyncadd.s32 $0xFFFF9C00  }
0x1f4: {  	[tilespmem:s14], [sflag:$0x2] =	stream.indirect.gather [hbm4b:s3+s4], $0x20, s21, s4, $0xb8;
	[tilespmem:$0x1F400] =	vst v63  }
0x1f5: {  	_ =	swait.ge [sflag:s15], $0x6400  }
0x1f6: {  	s16 =	sld [smem:$0x7F7]  }
0x1f7: {  	[sflag:s15] =	ssyncset.done $0x0  }
0x1f8: {  	[sflag:s15] =	ssyncadd.s32 $0xFFFF9C00  }
0x1f9: {  	[hbm4b:s16+s2] =	stream.linear.scatter [tilespmem:s11], [sflag:$0x7], $0x6400, $0x38;
	[tilespmem:$0x1F400] =	vst v63  }
0x1fa: {  	_ =	swait.ge [sflag:s7], $0x6400  }
0x1fb: {  	[sflag:s7] =	ssyncset.done $0x0  }
0x1fc: {  	[sflag:s7] =	ssyncadd.s32 $0xFFFF9C00  }
0x1fd: {  	[tilespmem:s11], [sflag:$0x3] =	stream.indirect.gather [hbm4b:s3+s4], $0x20, s20, s4, $0xb8;
	[tilespmem:$0x1F400] =	vst v63  }
0x1fe: {  	_ =	swait.ge [sflag:s13], $0x6400  }
0x1ff: {  	s16 =	sld [smem:$0x7F8]  }
0x200: {  	[sflag:s13] =	ssyncset.done $0x0  }
0x201: {  	[sflag:s13] =	ssyncadd.s32 $0xFFFF9C00  }
0x202: {  	[hbm4b:s16+s2] =	stream.linear.scatter [tilespmem:s10], [sflag:$0x8], $0x6400, $0x38;
	[tilespmem:$0x1F400] =	vst v63  }
0x203: {  	_ =	swait.ge [sflag:s6], $0x6400  }
0x204: {  	[sflag:s6] =	ssyncset.done $0x0  }
0x205: {  	[sflag:s6] =	ssyncadd.s32 $0xFFFF9C00  }
0x206: {  	[tilespmem:s10], [sflag:$0x4] =	stream.indirect.gather [hbm4b:s3+s4], $0x20, s19, s4, $0xb8;
	[tilespmem:$0x1F400] =	vst v63  }
0x207: {  	_ =	swait.ge [sflag:s12], $0x6400  }
0x208: {  	s16 =	sld [smem:$0x7F9]  }
0x209: {  	[sflag:s12] =	ssyncset.done $0x0  }
0x20a: {  	[sflag:s12] =	ssyncadd.s32 $0xFFFF9C00  }
0x20b: {  	[hbm4b:s16+s2] =	stream.linear.scatter [tilespmem:s9], [sflag:$0x9], $0x6400, $0x38;
	[tilespmem:$0x1F400] =	vst v63  }
0x20c: {  	_ =	swait.ge [sflag:s5], $0x6400  }
0x20d: {  	[sflag:s5] =	ssyncset.done $0x0  }
0x20e: {  	[sflag:s5] =	ssyncadd.s32 $0xFFFF9C00  }
0x20f: {  	[tilespmem:s9], [sflag:$0x5] =	stream.indirect.gather [hbm4b:s3+s4], $0x20, s18, s4, $0xb8;
	[tilespmem:$0x1F400] =	vst v63  }
0x210: {  	_ =	swait.ge [sflag:s17], $0x6400  }
0x211: {  	s16 =	sld [smem:$0x7FA]  }
0x212: {  	[sflag:s17] =	ssyncset.done $0x0  }
0x213: {  	[sflag:s17] =	ssyncadd.s32 $0xFFFF9C00  }
0x214: {  	[hbm4b:s16+s2] =	stream.linear.scatter [tilespmem:s14], [sflag:$0x6], $0x6400, $0x38;
	[tilespmem:$0x1F400] =	vst v63  }
0x215: {  	_ =	swait.ge [sflag:s15], $0x6400  }
0x216: {  	s16 =	sld [smem:$0x7FB]  }
0x217: {  	[sflag:s15] =	ssyncset.done $0x0  }
0x218: {  	[sflag:s15] =	ssyncadd.s32 $0xFFFF9C00  }
0x219: {  	[hbm4b:s16+s2] =	stream.linear.scatter [tilespmem:s11], [sflag:$0x7], $0x6400, $0x38;
	[tilespmem:$0x1F400] =	vst v63  }
0x21a: {  	_ =	swait.ge [sflag:s13], $0x6400  }
0x21b: {  	s16 =	sld [smem:$0x7FC]  }
0x21c: {  	[sflag:s13] =	ssyncset.done $0x0  }
0x21d: {  	[sflag:s13] =	ssyncadd.s32 $0xFFFF9C00  }
0x21e: {  	[hbm4b:s16+s2] =	stream.linear.scatter [tilespmem:s10], [sflag:$0x8], $0x6400, $0x38;
	[tilespmem:$0x1F400] =	vst v63  }
0x21f: {  	_ =	swait.ge [sflag:s12], $0x6400  }
0x220: {  	s16 =	sld [smem:$0x7FD]  }
0x221: {  	[sflag:s12] =	ssyncset.done $0x0  }
0x222: {  	[sflag:s12] =	ssyncadd.s32 $0xFFFF9C00  }
0x223: {  	[hbm4b:s16+s2] =	stream.linear.scatter [tilespmem:s9], [sflag:$0x9], $0x6400, $0x38;
	[tilespmem:$0x1F400] =	vst v63  }
0x224: {  	_ =	swait.ge [sflag:s8], $0x6400  }
0x225: {  	[sflag:s8] =	ssyncset.done $0x0  }
0x226: {  	[sflag:s8] =	ssyncadd.s32 $0xFFFF9C00  }
0x227: {  	_ =	swait.ge [sflag:s7], $0x6400  }
0x228: {  	[sflag:s7] =	ssyncset.done $0x0  }
0x229: {  	[sflag:s7] =	ssyncadd.s32 $0xFFFF9C00  }
0x22a: {  	_ =	swait.ge [sflag:s6], $0x6400  }
0x22b: {  	s16 =	sld [smem:$0x7D2];
	_ =	sdelay $0x2  }
0x22c: {  	p1 =	sne.s32 s16, $0x1  }
.Ltmp1:
0x22d: {  	_ = 	snop;
	(pc) =	sbr.rel @!p1 .LBB2_3-.Ltmp1, $4  }
0x22e: {  	[sflag:s6] =	ssyncset.done $0x0  }
0x22f: {  	[sflag:s6] =	ssyncadd.s32 $0xFFFF9C00  }
0x230: {  	p0 =	por $0x1, $0x1;
	_ =	swait.ge [sflag:s5], $0x6400  }
0x231: {  	s0 =	sadd.s32 $0xFFFFFFFF, s16;
	s16 =	rddreg [dreg:$0x3];
	[sflag:s5] =	ssyncset.done $0x0  }
.LBB2_2:
0x232: {  	[sflag:s5] =	ssyncadd.s32 $0xFFFF9C00;
	s18 =	rddreg [dreg:$0x4]  }
0x233: {  	[tilespmem:s2], [sflag:$0x1] =	stream.linear.gather [hbm4b:s16+s2], $0x320, $0x38;
	[tilespmem:$0x1F400] =	vst v63  }
0x234: {  	s11 =	rddreg [dreg:$0x5]  }
0x235: {  	[tilespmem:s4], [sflag:$0x1] =	stream.linear.gather [hbm4b:s18+s2], $0x320, $0x38;
	[tilespmem:$0x1F400] =	vst v63  }
0x236: {  	s14 =	rddreg [dreg:$0x6];
	s10 =	simm.s32 $0x640  }
0x237: {  	[tilespmem:s10], [sflag:$0x1] =	stream.linear.gather [hbm4b:s11+s2], $0x320, $0x38;
	[tilespmem:$0x1F400] =	vst v63  }
0x238: {  	s16 =	rddreg [dreg:$0x7];
	s11 =	simm.s32 $0x960  }
0x239: {  	[tilespmem:s11], [sflag:$0x1] =	stream.linear.gather [hbm4b:s14+s2], $0x320, $0x38;
	[tilespmem:$0x1F400] =	vst v63  }
0x23a: {  	s18 =	rddreg [dreg:$0x8];
	s14 =	simm.s32 $0xC80  }
0x23b: {  	[tilespmem:s14], [sflag:$0x1] =	stream.linear.gather [hbm4b:s16+s2], $0x320, $0x38;
	[tilespmem:$0x1F400] =	vst v63  }
0x23c: {  	s16 =	rddreg [dreg:$0x9];
	s14 =	simm.s32 $0xFA0  }
0x23d: {  	[tilespmem:s14], [sflag:$0x1] =	stream.linear.gather [hbm4b:s18+s2], $0x320, $0x38;
	[tilespmem:$0x1F400] =	vst v63  }
0x23e: {  	s18 =	rddreg [dreg:$0xa];
	s14 =	simm.s32 $0x12C0  }
0x23f: {  	[tilespmem:s14], [sflag:$0x1] =	stream.linear.gather [hbm4b:s16+s2], $0x320, $0x38;
	[tilespmem:$0x1F400] =	vst v63  }
0x240: {  	s16 =	rddreg [dreg:$0xb];
	s14 =	simm.s32 $0x15E0  }
0x241: {  	[tilespmem:s14], [sflag:$0x1] =	stream.linear.gather [hbm4b:s18+s2], $0x320, $0x38;
	[tilespmem:$0x1F400] =	vst v63  }
0x242: {  	s18 =	rddreg [dreg:$0xc];
	s14 =	simm.s32 $0x1900  }
0x243: {  	[tilespmem:s14], [sflag:$0x1] =	stream.linear.gather [hbm4b:s16+s2], $0x320, $0x38;
	[tilespmem:$0x1F400] =	vst v63  }
0x244: {  	s16 =	rddreg [dreg:$0xd];
	s14 =	simm.s32 $0x1C20  }
0x245: {  	[tilespmem:s14], [sflag:$0x1] =	stream.linear.gather [hbm4b:s18+s2], $0x320, $0x38;
	[tilespmem:$0x1F400] =	vst v63  }
0x246: {  	s18 =	rddreg [dreg:$0xe];
	s14 =	simm.s32 $0x1F40  }
0x247: {  	[tilespmem:s14], [sflag:$0x1] =	stream.linear.gather [hbm4b:s16+s2], $0x320, $0x38;
	[tilespmem:$0x1F400] =	vst v63  }
0x248: {  	s16 =	rddreg [dreg:$0xf];
	s14 =	simm.s32 $0x2260  }
0x249: {  	[tilespmem:s14], [sflag:$0x1] =	stream.linear.gather [hbm4b:s18+s2], $0x320, $0x38;
	[tilespmem:$0x1F400] =	vst v63  }
0x24a: {  	s18 =	rddreg [dreg:$0x10];
	s14 =	simm.s32 $0x2580  }
0x24b: {  	[tilespmem:s14], [sflag:$0x1] =	stream.linear.gather [hbm4b:s16+s2], $0x320, $0x38;
	[tilespmem:$0x1F400] =	vst v63  }
0x24c: {  	s16 =	rddreg [dreg:$0x11];
	s14 =	simm.s32 $0x28A0  }
0x24d: {  	[tilespmem:s14], [sflag:$0x1] =	stream.linear.gather [hbm4b:s18+s2], $0x320, $0x38;
	[tilespmem:$0x1F400] =	vst v63  }
0x24e: {  	s18 =	rddreg [dreg:$0x12];
	s14 =	simm.s32 $0x2BC0  }
0x24f: {  	[tilespmem:s14], [sflag:$0x1] =	stream.linear.gather [hbm4b:s16+s2], $0x320, $0x38;
	[tilespmem:$0x1F400] =	vst v63  }
0x250: {  	s16 =	rddreg [dreg:$0x13];
	s14 =	simm.s32 $0x2EE0  }
0x251: {  	[tilespmem:s14], [sflag:$0x1] =	stream.linear.gather [hbm4b:s18+s2], $0x320, $0x38;
	[tilespmem:$0x1F400] =	vst v63  }
0x252: {  	s18 =	rddreg [dreg:$0x14];
	s14 =	simm.s32 $0x3200  }
0x253: {  	[tilespmem:s14], [sflag:$0x1] =	stream.linear.gather [hbm4b:s16+s2], $0x320, $0x38;
	[tilespmem:$0x1F400] =	vst v63  }
0x254: {  	s16 =	rddreg [dreg:$0x15];
	s14 =	simm.s32 $0x3520  }
0x255: {  	[tilespmem:s14], [sflag:$0x1] =	stream.linear.gather [hbm4b:s18+s2], $0x320, $0x38;
	[tilespmem:$0x1F400] =	vst v63  }
0x256: {  	s18 =	rddreg [dreg:$0x16];
	s14 =	simm.s32 $0x3840  }
0x257: {  	[tilespmem:s14], [sflag:$0x1] =	stream.linear.gather [hbm4b:s16+s2], $0x320, $0x38;
	[tilespmem:$0x1F400] =	vst v63  }
0x258: {  	s9 =	simm.s32 $0x3B60;
	s16 =	rddreg [dreg:$0x17]  }
0x259: {  	[tilespmem:s9], [sflag:$0x1] =	stream.linear.gather [hbm4b:s18+s2], $0x320, $0x38;
	[tilespmem:$0x1F400] =	vst v63  }
0x25a: {  	s31 =	simm.s32 $0x3E80;
	s18 =	rddreg [dreg:$0x18]  }
0x25b: {  	[tilespmem:s31], [sflag:$0x1] =	stream.linear.gather [hbm4b:s16+s2], $0x320, $0x38;
	[tilespmem:$0x1F400] =	vst v63  }
0x25c: {  	s30 =	simm.s32 $0x41A0;
	s16 =	rddreg [dreg:$0x19]  }
0x25d: {  	[tilespmem:s30], [sflag:$0x1] =	stream.linear.gather [hbm4b:s18+s2], $0x320, $0x38;
	[tilespmem:$0x1F400] =	vst v63  }
0x25e: {  	s29 =	simm.s32 $0x44C0;
	s18 =	rddreg [dreg:$0x1a]  }
0x25f: {  	[tilespmem:s29], [sflag:$0x1] =	stream.linear.gather [hbm4b:s16+s2], $0x320, $0x38;
	[tilespmem:$0x1F400] =	vst v63  }
0x260: {  	s28 =	simm.s32 $0x47E0;
	s16 =	rddreg [dreg:$0x1b]  }
0x261: {  	[tilespmem:s28], [sflag:$0x1] =	stream.linear.gather [hbm4b:s18+s2], $0x320, $0x38;
	[tilespmem:$0x1F400] =	vst v63  }
0x262: {  	s26 =	simm.s32 $0x4B00;
	s18 =	rddreg [dreg:$0x1c]  }
0x263: {  	[tilespmem:s26], [sflag:$0x1] =	stream.linear.gather [hbm4b:s16+s2], $0x320, $0x38;
	[tilespmem:$0x1F400] =	vst v63  }
0x264: {  	s25 =	simm.s32 $0x4E20;
	s16 =	rddreg [dreg:$0x1d]  }
0x265: {  	[tilespmem:s25], [sflag:$0x1] =	stream.linear.gather [hbm4b:s18+s2], $0x320, $0x38;
	[tilespmem:$0x1F400] =	vst v63  }
0x266: {  	s24 =	simm.s32 $0x5140;
	s18 =	rddreg [dreg:$0x1e]  }
0x267: {  	[tilespmem:s24], [sflag:$0x1] =	stream.linear.gather [hbm4b:s16+s2], $0x320, $0x38;
	[tilespmem:$0x1F400] =	vst v63  }
0x268: {  	s23 =	simm.s32 $0x5460;
	s16 =	rddreg [dreg:$0x1f]  }
0x269: {  	[tilespmem:s23], [sflag:$0x1] =	stream.linear.gather [hbm4b:s18+s2], $0x320, $0x38;
	[tilespmem:$0x1F400] =	vst v63  }
0x26a: {  	s22 =	simm.s32 $0x5780;
	s18 =	sld [smem:$0x7D3]  }
0x26b: {  	[tilespmem:s22], [sflag:$0x1] =	stream.linear.gather [hbm4b:s16+s2], $0x320, $0x38;
	[tilespmem:$0x1F400] =	vst v63  }
0x26c: {  	s21 =	simm.s32 $0x5AA0;
	s16 =	sld [smem:$0x7D5]  }
0x26d: {  	[tilespmem:s21], [sflag:$0x1] =	stream.linear.gather [hbm4b:s18+s2], $0x320, $0x38;
	[tilespmem:$0x1F400] =	vst v63  }
0x26e: {  	s20 =	simm.s32 $0x5DC0;
	s18 =	sld [smem:$0x7D6]  }
0x26f: {  	[tilespmem:s20], [sflag:$0x1] =	stream.linear.gather [hbm4b:s16+s2], $0x320, $0x38;
	[tilespmem:$0x1F400] =	vst v63  }
0x270: {  	s19 =	simm.s32 $0x60E0  }
0x271: {  	[tilespmem:s19], [sflag:$0x1] =	stream.linear.gather [hbm4b:s18+s2], $0x320, $0x38;
	[tilespmem:$0x1F400] =	vst v63  }
0x272: {  	_ =	swait.ge [sflag:s1], $0x320  }
0x273: {  	[sflag:s1] =	ssyncset.done $0x0  }
0x274: {  	[sflag:s1] =	ssyncadd.s32 $0xFFFFFCE0  }
0x275: {  	_ =	swait.ge [sflag:s1], $0x320  }
0x276: {  	[sflag:s1] =	ssyncset.done $0x0  }
0x277: {  	[sflag:s1] =	ssyncadd.s32 $0xFFFFFCE0  }
0x278: {  	_ =	swait.ge [sflag:s1], $0x320  }
0x279: {  	[sflag:s1] =	ssyncset.done $0x0  }
0x27a: {  	[sflag:s1] =	ssyncadd.s32 $0xFFFFFCE0  }
0x27b: {  	_ =	swait.ge [sflag:s1], $0x320  }
0x27c: {  	[sflag:s1] =	ssyncset.done $0x0  }
0x27d: {  	[sflag:s1] =	ssyncadd.s32 $0xFFFFFCE0  }
0x27e: {  	_ =	swait.ge [sflag:s1], $0x320  }
0x27f: {  	[sflag:s1] =	ssyncset.done $0x0  }
0x280: {  	[sflag:s1] =	ssyncadd.s32 $0xFFFFFCE0  }
0x281: {  	_ =	swait.ge [sflag:s1], $0x320  }
0x282: {  	[sflag:s1] =	ssyncset.done $0x0  }
0x283: {  	[sflag:s1] =	ssyncadd.s32 $0xFFFFFCE0  }
0x284: {  	_ =	swait.ge [sflag:s1], $0x320  }
0x285: {  	[sflag:s1] =	ssyncset.done $0x0  }
0x286: {  	[sflag:s1] =	ssyncadd.s32 $0xFFFFFCE0  }
0x287: {  	_ =	swait.ge [sflag:s1], $0x320  }
0x288: {  	[sflag:s1] =	ssyncset.done $0x0  }
0x289: {  	[sflag:s1] =	ssyncadd.s32 $0xFFFFFCE0  }
0x28a: {  	_ =	swait.ge [sflag:s1], $0x320  }
0x28b: {  	[sflag:s1] =	ssyncset.done $0x0  }
0x28c: {  	[sflag:s1] =	ssyncadd.s32 $0xFFFFFCE0  }
0x28d: {  	_ =	swait.ge [sflag:s1], $0x320  }
0x28e: {  	[sflag:s1] =	ssyncset.done $0x0  }
0x28f: {  	[sflag:s1] =	ssyncadd.s32 $0xFFFFFCE0  }
0x290: {  	_ =	swait.ge [sflag:s1], $0x320  }
0x291: {  	[sflag:s1] =	ssyncset.done $0x0  }
0x292: {  	[sflag:s1] =	ssyncadd.s32 $0xFFFFFCE0  }
0x293: {  	_ =	swait.ge [sflag:s1], $0x320  }
0x294: {  	[sflag:s1] =	ssyncset.done $0x0  }
0x295: {  	[sflag:s1] =	ssyncadd.s32 $0xFFFFFCE0  }
0x296: {  	_ =	swait.ge [sflag:s1], $0x320  }
0x297: {  	[sflag:s1] =	ssyncset.done $0x0  }
0x298: {  	[sflag:s1] =	ssyncadd.s32 $0xFFFFFCE0  }
0x299: {  	_ =	swait.ge [sflag:s1], $0x320  }
0x29a: {  	[sflag:s1] =	ssyncset.done $0x0  }
0x29b: {  	[sflag:s1] =	ssyncadd.s32 $0xFFFFFCE0  }
0x29c: {  	_ =	swait.ge [sflag:s1], $0x320  }
0x29d: {  	[sflag:s1] =	ssyncset.done $0x0  }
0x29e: {  	[sflag:s1] =	ssyncadd.s32 $0xFFFFFCE0  }
0x29f: {  	_ =	swait.ge [sflag:s1], $0x320  }
0x2a0: {  	[sflag:s1] =	ssyncset.done $0x0  }
0x2a1: {  	[sflag:s1] =	ssyncadd.s32 $0xFFFFFCE0  }
0x2a2: {  	_ =	swait.ge [sflag:s1], $0x320  }
0x2a3: {  	[sflag:s1] =	ssyncset.done $0x0  }
0x2a4: {  	[sflag:s1] =	ssyncadd.s32 $0xFFFFFCE0  }
0x2a5: {  	_ =	swait.ge [sflag:s1], $0x320  }
0x2a6: {  	[sflag:s1] =	ssyncset.done $0x0  }
0x2a7: {  	[sflag:s1] =	ssyncadd.s32 $0xFFFFFCE0  }
0x2a8: {  	_ =	swait.ge [sflag:s1], $0x320  }
0x2a9: {  	[sflag:s1] =	ssyncset.done $0x0  }
0x2aa: {  	[sflag:s1] =	ssyncadd.s32 $0xFFFFFCE0  }
0x2ab: {  	_ =	swait.ge [sflag:s1], $0x320  }
0x2ac: {  	[sflag:s1] =	ssyncset.done $0x0  }
0x2ad: {  	[sflag:s1] =	ssyncadd.s32 $0xFFFFFCE0  }
0x2ae: {  	_ =	swait.ge [sflag:s1], $0x320  }
0x2af: {  	[sflag:s1] =	ssyncset.done $0x0  }
0x2b0: {  	[sflag:s1] =	ssyncadd.s32 $0xFFFFFCE0  }
0x2b1: {  	_ =	swait.ge [sflag:s1], $0x320  }
0x2b2: {  	[sflag:s1] =	ssyncset.done $0x0  }
0x2b3: {  	[sflag:s1] =	ssyncadd.s32 $0xFFFFFCE0  }
0x2b4: {  	_ =	swait.ge [sflag:s1], $0x320  }
0x2b5: {  	[sflag:s1] =	ssyncset.done $0x0  }
0x2b6: {  	[sflag:s1] =	ssyncadd.s32 $0xFFFFFCE0  }
0x2b7: {  	_ =	swait.ge [sflag:s1], $0x320  }
0x2b8: {  	[sflag:s1] =	ssyncset.done $0x0  }
0x2b9: {  	[sflag:s1] =	ssyncadd.s32 $0xFFFFFCE0  }
0x2ba: {  	_ =	swait.ge [sflag:s1], $0x320  }
0x2bb: {  	[sflag:s1] =	ssyncset.done $0x0  }
0x2bc: {  	[sflag:s1] =	ssyncadd.s32 $0xFFFFFCE0  }
0x2bd: {  	_ =	swait.ge [sflag:s1], $0x320  }
0x2be: {  	[sflag:s1] =	ssyncset.done $0x0  }
0x2bf: {  	[sflag:s1] =	ssyncadd.s32 $0xFFFFFCE0  }
0x2c0: {  	_ =	swait.ge [sflag:s1], $0x320  }
0x2c1: {  	[sflag:s1] =	ssyncset.done $0x0  }
0x2c2: {  	[sflag:s1] =	ssyncadd.s32 $0xFFFFFCE0  }
0x2c3: {  	_ =	swait.ge [sflag:s1], $0x320  }
0x2c4: {  	[sflag:s1] =	ssyncset.done $0x0  }
0x2c5: {  	[sflag:s1] =	ssyncadd.s32 $0xFFFFFCE0  }
0x2c6: {  	_ =	swait.ge [sflag:s1], $0x320  }
0x2c7: {  	[sflag:s1] =	ssyncset.done $0x0  }
0x2c8: {  	[sflag:s1] =	ssyncadd.s32 $0xFFFFFCE0  }
0x2c9: {  	_ =	swait.ge [sflag:s1], $0x320  }
0x2ca: {  	[sflag:s1] =	ssyncset.done $0x0  }
0x2cb: {  	[sflag:s1] =	ssyncadd.s32 $0xFFFFFCE0  }
0x2cc: {  	_ =	swait.ge [sflag:s1], $0x320  }
0x2cd: {  	[sflag:s1] =	ssyncset.done $0x0  }
0x2ce: {  	[sflag:s1] =	ssyncadd.s32 $0xFFFFFCE0  }
0x2cf: {  	_ =	swait.ge [sflag:s1], $0x320  }
0x2d0: {  	[sflag:s1] =	ssyncset.done $0x0  }
0x2d1: {  	s14 =	simm.s32 $0x6400;
	[sflag:s1] =	ssyncadd.s32 $0xFFFFFCE0  }
0x2d2: {  	[tilespmem:s14], [sflag:$0x2] =	stream.indirect.gather [hbm4b:s3+s4], $0x20, s2, s4, $0xb8;
	[tilespmem:$0x1F400] =	vst v63  }
0x2d3: {  	s16 =	simm.s32 $0xC800  }
0x2d4: {  	[tilespmem:s16], [sflag:$0x3] =	stream.indirect.gather [hbm4b:s3+s4], $0x20, s4, s4, $0xb8;
	[tilespmem:$0x1F400] =	vst v63  }
0x2d5: {  	s16 =	simm.s32 $0x12C00  }
0x2d6: {  	[tilespmem:s16], [sflag:$0x4] =	stream.indirect.gather [hbm4b:s3+s4], $0x20, s10, s4, $0xb8;
	[tilespmem:$0x1F400] =	vst v63  }
0x2d7: {  	s9 =	simm.s32 $0x19000  }
0x2d8: {  	[tilespmem:s9], [sflag:$0x5] =	stream.indirect.gather [hbm4b:s3+s4], $0x20, s11, s4, $0xb8;
	[tilespmem:$0x1F400] =	vst v63  }
0x2d9: {  	_ =	swait.ge [sflag:s17], $0x6400  }
0x2da: {  	s16 =	sld [smem:$0x7D8]  }
0x2db: {  	[sflag:s17] =	ssyncset.done $0x0  }
0x2dc: {  	[sflag:s17] =	ssyncadd.s32 $0xFFFF9C00  }
0x2dd: {  	[hbm4b:s16+s2] =	stream.linear.scatter [tilespmem:s14], [sflag:$0x6], $0x6400, $0x38;
	[tilespmem:$0x1F400] =	vst v63  }
0x2de: {  	_ =	swait.ge [sflag:s8], $0x6400  }
0x2df: {  	[sflag:s8] =	ssyncset.done $0x0  }
0x2e0: {  	s16 =	simm.s32 $0xC80;
	[sflag:s8] =	ssyncadd.s32 $0xFFFF9C00  }
0x2e1: {  	[tilespmem:s14], [sflag:$0x2] =	stream.indirect.gather [hbm4b:s3+s4], $0x20, s16, s4, $0xb8;
	[tilespmem:$0x1F400] =	vst v63  }
0x2e2: {  	_ =	swait.ge [sflag:s15], $0x6400  }
0x2e3: {  	s16 =	sld [smem:$0x7DA]  }
0x2e4: {  	[sflag:s15] =	ssyncset.done $0x0  }
0x2e5: {  	s11 =	simm.s32 $0xC800;
	[sflag:s15] =	ssyncadd.s32 $0xFFFF9C00  }
0x2e6: {  	[hbm4b:s16+s2] =	stream.linear.scatter [tilespmem:s11], [sflag:$0x7], $0x6400, $0x38;
	[tilespmem:$0x1F400] =	vst v63  }
0x2e7: {  	_ =	swait.ge [sflag:s7], $0x6400  }
0x2e8: {  	[sflag:s7] =	ssyncset.done $0x0  }
0x2e9: {  	s16 =	simm.s32 $0xFA0;
	[sflag:s7] =	ssyncadd.s32 $0xFFFF9C00  }
0x2ea: {  	[tilespmem:s11], [sflag:$0x3] =	stream.indirect.gather [hbm4b:s3+s4], $0x20, s16, s4, $0xb8;
	[tilespmem:$0x1F400] =	vst v63  }
0x2eb: {  	_ =	swait.ge [sflag:s13], $0x6400  }
0x2ec: {  	s16 =	sld [smem:$0x7DC]  }
0x2ed: {  	[sflag:s13] =	ssyncset.done $0x0  }
0x2ee: {  	s10 =	simm.s32 $0x12C00;
	[sflag:s13] =	ssyncadd.s32 $0xFFFF9C00  }
0x2ef: {  	[hbm4b:s16+s2] =	stream.linear.scatter [tilespmem:s10], [sflag:$0x8], $0x6400, $0x38;
	[tilespmem:$0x1F400] =	vst v63  }
0x2f0: {  	_ =	swait.ge [sflag:s6], $0x6400  }
0x2f1: {  	[sflag:s6] =	ssyncset.done $0x0  }
0x2f2: {  	s16 =	simm.s32 $0x12C0;
	[sflag:s6] =	ssyncadd.s32 $0xFFFF9C00  }
0x2f3: {  	[tilespmem:s10], [sflag:$0x4] =	stream.indirect.gather [hbm4b:s3+s4], $0x20, s16, s4, $0xb8;
	[tilespmem:$0x1F400] =	vst v63  }
0x2f4: {  	_ =	swait.ge [sflag:s12], $0x6400  }
0x2f5: {  	s16 =	sld [smem:$0x7DE]  }
0x2f6: {  	[sflag:s12] =	ssyncset.done $0x0  }
0x2f7: {  	[sflag:s12] =	ssyncadd.s32 $0xFFFF9C00  }
0x2f8: {  	[hbm4b:s16+s2] =	stream.linear.scatter [tilespmem:s9], [sflag:$0x9], $0x6400, $0x38;
	[tilespmem:$0x1F400] =	vst v63  }
0x2f9: {  	_ =	swait.ge [sflag:s5], $0x6400  }
0x2fa: {  	[sflag:s5] =	ssyncset.done $0x0  }
0x2fb: {  	s16 =	simm.s32 $0x15E0;
	[sflag:s5] =	ssyncadd.s32 $0xFFFF9C00  }
0x2fc: {  	[tilespmem:s9], [sflag:$0x5] =	stream.indirect.gather [hbm4b:s3+s4], $0x20, s16, s4, $0xb8;
	[tilespmem:$0x1F400] =	vst v63  }
0x2fd: {  	_ =	swait.ge [sflag:s17], $0x6400  }
0x2fe: {  	s16 =	sld [smem:$0x7E0]  }
0x2ff: {  	[sflag:s17] =	ssyncset.done $0x0  }
0x300: {  	[sflag:s17] =	ssyncadd.s32 $0xFFFF9C00  }
0x301: {  	[hbm4b:s16+s2] =	stream.linear.scatter [tilespmem:s14], [sflag:$0x6], $0x6400, $0x38;
	[tilespmem:$0x1F400] =	vst v63  }
0x302: {  	_ =	swait.ge [sflag:s8], $0x6400  }
0x303: {  	[sflag:s8] =	ssyncset.done $0x0  }
0x304: {  	s16 =	simm.s32 $0x1900;
	[sflag:s8] =	ssyncadd.s32 $0xFFFF9C00  }
0x305: {  	[tilespmem:s14], [sflag:$0x2] =	stream.indirect.gather [hbm4b:s3+s4], $0x20, s16, s4, $0xb8;
	[tilespmem:$0x1F400] =	vst v63  }
0x306: {  	_ =	swait.ge [sflag:s15], $0x6400  }
0x307: {  	s16 =	sld [smem:$0x7E2]  }
0x308: {  	[sflag:s15] =	ssyncset.done $0x0  }
0x309: {  	[sflag:s15] =	ssyncadd.s32 $0xFFFF9C00  }
0x30a: {  	[hbm4b:s16+s2] =	stream.linear.scatter [tilespmem:s11], [sflag:$0x7], $0x6400, $0x38;
	[tilespmem:$0x1F400] =	vst v63  }
0x30b: {  	_ =	swait.ge [sflag:s7], $0x6400  }
0x30c: {  	[sflag:s7] =	ssyncset.done $0x0  }
0x30d: {  	s16 =	simm.s32 $0x1C20;
	[sflag:s7] =	ssyncadd.s32 $0xFFFF9C00  }
0x30e: {  	[tilespmem:s11], [sflag:$0x3] =	stream.indirect.gather [hbm4b:s3+s4], $0x20, s16, s4, $0xb8;
	[tilespmem:$0x1F400] =	vst v63  }
0x30f: {  	_ =	swait.ge [sflag:s13], $0x6400  }
0x310: {  	s16 =	sld [smem:$0x7E3]  }
0x311: {  	[sflag:s13] =	ssyncset.done $0x0  }
0x312: {  	[sflag:s13] =	ssyncadd.s32 $0xFFFF9C00  }
0x313: {  	[hbm4b:s16+s2] =	stream.linear.scatter [tilespmem:s10], [sflag:$0x8], $0x6400, $0x38;
	[tilespmem:$0x1F400] =	vst v63  }
0x314: {  	_ =	swait.ge [sflag:s6], $0x6400  }
0x315: {  	[sflag:s6] =	ssyncset.done $0x0  }
0x316: {  	s16 =	simm.s32 $0x1F40;
	[sflag:s6] =	ssyncadd.s32 $0xFFFF9C00  }
0x317: {  	[tilespmem:s10], [sflag:$0x4] =	stream.indirect.gather [hbm4b:s3+s4], $0x20, s16, s4, $0xb8;
	[tilespmem:$0x1F400] =	vst v63  }
0x318: {  	_ =	swait.ge [sflag:s12], $0x6400  }
0x319: {  	s16 =	sld [smem:$0x7E4]  }
0x31a: {  	[sflag:s12] =	ssyncset.done $0x0  }
0x31b: {  	[sflag:s12] =	ssyncadd.s32 $0xFFFF9C00  }
0x31c: {  	[hbm4b:s16+s2] =	stream.linear.scatter [tilespmem:s9], [sflag:$0x9], $0x6400, $0x38;
	[tilespmem:$0x1F400] =	vst v63  }
0x31d: {  	_ =	swait.ge [sflag:s5], $0x6400  }
0x31e: {  	[sflag:s5] =	ssyncset.done $0x0  }
0x31f: {  	s16 =	simm.s32 $0x2260;
	[sflag:s5] =	ssyncadd.s32 $0xFFFF9C00  }
0x320: {  	[tilespmem:s9], [sflag:$0x5] =	stream.indirect.gather [hbm4b:s3+s4], $0x20, s16, s4, $0xb8;
	[tilespmem:$0x1F400] =	vst v63  }
0x321: {  	_ =	swait.ge [sflag:s17], $0x6400  }
0x322: {  	s16 =	sld [smem:$0x7E5]  }
0x323: {  	[sflag:s17] =	ssyncset.done $0x0  }
0x324: {  	[sflag:s17] =	ssyncadd.s32 $0xFFFF9C00  }
0x325: {  	[hbm4b:s16+s2] =	stream.linear.scatter [tilespmem:s14], [sflag:$0x6], $0x6400, $0x38;
	[tilespmem:$0x1F400] =	vst v63  }
0x326: {  	_ =	swait.ge [sflag:s8], $0x6400  }
0x327: {  	[sflag:s8] =	ssyncset.done $0x0  }
0x328: {  	s16 =	simm.s32 $0x2580;
	[sflag:s8] =	ssyncadd.s32 $0xFFFF9C00  }
0x329: {  	[tilespmem:s14], [sflag:$0x2] =	stream.indirect.gather [hbm4b:s3+s4], $0x20, s16, s4, $0xb8;
	[tilespmem:$0x1F400] =	vst v63  }
0x32a: {  	_ =	swait.ge [sflag:s15], $0x6400  }
0x32b: {  	s16 =	sld [smem:$0x7E6]  }
0x32c: {  	[sflag:s15] =	ssyncset.done $0x0  }
0x32d: {  	[sflag:s15] =	ssyncadd.s32 $0xFFFF9C00  }
0x32e: {  	[hbm4b:s16+s2] =	stream.linear.scatter [tilespmem:s11], [sflag:$0x7], $0x6400, $0x38;
	[tilespmem:$0x1F400] =	vst v63  }
0x32f: {  	_ =	swait.ge [sflag:s7], $0x6400  }
0x330: {  	[sflag:s7] =	ssyncset.done $0x0  }
0x331: {  	s16 =	simm.s32 $0x28A0;
	[sflag:s7] =	ssyncadd.s32 $0xFFFF9C00  }
0x332: {  	[tilespmem:s11], [sflag:$0x3] =	stream.indirect.gather [hbm4b:s3+s4], $0x20, s16, s4, $0xb8;
	[tilespmem:$0x1F400] =	vst v63  }
0x333: {  	_ =	swait.ge [sflag:s13], $0x6400  }
0x334: {  	s16 =	sld [smem:$0x7E7]  }
0x335: {  	[sflag:s13] =	ssyncset.done $0x0  }
0x336: {  	[sflag:s13] =	ssyncadd.s32 $0xFFFF9C00  }
0x337: {  	[hbm4b:s16+s2] =	stream.linear.scatter [tilespmem:s10], [sflag:$0x8], $0x6400, $0x38;
	[tilespmem:$0x1F400] =	vst v63  }
0x338: {  	_ =	swait.ge [sflag:s6], $0x6400  }
0x339: {  	[sflag:s6] =	ssyncset.done $0x0  }
0x33a: {  	s16 =	simm.s32 $0x2BC0;
	[sflag:s6] =	ssyncadd.s32 $0xFFFF9C00  }
0x33b: {  	[tilespmem:s10], [sflag:$0x4] =	stream.indirect.gather [hbm4b:s3+s4], $0x20, s16, s4, $0xb8;
	[tilespmem:$0x1F400] =	vst v63  }
0x33c: {  	_ =	swait.ge [sflag:s12], $0x6400  }
0x33d: {  	s16 =	sld [smem:$0x7E8]  }
0x33e: {  	[sflag:s12] =	ssyncset.done $0x0  }
0x33f: {  	[sflag:s12] =	ssyncadd.s32 $0xFFFF9C00  }
0x340: {  	[hbm4b:s16+s2] =	stream.linear.scatter [tilespmem:s9], [sflag:$0x9], $0x6400, $0x38;
	[tilespmem:$0x1F400] =	vst v63  }
0x341: {  	_ =	swait.ge [sflag:s5], $0x6400  }
0x342: {  	[sflag:s5] =	ssyncset.done $0x0  }
0x343: {  	s16 =	simm.s32 $0x2EE0;
	[sflag:s5] =	ssyncadd.s32 $0xFFFF9C00  }
0x344: {  	[tilespmem:s9], [sflag:$0x5] =	stream.indirect.gather [hbm4b:s3+s4], $0x20, s16, s4, $0xb8;
	[tilespmem:$0x1F400] =	vst v63  }
0x345: {  	_ =	swait.ge [sflag:s17], $0x6400  }
0x346: {  	s16 =	sld [smem:$0x7EA]  }
0x347: {  	[sflag:s17] =	ssyncset.done $0x0  }
0x348: {  	[sflag:s17] =	ssyncadd.s32 $0xFFFF9C00  }
0x349: {  	[hbm4b:s16+s2] =	stream.linear.scatter [tilespmem:s14], [sflag:$0x6], $0x6400, $0x38;
	[tilespmem:$0x1F400] =	vst v63  }
0x34a: {  	_ =	swait.ge [sflag:s8], $0x6400  }
0x34b: {  	[sflag:s8] =	ssyncset.done $0x0  }
0x34c: {  	s16 =	simm.s32 $0x3200;
	[sflag:s8] =	ssyncadd.s32 $0xFFFF9C00  }
0x34d: {  	[tilespmem:s14], [sflag:$0x2] =	stream.indirect.gather [hbm4b:s3+s4], $0x20, s16, s4, $0xb8;
	[tilespmem:$0x1F400] =	vst v63  }
0x34e: {  	_ =	swait.ge [sflag:s15], $0x6400  }
0x34f: {  	s16 =	sld [smem:$0x7EB]  }
0x350: {  	[sflag:s15] =	ssyncset.done $0x0  }
0x351: {  	[sflag:s15] =	ssyncadd.s32 $0xFFFF9C00  }
0x352: {  	[hbm4b:s16+s2] =	stream.linear.scatter [tilespmem:s11], [sflag:$0x7], $0x6400, $0x38;
	[tilespmem:$0x1F400] =	vst v63  }
0x353: {  	_ =	swait.ge [sflag:s7], $0x6400  }
0x354: {  	[sflag:s7] =	ssyncset.done $0x0  }
0x355: {  	s16 =	simm.s32 $0x3520;
	[sflag:s7] =	ssyncadd.s32 $0xFFFF9C00  }
0x356: {  	[tilespmem:s11], [sflag:$0x3] =	stream.indirect.gather [hbm4b:s3+s4], $0x20, s16, s4, $0xb8;
	[tilespmem:$0x1F400] =	vst v63  }
0x357: {  	_ =	swait.ge [sflag:s13], $0x6400  }
0x358: {  	s16 =	sld [smem:$0x7EC]  }
0x359: {  	[sflag:s13] =	ssyncset.done $0x0  }
0x35a: {  	[sflag:s13] =	ssyncadd.s32 $0xFFFF9C00  }
0x35b: {  	[hbm4b:s16+s2] =	stream.linear.scatter [tilespmem:s10], [sflag:$0x8], $0x6400, $0x38;
	[tilespmem:$0x1F400] =	vst v63  }
0x35c: {  	_ =	swait.ge [sflag:s6], $0x6400  }
0x35d: {  	[sflag:s6] =	ssyncset.done $0x0  }
0x35e: {  	s16 =	simm.s32 $0x3840;
	[sflag:s6] =	ssyncadd.s32 $0xFFFF9C00  }
0x35f: {  	[tilespmem:s10], [sflag:$0x4] =	stream.indirect.gather [hbm4b:s3+s4], $0x20, s16, s4, $0xb8;
	[tilespmem:$0x1F400] =	vst v63  }
0x360: {  	_ =	swait.ge [sflag:s12], $0x6400  }
0x361: {  	s16 =	sld [smem:$0x7ED]  }
0x362: {  	[sflag:s12] =	ssyncset.done $0x0  }
0x363: {  	[sflag:s12] =	ssyncadd.s32 $0xFFFF9C00  }
0x364: {  	[hbm4b:s16+s2] =	stream.linear.scatter [tilespmem:s9], [sflag:$0x9], $0x6400, $0x38;
	[tilespmem:$0x1F400] =	vst v63  }
0x365: {  	_ =	swait.ge [sflag:s5], $0x6400  }
0x366: {  	[sflag:s5] =	ssyncset.done $0x0  }
0x367: {  	s31 =	simm.s32 $0x3B60;
	[sflag:s5] =	ssyncadd.s32 $0xFFFF9C00  }
0x368: {  	[tilespmem:s9], [sflag:$0x5] =	stream.indirect.gather [hbm4b:s3+s4], $0x20, s31, s4, $0xb8;
	[tilespmem:$0x1F400] =	vst v63  }
0x369: {  	_ =	swait.ge [sflag:s17], $0x6400  }
0x36a: {  	s16 =	sld [smem:$0x7EE]  }
0x36b: {  	[sflag:s17] =	ssyncset.done $0x0  }
0x36c: {  	[sflag:s17] =	ssyncadd.s32 $0xFFFF9C00  }
0x36d: {  	[hbm4b:s16+s2] =	stream.linear.scatter [tilespmem:s14], [sflag:$0x6], $0x6400, $0x38;
	[tilespmem:$0x1F400] =	vst v63  }
0x36e: {  	_ =	swait.ge [sflag:s8], $0x6400  }
0x36f: {  	[sflag:s8] =	ssyncset.done $0x0  }
0x370: {  	s30 =	simm.s32 $0x3E80;
	[sflag:s8] =	ssyncadd.s32 $0xFFFF9C00  }
0x371: {  	[tilespmem:s14], [sflag:$0x2] =	stream.indirect.gather [hbm4b:s3+s4], $0x20, s30, s4, $0xb8;
	[tilespmem:$0x1F400] =	vst v63  }
0x372: {  	_ =	swait.ge [sflag:s15], $0x6400  }
0x373: {  	s16 =	sld [smem:$0x7EF]  }
0x374: {  	[sflag:s15] =	ssyncset.done $0x0  }
0x375: {  	[sflag:s15] =	ssyncadd.s32 $0xFFFF9C00  }
0x376: {  	[hbm4b:s16+s2] =	stream.linear.scatter [tilespmem:s11], [sflag:$0x7], $0x6400, $0x38;
	[tilespmem:$0x1F400] =	vst v63  }
0x377: {  	_ =	swait.ge [sflag:s7], $0x6400  }
0x378: {  	[sflag:s7] =	ssyncset.done $0x0  }
0x379: {  	s29 =	simm.s32 $0x41A0;
	[sflag:s7] =	ssyncadd.s32 $0xFFFF9C00  }
0x37a: {  	[tilespmem:s11], [sflag:$0x3] =	stream.indirect.gather [hbm4b:s3+s4], $0x20, s29, s4, $0xb8;
	[tilespmem:$0x1F400] =	vst v63  }
0x37b: {  	_ =	swait.ge [sflag:s13], $0x6400  }
0x37c: {  	s16 =	sld [smem:$0x7F0]  }
0x37d: {  	[sflag:s13] =	ssyncset.done $0x0  }
0x37e: {  	[sflag:s13] =	ssyncadd.s32 $0xFFFF9C00  }
0x37f: {  	[hbm4b:s16+s2] =	stream.linear.scatter [tilespmem:s10], [sflag:$0x8], $0x6400, $0x38;
	[tilespmem:$0x1F400] =	vst v63  }
0x380: {  	_ =	swait.ge [sflag:s6], $0x6400  }
0x381: {  	[sflag:s6] =	ssyncset.done $0x0  }
0x382: {  	s28 =	simm.s32 $0x44C0;
	[sflag:s6] =	ssyncadd.s32 $0xFFFF9C00  }
0x383: {  	[tilespmem:s10], [sflag:$0x4] =	stream.indirect.gather [hbm4b:s3+s4], $0x20, s28, s4, $0xb8;
	[tilespmem:$0x1F400] =	vst v63  }
0x384: {  	_ =	swait.ge [sflag:s12], $0x6400  }
0x385: {  	s16 =	sld [smem:$0x7F1]  }
0x386: {  	[sflag:s12] =	ssyncset.done $0x0  }
0x387: {  	[sflag:s12] =	ssyncadd.s32 $0xFFFF9C00  }
0x388: {  	[hbm4b:s16+s2] =	stream.linear.scatter [tilespmem:s9], [sflag:$0x9], $0x6400, $0x38;
	[tilespmem:$0x1F400] =	vst v63  }
0x389: {  	_ =	swait.ge [sflag:s5], $0x6400  }
0x38a: {  	[sflag:s5] =	ssyncset.done $0x0  }
0x38b: {  	s26 =	simm.s32 $0x47E0;
	[sflag:s5] =	ssyncadd.s32 $0xFFFF9C00  }
0x38c: {  	[tilespmem:s9], [sflag:$0x5] =	stream.indirect.gather [hbm4b:s3+s4], $0x20, s26, s4, $0xb8;
	[tilespmem:$0x1F400] =	vst v63  }
0x38d: {  	_ =	swait.ge [sflag:s17], $0x6400  }
0x38e: {  	s16 =	sld [smem:$0x7F2]  }
0x38f: {  	[sflag:s17] =	ssyncset.done $0x0  }
0x390: {  	[sflag:s17] =	ssyncadd.s32 $0xFFFF9C00  }
0x391: {  	[hbm4b:s16+s2] =	stream.linear.scatter [tilespmem:s14], [sflag:$0x6], $0x6400, $0x38;
	[tilespmem:$0x1F400] =	vst v63  }
0x392: {  	_ =	swait.ge [sflag:s8], $0x6400  }
0x393: {  	[sflag:s8] =	ssyncset.done $0x0  }
0x394: {  	s25 =	simm.s32 $0x4B00;
	[sflag:s8] =	ssyncadd.s32 $0xFFFF9C00  }
0x395: {  	[tilespmem:s14], [sflag:$0x2] =	stream.indirect.gather [hbm4b:s3+s4], $0x20, s25, s4, $0xb8;
	[tilespmem:$0x1F400] =	vst v63  }
0x396: {  	_ =	swait.ge [sflag:s15], $0x6400  }
0x397: {  	s16 =	sld [smem:$0x7F3]  }
0x398: {  	[sflag:s15] =	ssyncset.done $0x0  }
0x399: {  	[sflag:s15] =	ssyncadd.s32 $0xFFFF9C00  }
0x39a: {  	[hbm4b:s16+s2] =	stream.linear.scatter [tilespmem:s11], [sflag:$0x7], $0x6400, $0x38;
	[tilespmem:$0x1F400] =	vst v63  }
0x39b: {  	_ =	swait.ge [sflag:s7], $0x6400  }
0x39c: {  	[sflag:s7] =	ssyncset.done $0x0  }
0x39d: {  	s24 =	simm.s32 $0x4E20;
	[sflag:s7] =	ssyncadd.s32 $0xFFFF9C00  }
0x39e: {  	[tilespmem:s11], [sflag:$0x3] =	stream.indirect.gather [hbm4b:s3+s4], $0x20, s24, s4, $0xb8;
	[tilespmem:$0x1F400] =	vst v63  }
0x39f: {  	_ =	swait.ge [sflag:s13], $0x6400  }
0x3a0: {  	s16 =	sld [smem:$0x7F4]  }
0x3a1: {  	[sflag:s13] =	ssyncset.done $0x0  }
0x3a2: {  	[sflag:s13] =	ssyncadd.s32 $0xFFFF9C00  }
0x3a3: {  	[hbm4b:s16+s2] =	stream.linear.scatter [tilespmem:s10], [sflag:$0x8], $0x6400, $0x38;
	[tilespmem:$0x1F400] =	vst v63  }
0x3a4: {  	_ =	swait.ge [sflag:s6], $0x6400  }
0x3a5: {  	[sflag:s6] =	ssyncset.done $0x0  }
0x3a6: {  	s23 =	simm.s32 $0x5140;
	[sflag:s6] =	ssyncadd.s32 $0xFFFF9C00  }
0x3a7: {  	[tilespmem:s10], [sflag:$0x4] =	stream.indirect.gather [hbm4b:s3+s4], $0x20, s23, s4, $0xb8;
	[tilespmem:$0x1F400] =	vst v63  }
0x3a8: {  	_ =	swait.ge [sflag:s12], $0x6400  }
0x3a9: {  	s16 =	sld [smem:$0x7F5]  }
0x3aa: {  	[sflag:s12] =	ssyncset.done $0x0  }
0x3ab: {  	[sflag:s12] =	ssyncadd.s32 $0xFFFF9C00  }
0x3ac: {  	[hbm4b:s16+s2] =	stream.linear.scatter [tilespmem:s9], [sflag:$0x9], $0x6400, $0x38;
	[tilespmem:$0x1F400] =	vst v63  }
0x3ad: {  	_ =	swait.ge [sflag:s5], $0x6400  }
0x3ae: {  	[sflag:s5] =	ssyncset.done $0x0  }
0x3af: {  	s22 =	simm.s32 $0x5460;
	[sflag:s5] =	ssyncadd.s32 $0xFFFF9C00  }
0x3b0: {  	[tilespmem:s9], [sflag:$0x5] =	stream.indirect.gather [hbm4b:s3+s4], $0x20, s22, s4, $0xb8;
	[tilespmem:$0x1F400] =	vst v63  }
0x3b1: {  	_ =	swait.ge [sflag:s17], $0x6400  }
0x3b2: {  	s16 =	sld [smem:$0x7F6]  }
0x3b3: {  	[sflag:s17] =	ssyncset.done $0x0  }
0x3b4: {  	[sflag:s17] =	ssyncadd.s32 $0xFFFF9C00  }
0x3b5: {  	[hbm4b:s16+s2] =	stream.linear.scatter [tilespmem:s14], [sflag:$0x6], $0x6400, $0x38;
	[tilespmem:$0x1F400] =	vst v63  }
0x3b6: {  	_ =	swait.ge [sflag:s8], $0x6400  }
0x3b7: {  	[sflag:s8] =	ssyncset.done $0x0  }
0x3b8: {  	s21 =	simm.s32 $0x5780;
	[sflag:s8] =	ssyncadd.s32 $0xFFFF9C00  }
0x3b9: {  	[tilespmem:s14], [sflag:$0x2] =	stream.indirect.gather [hbm4b:s3+s4], $0x20, s21, s4, $0xb8;
	[tilespmem:$0x1F400] =	vst v63  }
0x3ba: {  	_ =	swait.ge [sflag:s15], $0x6400  }
0x3bb: {  	s16 =	sld [smem:$0x7F7]  }
0x3bc: {  	[sflag:s15] =	ssyncset.done $0x0  }
0x3bd: {  	[sflag:s15] =	ssyncadd.s32 $0xFFFF9C00  }
0x3be: {  	[hbm4b:s16+s2] =	stream.linear.scatter [tilespmem:s11], [sflag:$0x7], $0x6400, $0x38;
	[tilespmem:$0x1F400] =	vst v63  }
0x3bf: {  	_ =	swait.ge [sflag:s7], $0x6400  }
0x3c0: {  	[sflag:s7] =	ssyncset.done $0x0  }
0x3c1: {  	s20 =	simm.s32 $0x5AA0;
	[sflag:s7] =	ssyncadd.s32 $0xFFFF9C00  }
0x3c2: {  	[tilespmem:s11], [sflag:$0x3] =	stream.indirect.gather [hbm4b:s3+s4], $0x20, s20, s4, $0xb8;
	[tilespmem:$0x1F400] =	vst v63  }
0x3c3: {  	_ =	swait.ge [sflag:s13], $0x6400  }
0x3c4: {  	s16 =	sld [smem:$0x7F8]  }
0x3c5: {  	[sflag:s13] =	ssyncset.done $0x0  }
0x3c6: {  	[sflag:s13] =	ssyncadd.s32 $0xFFFF9C00  }
0x3c7: {  	[hbm4b:s16+s2] =	stream.linear.scatter [tilespmem:s10], [sflag:$0x8], $0x6400, $0x38;
	[tilespmem:$0x1F400] =	vst v63  }
0x3c8: {  	_ =	swait.ge [sflag:s6], $0x6400  }
0x3c9: {  	[sflag:s6] =	ssyncset.done $0x0  }
0x3ca: {  	s19 =	simm.s32 $0x5DC0;
	[sflag:s6] =	ssyncadd.s32 $0xFFFF9C00  }
0x3cb: {  	[tilespmem:s10], [sflag:$0x4] =	stream.indirect.gather [hbm4b:s3+s4], $0x20, s19, s4, $0xb8;
	[tilespmem:$0x1F400] =	vst v63  }
0x3cc: {  	_ =	swait.ge [sflag:s12], $0x6400  }
0x3cd: {  	s16 =	sld [smem:$0x7F9]  }
0x3ce: {  	[sflag:s12] =	ssyncset.done $0x0  }
0x3cf: {  	[sflag:s12] =	ssyncadd.s32 $0xFFFF9C00  }
0x3d0: {  	[hbm4b:s16+s2] =	stream.linear.scatter [tilespmem:s9], [sflag:$0x9], $0x6400, $0x38;
	[tilespmem:$0x1F400] =	vst v63  }
0x3d1: {  	_ =	swait.ge [sflag:s5], $0x6400  }
0x3d2: {  	[sflag:s5] =	ssyncset.done $0x0  }
0x3d3: {  	s18 =	simm.s32 $0x60E0;
	[sflag:s5] =	ssyncadd.s32 $0xFFFF9C00  }
0x3d4: {  	[tilespmem:s9], [sflag:$0x5] =	stream.indirect.gather [hbm4b:s3+s4], $0x20, s18, s4, $0xb8;
	[tilespmem:$0x1F400] =	vst v63  }
0x3d5: {  	_ =	swait.ge [sflag:s17], $0x6400  }
0x3d6: {  	s16 =	sld [smem:$0x7FA]  }
0x3d7: {  	[sflag:s17] =	ssyncset.done $0x0  }
0x3d8: {  	[sflag:s17] =	ssyncadd.s32 $0xFFFF9C00  }
0x3d9: {  	[hbm4b:s16+s2] =	stream.linear.scatter [tilespmem:s14], [sflag:$0x6], $0x6400, $0x38;
	[tilespmem:$0x1F400] =	vst v63  }
0x3da: {  	_ =	swait.ge [sflag:s15], $0x6400  }
0x3db: {  	s16 =	sld [smem:$0x7FB]  }
0x3dc: {  	[sflag:s15] =	ssyncset.done $0x0  }
0x3dd: {  	[sflag:s15] =	ssyncadd.s32 $0xFFFF9C00  }
0x3de: {  	[hbm4b:s16+s2] =	stream.linear.scatter [tilespmem:s11], [sflag:$0x7], $0x6400, $0x38;
	[tilespmem:$0x1F400] =	vst v63  }
0x3df: {  	_ =	swait.ge [sflag:s13], $0x6400  }
0x3e0: {  	s16 =	sld [smem:$0x7FC]  }
0x3e1: {  	[sflag:s13] =	ssyncset.done $0x0  }
0x3e2: {  	[sflag:s13] =	ssyncadd.s32 $0xFFFF9C00  }
0x3e3: {  	[hbm4b:s16+s2] =	stream.linear.scatter [tilespmem:s10], [sflag:$0x8], $0x6400, $0x38;
	[tilespmem:$0x1F400] =	vst v63  }
0x3e4: {  	_ =	swait.ge [sflag:s12], $0x6400  }
0x3e5: {  	s16 =	sld [smem:$0x7FD]  }
0x3e6: {  	[sflag:s12] =	ssyncset.done $0x0  }
0x3e7: {  	[sflag:s12] =	ssyncadd.s32 $0xFFFF9C00  }
0x3e8: {  	[hbm4b:s16+s2] =	stream.linear.scatter [tilespmem:s9], [sflag:$0x9], $0x6400, $0x38;
	[tilespmem:$0x1F400] =	vst v63  }
0x3e9: {  	_ =	swait.ge [sflag:s8], $0x6400  }
0x3ea: {  	[sflag:s8] =	ssyncset.done $0x0  }
0x3eb: {  	[sflag:s8] =	ssyncadd.s32 $0xFFFF9C00  }
0x3ec: {  	_ =	swait.ge [sflag:s7], $0x6400  }
0x3ed: {  	[sflag:s7] =	ssyncset.done $0x0  }
0x3ee: {  	p1 =	sne.s32 s0, $0x1;
	[sflag:s7] =	ssyncadd.s32 $0xFFFF9C00  }
.Ltmp2:
0x3ef: {  	_ =	swait.ge [sflag:s6], $0x6400;
	(pc) =	sbr.rel @p1 .LBB2_2-.Ltmp2, $4  }
0x3f0: {  	[sflag:s6] =	ssyncset.done $0x0  }
0x3f1: {  	[sflag:s6] =	ssyncadd.s32 $0xFFFF9C00  }
0x3f2: {  	_ =	swait.ge [sflag:s5], $0x6400  }
0x3f3: {  	s0 =	sadd.s32 $0xFFFFFFFF, s0;
	s16 =	rddreg [dreg:$0x3];
	[sflag:s5] =	ssyncset.done $0x0  }
.LBB2_3:
0x3f4: {  	[sflag:s5] =	ssyncadd.s32 @p0 $0xFFFF9C00;
	s0 =	rddreg [dreg:$0x4]  }
0x3f5: {  	[tilespmem:s2], [sflag:$0x1] =	stream.linear.gather [hbm4b:s16+s2], $0x320, $0x38;
	[tilespmem:$0x1F400] =	vst v63  }
0x3f6: {  	s16 =	rddreg [dreg:$0x5]  }
0x3f7: {  	[tilespmem:s4], [sflag:$0x1] =	stream.linear.gather [hbm4b:s0+s2], $0x320, $0x38;
	[tilespmem:$0x1F400] =	vst v63  }
0x3f8: {  	s0 =	rddreg [dreg:$0x6]  }
0x3f9: {  	[smem:$0x7C1] =	sst s0;
	s0 =	simm.s32 $0x640  }
0x3fa: {  	[tilespmem:s0], [sflag:$0x1] =	stream.linear.gather [hbm4b:s16+s2], $0x320, $0x38;
	[tilespmem:$0x1F400] =	vst v63  }
0x3fb: {  	s16 =	rddreg [dreg:$0x7]  }
0x3fc: {  	[smem:$0x7C2] =	sst s16  }
0x3fd: {  	s16 =	sld [smem:$0x7C1];
	_ =	sdelay $0x1  }
0x3fe: {  	s0 =	simm.s32 $0x960  }
0x3ff: {  	[tilespmem:s0], [sflag:$0x1] =	stream.linear.gather [hbm4b:s16+s2], $0x320, $0x38;
	[tilespmem:$0x1F400] =	vst v63  }
0x400: {  	s16 =	rddreg [dreg:$0x8]  }
0x401: {  	[smem:$0x7C3] =	sst s16  }
0x402: {  	s16 =	sld [smem:$0x7C2];
	_ =	sdelay $0x1  }
0x403: {  	s0 =	simm.s32 $0xC80  }
0x404: {  	[tilespmem:s0], [sflag:$0x1] =	stream.linear.gather [hbm4b:s16+s2], $0x320, $0x38;
	[tilespmem:$0x1F400] =	vst v63  }
0x405: {  	s16 =	rddreg [dreg:$0x9]  }
0x406: {  	[smem:$0x7C4] =	sst s16  }
0x407: {  	s16 =	sld [smem:$0x7C3];
	_ =	sdelay $0x1  }
0x408: {  	s0 =	simm.s32 $0xFA0  }
0x409: {  	[tilespmem:s0], [sflag:$0x1] =	stream.linear.gather [hbm4b:s16+s2], $0x320, $0x38;
	[tilespmem:$0x1F400] =	vst v63  }
0x40a: {  	s16 =	rddreg [dreg:$0xa]  }
0x40b: {  	[smem:$0x7C5] =	sst s16  }
0x40c: {  	s16 =	sld [smem:$0x7C4];
	_ =	sdelay $0x1  }
0x40d: {  	s0 =	simm.s32 $0x12C0  }
0x40e: {  	[tilespmem:s0], [sflag:$0x1] =	stream.linear.gather [hbm4b:s16+s2], $0x320, $0x38;
	[tilespmem:$0x1F400] =	vst v63  }
0x40f: {  	s16 =	rddreg [dreg:$0xb]  }
0x410: {  	[smem:$0x7C6] =	sst s16  }
0x411: {  	s16 =	sld [smem:$0x7C5];
	_ =	sdelay $0x1  }
0x412: {  	s0 =	simm.s32 $0x15E0  }
0x413: {  	[tilespmem:s0], [sflag:$0x1] =	stream.linear.gather [hbm4b:s16+s2], $0x320, $0x38;
	[tilespmem:$0x1F400] =	vst v63  }
0x414: {  	s16 =	rddreg [dreg:$0xc]  }
0x415: {  	[smem:$0x7C7] =	sst s16  }
0x416: {  	s16 =	sld [smem:$0x7C6];
	_ =	sdelay $0x1  }
0x417: {  	s0 =	simm.s32 $0x1900  }
0x418: {  	[tilespmem:s0], [sflag:$0x1] =	stream.linear.gather [hbm4b:s16+s2], $0x320, $0x38;
	[tilespmem:$0x1F400] =	vst v63  }
0x419: {  	s16 =	rddreg [dreg:$0xd]  }
0x41a: {  	[smem:$0x7C8] =	sst s16  }
0x41b: {  	s16 =	sld [smem:$0x7C7];
	_ =	sdelay $0x1  }
0x41c: {  	s0 =	simm.s32 $0x1C20  }
0x41d: {  	[tilespmem:s0], [sflag:$0x1] =	stream.linear.gather [hbm4b:s16+s2], $0x320, $0x38;
	[tilespmem:$0x1F400] =	vst v63  }
0x41e: {  	s16 =	rddreg [dreg:$0xe]  }
0x41f: {  	[smem:$0x7C9] =	sst s16  }
0x420: {  	s16 =	sld [smem:$0x7C8];
	_ =	sdelay $0x1  }
0x421: {  	s0 =	simm.s32 $0x1F40  }
0x422: {  	[tilespmem:s0], [sflag:$0x1] =	stream.linear.gather [hbm4b:s16+s2], $0x320, $0x38;
	[tilespmem:$0x1F400] =	vst v63  }
0x423: {  	s16 =	rddreg [dreg:$0xf]  }
0x424: {  	[smem:$0x7CA] =	sst s16  }
0x425: {  	s16 =	sld [smem:$0x7C9];
	_ =	sdelay $0x1  }
0x426: {  	s0 =	simm.s32 $0x2260  }
0x427: {  	[tilespmem:s0], [sflag:$0x1] =	stream.linear.gather [hbm4b:s16+s2], $0x320, $0x38;
	[tilespmem:$0x1F400] =	vst v63  }
0x428: {  	s16 =	rddreg [dreg:$0x10]  }
0x429: {  	[smem:$0x7CB] =	sst s16  }
0x42a: {  	s16 =	sld [smem:$0x7CA];
	_ =	sdelay $0x1  }
0x42b: {  	s0 =	simm.s32 $0x2580  }
0x42c: {  	[tilespmem:s0], [sflag:$0x1] =	stream.linear.gather [hbm4b:s16+s2], $0x320, $0x38;
	[tilespmem:$0x1F400] =	vst v63  }
0x42d: {  	s16 =	rddreg [dreg:$0x11]  }
0x42e: {  	[smem:$0x7CC] =	sst s16  }
0x42f: {  	s16 =	sld [smem:$0x7CB];
	_ =	sdelay $0x1  }
0x430: {  	s0 =	simm.s32 $0x28A0  }
0x431: {  	[tilespmem:s0], [sflag:$0x1] =	stream.linear.gather [hbm4b:s16+s2], $0x320, $0x38;
	[tilespmem:$0x1F400] =	vst v63  }
0x432: {  	s16 =	rddreg [dreg:$0x12]  }
0x433: {  	[smem:$0x7CD] =	sst s16  }
0x434: {  	s16 =	sld [smem:$0x7CC];
	_ =	sdelay $0x1  }
0x435: {  	s0 =	simm.s32 $0x2BC0  }
0x436: {  	[tilespmem:s0], [sflag:$0x1] =	stream.linear.gather [hbm4b:s16+s2], $0x320, $0x38;
	[tilespmem:$0x1F400] =	vst v63  }
0x437: {  	s16 =	rddreg [dreg:$0x13]  }
0x438: {  	[smem:$0x7CE] =	sst s16  }
0x439: {  	s16 =	sld [smem:$0x7CD];
	_ =	sdelay $0x1  }
0x43a: {  	s0 =	simm.s32 $0x2EE0  }
0x43b: {  	[tilespmem:s0], [sflag:$0x1] =	stream.linear.gather [hbm4b:s16+s2], $0x320, $0x38;
	[tilespmem:$0x1F400] =	vst v63  }
0x43c: {  	s16 =	rddreg [dreg:$0x14]  }
0x43d: {  	[smem:$0x7CF] =	sst s16  }
0x43e: {  	s16 =	sld [smem:$0x7CE];
	_ =	sdelay $0x1  }
0x43f: {  	s0 =	simm.s32 $0x3200  }
0x440: {  	[tilespmem:s0], [sflag:$0x1] =	stream.linear.gather [hbm4b:s16+s2], $0x320, $0x38;
	[tilespmem:$0x1F400] =	vst v63  }
0x441: {  	s16 =	rddreg [dreg:$0x15]  }
0x442: {  	[smem:$0x7D0] =	sst s16  }
0x443: {  	s16 =	sld [smem:$0x7CF];
	_ =	sdelay $0x1  }
0x444: {  	s0 =	simm.s32 $0x3520  }
0x445: {  	[tilespmem:s0], [sflag:$0x1] =	stream.linear.gather [hbm4b:s16+s2], $0x320, $0x38;
	[tilespmem:$0x1F400] =	vst v63  }
0x446: {  	s16 =	rddreg [dreg:$0x16]  }
0x447: {  	[smem:$0x7D1] =	sst s16  }
0x448: {  	s16 =	sld [smem:$0x7D0];
	_ =	sdelay $0x1  }
0x449: {  	s0 =	simm.s32 $0x3840  }
0x44a: {  	[tilespmem:s0], [sflag:$0x1] =	stream.linear.gather [hbm4b:s16+s2], $0x320, $0x38;
	[tilespmem:$0x1F400] =	vst v63  }
0x44b: {  	s0 =	sld [smem:$0x7D1];
	_ =	sdelay $0x1  }
0x44c: {  	s16 =	rddreg [dreg:$0x17]  }
0x44d: {  	[tilespmem:s31], [sflag:$0x1] =	stream.linear.gather [hbm4b:s0+s2], $0x320, $0x38;
	[tilespmem:$0x1F400] =	vst v63  }
0x44e: {  	s0 =	rddreg [dreg:$0x18]  }
0x44f: {  	[tilespmem:s30], [sflag:$0x1] =	stream.linear.gather [hbm4b:s16+s2], $0x320, $0x38;
	[tilespmem:$0x1F400] =	vst v63  }
0x450: {  	s16 =	rddreg [dreg:$0x19]  }
0x451: {  	[tilespmem:s29], [sflag:$0x1] =	stream.linear.gather [hbm4b:s0+s2], $0x320, $0x38;
	[tilespmem:$0x1F400] =	vst v63  }
0x452: {  	s0 =	rddreg [dreg:$0x1a]  }
0x453: {  	[tilespmem:s28], [sflag:$0x1] =	stream.linear.gather [hbm4b:s16+s2], $0x320, $0x38;
	[tilespmem:$0x1F400] =	vst v63  }
0x454: {  	s16 =	rddreg [dreg:$0x1b]  }
0x455: {  	[tilespmem:s26], [sflag:$0x1] =	stream.linear.gather [hbm4b:s0+s2], $0x320, $0x38;
	[tilespmem:$0x1F400] =	vst v63  }
0x456: {  	s0 =	rddreg [dreg:$0x1c]  }
0x457: {  	[tilespmem:s25], [sflag:$0x1] =	stream.linear.gather [hbm4b:s16+s2], $0x320, $0x38;
	[tilespmem:$0x1F400] =	vst v63  }
0x458: {  	s16 =	rddreg [dreg:$0x1d]  }
0x459: {  	[tilespmem:s24], [sflag:$0x1] =	stream.linear.gather [hbm4b:s0+s2], $0x320, $0x38;
	[tilespmem:$0x1F400] =	vst v63  }
0x45a: {  	s0 =	rddreg [dreg:$0x1e]  }
0x45b: {  	[tilespmem:s23], [sflag:$0x1] =	stream.linear.gather [hbm4b:s16+s2], $0x320, $0x38;
	[tilespmem:$0x1F400] =	vst v63  }
0x45c: {  	s16 =	rddreg [dreg:$0x1f]  }
0x45d: {  	[tilespmem:s22], [sflag:$0x1] =	stream.linear.gather [hbm4b:s0+s2], $0x320, $0x38;
	[tilespmem:$0x1F400] =	vst v63  }
0x45e: {  	s0 =	sld [smem:$0x7D3]  }
0x45f: {  	[tilespmem:s21], [sflag:$0x1] =	stream.linear.gather [hbm4b:s16+s2], $0x320, $0x38;
	[tilespmem:$0x1F400] =	vst v63  }
0x460: {  	s16 =	sld [smem:$0x7D5]  }
0x461: {  	[tilespmem:s20], [sflag:$0x1] =	stream.linear.gather [hbm4b:s0+s2], $0x320, $0x38;
	[tilespmem:$0x1F400] =	vst v63  }
0x462: {  	s0 =	sld [smem:$0x7D6]  }
0x463: {  	[tilespmem:s19], [sflag:$0x1] =	stream.linear.gather [hbm4b:s16+s2], $0x320, $0x38;
	[tilespmem:$0x1F400] =	vst v63  }
0x464: {  	_ = 	snop  }
0x465: {  	[tilespmem:s18], [sflag:$0x1] =	stream.linear.gather [hbm4b:s0+s2], $0x320, $0x38;
	[tilespmem:$0x1F400] =	vst v63  }
0x466: {  	_ =	swait.ge [sflag:s1], $0x320  }
0x467: {  	[sflag:s1] =	ssyncset.done $0x0  }
0x468: {  	[sflag:s1] =	ssyncadd.s32 $0xFFFFFCE0  }
0x469: {  	_ =	swait.ge [sflag:s1], $0x320  }
0x46a: {  	[sflag:s1] =	ssyncset.done $0x0  }
0x46b: {  	[sflag:s1] =	ssyncadd.s32 $0xFFFFFCE0  }
0x46c: {  	_ =	swait.ge [sflag:s1], $0x320  }
0x46d: {  	[sflag:s1] =	ssyncset.done $0x0  }
0x46e: {  	[sflag:s1] =	ssyncadd.s32 $0xFFFFFCE0  }
0x46f: {  	_ =	swait.ge [sflag:s1], $0x320  }
0x470: {  	[sflag:s1] =	ssyncset.done $0x0  }
0x471: {  	[sflag:s1] =	ssyncadd.s32 $0xFFFFFCE0  }
0x472: {  	_ =	swait.ge [sflag:s1], $0x320  }
0x473: {  	[sflag:s1] =	ssyncset.done $0x0  }
0x474: {  	[sflag:s1] =	ssyncadd.s32 $0xFFFFFCE0  }
0x475: {  	_ =	swait.ge [sflag:s1], $0x320  }
0x476: {  	[sflag:s1] =	ssyncset.done $0x0  }
0x477: {  	[sflag:s1] =	ssyncadd.s32 $0xFFFFFCE0  }
0x478: {  	_ =	swait.ge [sflag:s1], $0x320  }
0x479: {  	[sflag:s1] =	ssyncset.done $0x0  }
0x47a: {  	[sflag:s1] =	ssyncadd.s32 $0xFFFFFCE0  }
0x47b: {  	_ =	swait.ge [sflag:s1], $0x320  }
0x47c: {  	[sflag:s1] =	ssyncset.done $0x0  }
0x47d: {  	[sflag:s1] =	ssyncadd.s32 $0xFFFFFCE0  }
0x47e: {  	_ =	swait.ge [sflag:s1], $0x320  }
0x47f: {  	[sflag:s1] =	ssyncset.done $0x0  }
0x480: {  	[sflag:s1] =	ssyncadd.s32 $0xFFFFFCE0  }
0x481: {  	_ =	swait.ge [sflag:s1], $0x320  }
0x482: {  	[sflag:s1] =	ssyncset.done $0x0  }
0x483: {  	[sflag:s1] =	ssyncadd.s32 $0xFFFFFCE0  }
0x484: {  	_ =	swait.ge [sflag:s1], $0x320  }
0x485: {  	[sflag:s1] =	ssyncset.done $0x0  }
0x486: {  	[sflag:s1] =	ssyncadd.s32 $0xFFFFFCE0  }
0x487: {  	_ =	swait.ge [sflag:s1], $0x320  }
0x488: {  	[sflag:s1] =	ssyncset.done $0x0  }
0x489: {  	[sflag:s1] =	ssyncadd.s32 $0xFFFFFCE0  }
0x48a: {  	_ =	swait.ge [sflag:s1], $0x320  }
0x48b: {  	[sflag:s1] =	ssyncset.done $0x0  }
0x48c: {  	[sflag:s1] =	ssyncadd.s32 $0xFFFFFCE0  }
0x48d: {  	_ =	swait.ge [sflag:s1], $0x320  }
0x48e: {  	[sflag:s1] =	ssyncset.done $0x0  }
0x48f: {  	[sflag:s1] =	ssyncadd.s32 $0xFFFFFCE0  }
0x490: {  	_ =	swait.ge [sflag:s1], $0x320  }
0x491: {  	[sflag:s1] =	ssyncset.done $0x0  }
0x492: {  	[sflag:s1] =	ssyncadd.s32 $0xFFFFFCE0  }
0x493: {  	_ =	swait.ge [sflag:s1], $0x320  }
0x494: {  	[sflag:s1] =	ssyncset.done $0x0  }
0x495: {  	[sflag:s1] =	ssyncadd.s32 $0xFFFFFCE0  }
0x496: {  	_ =	swait.ge [sflag:s1], $0x320  }
0x497: {  	[sflag:s1] =	ssyncset.done $0x0  }
0x498: {  	[sflag:s1] =	ssyncadd.s32 $0xFFFFFCE0  }
0x499: {  	_ =	swait.ge [sflag:s1], $0x320  }
0x49a: {  	[sflag:s1] =	ssyncset.done $0x0  }
0x49b: {  	[sflag:s1] =	ssyncadd.s32 $0xFFFFFCE0  }
0x49c: {  	_ =	swait.ge [sflag:s1], $0x320  }
0x49d: {  	[sflag:s1] =	ssyncset.done $0x0  }
0x49e: {  	[sflag:s1] =	ssyncadd.s32 $0xFFFFFCE0  }
0x49f: {  	_ =	swait.ge [sflag:s1], $0x320  }
0x4a0: {  	[sflag:s1] =	ssyncset.done $0x0  }
0x4a1: {  	[sflag:s1] =	ssyncadd.s32 $0xFFFFFCE0  }
0x4a2: {  	_ =	swait.ge [sflag:s1], $0x320  }
0x4a3: {  	[sflag:s1] =	ssyncset.done $0x0  }
0x4a4: {  	[sflag:s1] =	ssyncadd.s32 $0xFFFFFCE0  }
0x4a5: {  	_ =	swait.ge [sflag:s1], $0x320  }
0x4a6: {  	[sflag:s1] =	ssyncset.done $0x0  }
0x4a7: {  	[sflag:s1] =	ssyncadd.s32 $0xFFFFFCE0  }
0x4a8: {  	_ =	swait.ge [sflag:s1], $0x320  }
0x4a9: {  	[sflag:s1] =	ssyncset.done $0x0  }
0x4aa: {  	[sflag:s1] =	ssyncadd.s32 $0xFFFFFCE0  }
0x4ab: {  	_ =	swait.ge [sflag:s1], $0x320  }
0x4ac: {  	[sflag:s1] =	ssyncset.done $0x0  }
0x4ad: {  	[sflag:s1] =	ssyncadd.s32 $0xFFFFFCE0  }
0x4ae: {  	_ =	swait.ge [sflag:s1], $0x320  }
0x4af: {  	[sflag:s1] =	ssyncset.done $0x0  }
0x4b0: {  	[sflag:s1] =	ssyncadd.s32 $0xFFFFFCE0  }
0x4b1: {  	_ =	swait.ge [sflag:s1], $0x320  }
0x4b2: {  	[sflag:s1] =	ssyncset.done $0x0  }
0x4b3: {  	[sflag:s1] =	ssyncadd.s32 $0xFFFFFCE0  }
0x4b4: {  	_ =	swait.ge [sflag:s1], $0x320  }
0x4b5: {  	[sflag:s1] =	ssyncset.done $0x0  }
0x4b6: {  	[sflag:s1] =	ssyncadd.s32 $0xFFFFFCE0  }
0x4b7: {  	_ =	swait.ge [sflag:s1], $0x320  }
0x4b8: {  	[sflag:s1] =	ssyncset.done $0x0  }
0x4b9: {  	[sflag:s1] =	ssyncadd.s32 $0xFFFFFCE0  }
0x4ba: {  	_ =	swait.ge [sflag:s1], $0x320  }
0x4bb: {  	[sflag:s1] =	ssyncset.done $0x0  }
0x4bc: {  	[sflag:s1] =	ssyncadd.s32 $0xFFFFFCE0  }
0x4bd: {  	_ =	swait.ge [sflag:s1], $0x320  }
0x4be: {  	[sflag:s1] =	ssyncset.done $0x0  }
0x4bf: {  	[sflag:s1] =	ssyncadd.s32 $0xFFFFFCE0  }
0x4c0: {  	_ =	swait.ge [sflag:s1], $0x320  }
0x4c1: {  	[sflag:s1] =	ssyncset.done $0x0  }
0x4c2: {  	[sflag:s1] =	ssyncadd.s32 $0xFFFFFCE0  }
0x4c3: {  	_ =	swait.ge [sflag:s1], $0x320  }
0x4c4: {  	[sflag:s1] =	ssyncset.done $0x0  }
0x4c5: {  	[sflag:s1] =	ssyncadd.s32 $0xFFFFFCE0  }
0x4c6: {  	[tilespmem:s14], [sflag:$0x2] =	stream.indirect.gather [hbm4b:s3+s4], $0x20, s2, s4, $0xb8;
	[tilespmem:$0x1F400] =	vst v63  }
0x4c7: {  	_ = 	snop  }
0x4c8: {  	[tilespmem:s11], [sflag:$0x3] =	stream.indirect.gather [hbm4b:s3+s4], $0x20, s4, s4, $0xb8;
	[tilespmem:$0x1F400] =	vst v63  }
0x4c9: {  	s16 =	simm.s32 $0x640  }
0x4ca: {  	[tilespmem:s10], [sflag:$0x4] =	stream.indirect.gather [hbm4b:s3+s4], $0x20, s16, s4, $0xb8;
	[tilespmem:$0x1F400] =	vst v63  }
0x4cb: {  	s1 =	simm.s32 $0x960  }
0x4cc: {  	[tilespmem:s9], [sflag:$0x5] =	stream.indirect.gather [hbm4b:s3+s4], $0x20, s1, s4, $0xb8;
	[tilespmem:$0x1F400] =	vst v63  }
0x4cd: {  	_ =	swait.ge [sflag:s17], $0x6400  }
0x4ce: {  	s16 =	sld [smem:$0x7D8]  }
0x4cf: {  	[sflag:s17] =	ssyncset.done $0x0  }
0x4d0: {  	[sflag:s17] =	ssyncadd.s32 $0xFFFF9C00  }
0x4d1: {  	[hbm4b:s16+s2] =	stream.linear.scatter [tilespmem:s14], [sflag:$0x6], $0x6400, $0x38;
	[tilespmem:$0x1F400] =	vst v63  }
0x4d2: {  	_ =	swait.ge [sflag:s8], $0x6400  }
0x4d3: {  	[sflag:s8] =	ssyncset.done $0x0  }
0x4d4: {  	s1 =	simm.s32 $0xC80;
	[sflag:s8] =	ssyncadd.s32 $0xFFFF9C00  }
0x4d5: {  	[tilespmem:s14], [sflag:$0x2] =	stream.indirect.gather [hbm4b:s3+s4], $0x20, s1, s4, $0xb8;
	[tilespmem:$0x1F400] =	vst v63  }
0x4d6: {  	_ =	swait.ge [sflag:s15], $0x6400  }
0x4d7: {  	s16 =	sld [smem:$0x7DA]  }
0x4d8: {  	[sflag:s15] =	ssyncset.done $0x0  }
0x4d9: {  	[sflag:s15] =	ssyncadd.s32 $0xFFFF9C00  }
0x4da: {  	[hbm4b:s16+s2] =	stream.linear.scatter [tilespmem:s11], [sflag:$0x7], $0x6400, $0x38;
	[tilespmem:$0x1F400] =	vst v63  }
0x4db: {  	_ =	swait.ge [sflag:s7], $0x6400  }
0x4dc: {  	[sflag:s7] =	ssyncset.done $0x0  }
0x4dd: {  	s1 =	simm.s32 $0xFA0;
	[sflag:s7] =	ssyncadd.s32 $0xFFFF9C00  }
0x4de: {  	[tilespmem:s11], [sflag:$0x3] =	stream.indirect.gather [hbm4b:s3+s4], $0x20, s1, s4, $0xb8;
	[tilespmem:$0x1F400] =	vst v63  }
0x4df: {  	_ =	swait.ge [sflag:s13], $0x6400  }
0x4e0: {  	s16 =	sld [smem:$0x7DC]  }
0x4e1: {  	[sflag:s13] =	ssyncset.done $0x0  }
0x4e2: {  	[sflag:s13] =	ssyncadd.s32 $0xFFFF9C00  }
0x4e3: {  	[hbm4b:s16+s2] =	stream.linear.scatter [tilespmem:s10], [sflag:$0x8], $0x6400, $0x38;
	[tilespmem:$0x1F400] =	vst v63  }
0x4e4: {  	_ =	swait.ge [sflag:s6], $0x6400  }
0x4e5: {  	[sflag:s6] =	ssyncset.done $0x0  }
0x4e6: {  	s1 =	simm.s32 $0x12C0;
	[sflag:s6] =	ssyncadd.s32 $0xFFFF9C00  }
0x4e7: {  	[tilespmem:s10], [sflag:$0x4] =	stream.indirect.gather [hbm4b:s3+s4], $0x20, s1, s4, $0xb8;
	[tilespmem:$0x1F400] =	vst v63  }
0x4e8: {  	_ =	swait.ge [sflag:s12], $0x6400  }
0x4e9: {  	s16 =	sld [smem:$0x7DE]  }
0x4ea: {  	[sflag:s12] =	ssyncset.done $0x0  }
0x4eb: {  	[sflag:s12] =	ssyncadd.s32 $0xFFFF9C00  }
0x4ec: {  	[hbm4b:s16+s2] =	stream.linear.scatter [tilespmem:s9], [sflag:$0x9], $0x6400, $0x38;
	[tilespmem:$0x1F400] =	vst v63  }
0x4ed: {  	_ =	swait.ge [sflag:s5], $0x6400  }
0x4ee: {  	[sflag:s5] =	ssyncset.done $0x0  }
0x4ef: {  	s1 =	simm.s32 $0x15E0;
	[sflag:s5] =	ssyncadd.s32 $0xFFFF9C00  }
0x4f0: {  	[tilespmem:s9], [sflag:$0x5] =	stream.indirect.gather [hbm4b:s3+s4], $0x20, s1, s4, $0xb8;
	[tilespmem:$0x1F400] =	vst v63  }
0x4f1: {  	_ =	swait.ge [sflag:s17], $0x6400  }
0x4f2: {  	s16 =	sld [smem:$0x7E0]  }
0x4f3: {  	[sflag:s17] =	ssyncset.done $0x0  }
0x4f4: {  	[sflag:s17] =	ssyncadd.s32 $0xFFFF9C00  }
0x4f5: {  	[hbm4b:s16+s2] =	stream.linear.scatter [tilespmem:s14], [sflag:$0x6], $0x6400, $0x38;
	[tilespmem:$0x1F400] =	vst v63  }
0x4f6: {  	_ =	swait.ge [sflag:s8], $0x6400  }
0x4f7: {  	[sflag:s8] =	ssyncset.done $0x0  }
0x4f8: {  	s1 =	simm.s32 $0x1900;
	[sflag:s8] =	ssyncadd.s32 $0xFFFF9C00  }
0x4f9: {  	[tilespmem:s14], [sflag:$0x2] =	stream.indirect.gather [hbm4b:s3+s4], $0x20, s1, s4, $0xb8;
	[tilespmem:$0x1F400] =	vst v63  }
0x4fa: {  	_ =	swait.ge [sflag:s15], $0x6400  }
0x4fb: {  	s16 =	sld [smem:$0x7E2]  }
0x4fc: {  	[sflag:s15] =	ssyncset.done $0x0  }
0x4fd: {  	[sflag:s15] =	ssyncadd.s32 $0xFFFF9C00  }
0x4fe: {  	[hbm4b:s16+s2] =	stream.linear.scatter [tilespmem:s11], [sflag:$0x7], $0x6400, $0x38;
	[tilespmem:$0x1F400] =	vst v63  }
0x4ff: {  	_ =	swait.ge [sflag:s7], $0x6400  }
0x500: {  	[sflag:s7] =	ssyncset.done $0x0  }
0x501: {  	s1 =	simm.s32 $0x1C20;
	[sflag:s7] =	ssyncadd.s32 $0xFFFF9C00  }
0x502: {  	[tilespmem:s11], [sflag:$0x3] =	stream.indirect.gather [hbm4b:s3+s4], $0x20, s1, s4, $0xb8;
	[tilespmem:$0x1F400] =	vst v63  }
0x503: {  	_ =	swait.ge [sflag:s13], $0x6400  }
0x504: {  	s16 =	sld [smem:$0x7E3]  }
0x505: {  	[sflag:s13] =	ssyncset.done $0x0  }
0x506: {  	[sflag:s13] =	ssyncadd.s32 $0xFFFF9C00  }
0x507: {  	[hbm4b:s16+s2] =	stream.linear.scatter [tilespmem:s10], [sflag:$0x8], $0x6400, $0x38;
	[tilespmem:$0x1F400] =	vst v63  }
0x508: {  	_ =	swait.ge [sflag:s6], $0x6400  }
0x509: {  	[sflag:s6] =	ssyncset.done $0x0  }
0x50a: {  	s1 =	simm.s32 $0x1F40;
	[sflag:s6] =	ssyncadd.s32 $0xFFFF9C00  }
0x50b: {  	[tilespmem:s10], [sflag:$0x4] =	stream.indirect.gather [hbm4b:s3+s4], $0x20, s1, s4, $0xb8;
	[tilespmem:$0x1F400] =	vst v63  }
0x50c: {  	_ =	swait.ge [sflag:s12], $0x6400  }
0x50d: {  	s16 =	sld [smem:$0x7E4]  }
0x50e: {  	[sflag:s12] =	ssyncset.done $0x0  }
0x50f: {  	[sflag:s12] =	ssyncadd.s32 $0xFFFF9C00  }
0x510: {  	[hbm4b:s16+s2] =	stream.linear.scatter [tilespmem:s9], [sflag:$0x9], $0x6400, $0x38;
	[tilespmem:$0x1F400] =	vst v63  }
0x511: {  	_ =	swait.ge [sflag:s5], $0x6400  }
0x512: {  	[sflag:s5] =	ssyncset.done $0x0  }
0x513: {  	s1 =	simm.s32 $0x2260;
	[sflag:s5] =	ssyncadd.s32 $0xFFFF9C00  }
0x514: {  	[tilespmem:s9], [sflag:$0x5] =	stream.indirect.gather [hbm4b:s3+s4], $0x20, s1, s4, $0xb8;
	[tilespmem:$0x1F400] =	vst v63  }
0x515: {  	_ =	swait.ge [sflag:s17], $0x6400  }
0x516: {  	s16 =	sld [smem:$0x7E5]  }
0x517: {  	[sflag:s17] =	ssyncset.done $0x0  }
0x518: {  	[sflag:s17] =	ssyncadd.s32 $0xFFFF9C00  }
0x519: {  	[hbm4b:s16+s2] =	stream.linear.scatter [tilespmem:s14], [sflag:$0x6], $0x6400, $0x38;
	[tilespmem:$0x1F400] =	vst v63  }
0x51a: {  	_ =	swait.ge [sflag:s8], $0x6400  }
0x51b: {  	[sflag:s8] =	ssyncset.done $0x0  }
0x51c: {  	s1 =	simm.s32 $0x2580;
	[sflag:s8] =	ssyncadd.s32 $0xFFFF9C00  }
0x51d: {  	[tilespmem:s14], [sflag:$0x2] =	stream.indirect.gather [hbm4b:s3+s4], $0x20, s1, s4, $0xb8;
	[tilespmem:$0x1F400] =	vst v63  }
0x51e: {  	_ =	swait.ge [sflag:s15], $0x6400  }
0x51f: {  	s16 =	sld [smem:$0x7E6]  }
0x520: {  	[sflag:s15] =	ssyncset.done $0x0  }
0x521: {  	[sflag:s15] =	ssyncadd.s32 $0xFFFF9C00  }
0x522: {  	[hbm4b:s16+s2] =	stream.linear.scatter [tilespmem:s11], [sflag:$0x7], $0x6400, $0x38;
	[tilespmem:$0x1F400] =	vst v63  }
0x523: {  	_ =	swait.ge [sflag:s7], $0x6400  }
0x524: {  	[sflag:s7] =	ssyncset.done $0x0  }
0x525: {  	s1 =	simm.s32 $0x28A0;
	[sflag:s7] =	ssyncadd.s32 $0xFFFF9C00  }
0x526: {  	[tilespmem:s11], [sflag:$0x3] =	stream.indirect.gather [hbm4b:s3+s4], $0x20, s1, s4, $0xb8;
	[tilespmem:$0x1F400] =	vst v63  }
0x527: {  	_ =	swait.ge [sflag:s13], $0x6400  }
0x528: {  	s16 =	sld [smem:$0x7E7]  }
0x529: {  	[sflag:s13] =	ssyncset.done $0x0  }
0x52a: {  	[sflag:s13] =	ssyncadd.s32 $0xFFFF9C00  }
0x52b: {  	[hbm4b:s16+s2] =	stream.linear.scatter [tilespmem:s10], [sflag:$0x8], $0x6400, $0x38;
	[tilespmem:$0x1F400] =	vst v63  }
0x52c: {  	_ =	swait.ge [sflag:s6], $0x6400  }
0x52d: {  	[sflag:s6] =	ssyncset.done $0x0  }
0x52e: {  	s1 =	simm.s32 $0x2BC0;
	[sflag:s6] =	ssyncadd.s32 $0xFFFF9C00  }
0x52f: {  	[tilespmem:s10], [sflag:$0x4] =	stream.indirect.gather [hbm4b:s3+s4], $0x20, s1, s4, $0xb8;
	[tilespmem:$0x1F400] =	vst v63  }
0x530: {  	_ =	swait.ge [sflag:s12], $0x6400  }
0x531: {  	s16 =	sld [smem:$0x7E8]  }
0x532: {  	[sflag:s12] =	ssyncset.done $0x0  }
0x533: {  	[sflag:s12] =	ssyncadd.s32 $0xFFFF9C00  }
0x534: {  	[hbm4b:s16+s2] =	stream.linear.scatter [tilespmem:s9], [sflag:$0x9], $0x6400, $0x38;
	[tilespmem:$0x1F400] =	vst v63  }
0x535: {  	_ =	swait.ge [sflag:s5], $0x6400  }
0x536: {  	[sflag:s5] =	ssyncset.done $0x0  }
0x537: {  	s1 =	simm.s32 $0x2EE0;
	[sflag:s5] =	ssyncadd.s32 $0xFFFF9C00  }
0x538: {  	[tilespmem:s9], [sflag:$0x5] =	stream.indirect.gather [hbm4b:s3+s4], $0x20, s1, s4, $0xb8;
	[tilespmem:$0x1F400] =	vst v63  }
0x539: {  	_ =	swait.ge [sflag:s17], $0x6400  }
0x53a: {  	s16 =	sld [smem:$0x7EA]  }
0x53b: {  	[sflag:s17] =	ssyncset.done $0x0  }
0x53c: {  	[sflag:s17] =	ssyncadd.s32 $0xFFFF9C00  }
0x53d: {  	[hbm4b:s16+s2] =	stream.linear.scatter [tilespmem:s14], [sflag:$0x6], $0x6400, $0x38;
	[tilespmem:$0x1F400] =	vst v63  }
0x53e: {  	_ =	swait.ge [sflag:s8], $0x6400  }
0x53f: {  	[sflag:s8] =	ssyncset.done $0x0  }
0x540: {  	s1 =	simm.s32 $0x3200;
	[sflag:s8] =	ssyncadd.s32 $0xFFFF9C00  }
0x541: {  	[tilespmem:s14], [sflag:$0x2] =	stream.indirect.gather [hbm4b:s3+s4], $0x20, s1, s4, $0xb8;
	[tilespmem:$0x1F400] =	vst v63  }
0x542: {  	_ =	swait.ge [sflag:s15], $0x6400  }
0x543: {  	s16 =	sld [smem:$0x7EB]  }
0x544: {  	[sflag:s15] =	ssyncset.done $0x0  }
0x545: {  	[sflag:s15] =	ssyncadd.s32 $0xFFFF9C00  }
0x546: {  	[hbm4b:s16+s2] =	stream.linear.scatter [tilespmem:s11], [sflag:$0x7], $0x6400, $0x38;
	[tilespmem:$0x1F400] =	vst v63  }
0x547: {  	_ =	swait.ge [sflag:s7], $0x6400  }
0x548: {  	[sflag:s7] =	ssyncset.done $0x0  }
0x549: {  	s1 =	simm.s32 $0x3520;
	[sflag:s7] =	ssyncadd.s32 $0xFFFF9C00  }
0x54a: {  	[tilespmem:s11], [sflag:$0x3] =	stream.indirect.gather [hbm4b:s3+s4], $0x20, s1, s4, $0xb8;
	[tilespmem:$0x1F400] =	vst v63  }
0x54b: {  	_ =	swait.ge [sflag:s13], $0x6400  }
0x54c: {  	s16 =	sld [smem:$0x7EC]  }
0x54d: {  	[sflag:s13] =	ssyncset.done $0x0  }
0x54e: {  	[sflag:s13] =	ssyncadd.s32 $0xFFFF9C00  }
0x54f: {  	[hbm4b:s16+s2] =	stream.linear.scatter [tilespmem:s10], [sflag:$0x8], $0x6400, $0x38;
	[tilespmem:$0x1F400] =	vst v63  }
0x550: {  	_ =	swait.ge [sflag:s6], $0x6400  }
0x551: {  	[sflag:s6] =	ssyncset.done $0x0  }
0x552: {  	s1 =	simm.s32 $0x3840;
	[sflag:s6] =	ssyncadd.s32 $0xFFFF9C00  }
0x553: {  	[tilespmem:s10], [sflag:$0x4] =	stream.indirect.gather [hbm4b:s3+s4], $0x20, s1, s4, $0xb8;
	[tilespmem:$0x1F400] =	vst v63  }
0x554: {  	_ =	swait.ge [sflag:s12], $0x6400  }
0x555: {  	s16 =	sld [smem:$0x7ED]  }
0x556: {  	[sflag:s12] =	ssyncset.done $0x0  }
0x557: {  	[sflag:s12] =	ssyncadd.s32 $0xFFFF9C00  }
0x558: {  	[hbm4b:s16+s2] =	stream.linear.scatter [tilespmem:s9], [sflag:$0x9], $0x6400, $0x38;
	[tilespmem:$0x1F400] =	vst v63  }
0x559: {  	_ =	swait.ge [sflag:s5], $0x6400  }
0x55a: {  	[sflag:s5] =	ssyncset.done $0x0  }
0x55b: {  	[sflag:s5] =	ssyncadd.s32 $0xFFFF9C00  }
0x55c: {  	[tilespmem:s9], [sflag:$0x5] =	stream.indirect.gather [hbm4b:s3+s4], $0x20, s31, s4, $0xb8;
	[tilespmem:$0x1F400] =	vst v63  }
0x55d: {  	_ =	swait.ge [sflag:s17], $0x6400  }
0x55e: {  	s31 =	sld [smem:$0x7EE]  }
0x55f: {  	[sflag:s17] =	ssyncset.done $0x0  }
0x560: {  	[sflag:s17] =	ssyncadd.s32 $0xFFFF9C00  }
0x561: {  	[hbm4b:s31+s2] =	stream.linear.scatter [tilespmem:s14], [sflag:$0x6], $0x6400, $0x38;
	[tilespmem:$0x1F400] =	vst v63  }
0x562: {  	_ =	swait.ge [sflag:s8], $0x6400  }
0x563: {  	[sflag:s8] =	ssyncset.done $0x0  }
0x564: {  	[sflag:s8] =	ssyncadd.s32 $0xFFFF9C00  }
0x565: {  	[tilespmem:s14], [sflag:$0x2] =	stream.indirect.gather [hbm4b:s3+s4], $0x20, s30, s4, $0xb8;
	[tilespmem:$0x1F400] =	vst v63  }
0x566: {  	_ =	swait.ge [sflag:s15], $0x6400  }
0x567: {  	s1 =	sld [smem:$0x7EF]  }
0x568: {  	[sflag:s15] =	ssyncset.done $0x0  }
0x569: {  	[sflag:s15] =	ssyncadd.s32 $0xFFFF9C00  }
0x56a: {  	[hbm4b:s1+s2] =	stream.linear.scatter [tilespmem:s11], [sflag:$0x7], $0x6400, $0x38;
	[tilespmem:$0x1F400] =	vst v63  }
0x56b: {  	_ =	swait.ge [sflag:s7], $0x6400  }
0x56c: {  	[sflag:s7] =	ssyncset.done $0x0  }
0x56d: {  	[sflag:s7] =	ssyncadd.s32 $0xFFFF9C00  }
0x56e: {  	[tilespmem:s11], [sflag:$0x3] =	stream.indirect.gather [hbm4b:s3+s4], $0x20, s29, s4, $0xb8;
	[tilespmem:$0x1F400] =	vst v63  }
0x56f: {  	_ =	swait.ge [sflag:s13], $0x6400  }
0x570: {  	s16 =	sld [smem:$0x7F0]  }
0x571: {  	[sflag:s13] =	ssyncset.done $0x0  }
0x572: {  	[sflag:s13] =	ssyncadd.s32 $0xFFFF9C00  }
0x573: {  	[hbm4b:s16+s2] =	stream.linear.scatter [tilespmem:s10], [sflag:$0x8], $0x6400, $0x38;
	[tilespmem:$0x1F400] =	vst v63  }
0x574: {  	_ =	swait.ge [sflag:s6], $0x6400  }
0x575: {  	[sflag:s6] =	ssyncset.done $0x0  }
0x576: {  	[sflag:s6] =	ssyncadd.s32 $0xFFFF9C00  }
0x577: {  	[tilespmem:s10], [sflag:$0x4] =	stream.indirect.gather [hbm4b:s3+s4], $0x20, s28, s4, $0xb8;
	[tilespmem:$0x1F400] =	vst v63  }
0x578: {  	_ =	swait.ge [sflag:s12], $0x6400  }
0x579: {  	s29 =	sld [smem:$0x7F1]  }
0x57a: {  	[sflag:s12] =	ssyncset.done $0x0  }
0x57b: {  	[sflag:s12] =	ssyncadd.s32 $0xFFFF9C00  }
0x57c: {  	[hbm4b:s29+s2] =	stream.linear.scatter [tilespmem:s9], [sflag:$0x9], $0x6400, $0x38;
	[tilespmem:$0x1F400] =	vst v63  }
0x57d: {  	_ =	swait.ge [sflag:s5], $0x6400  }
0x57e: {  	[sflag:s5] =	ssyncset.done $0x0  }
0x57f: {  	[sflag:s5] =	ssyncadd.s32 $0xFFFF9C00  }
0x580: {  	[tilespmem:s9], [sflag:$0x5] =	stream.indirect.gather [hbm4b:s3+s4], $0x20, s26, s4, $0xb8;
	[tilespmem:$0x1F400] =	vst v63  }
0x581: {  	_ =	swait.ge [sflag:s17], $0x6400  }
0x582: {  	s30 =	sld [smem:$0x7F2]  }
0x583: {  	[sflag:s17] =	ssyncset.done $0x0  }
0x584: {  	[sflag:s17] =	ssyncadd.s32 $0xFFFF9C00  }
0x585: {  	[hbm4b:s30+s2] =	stream.linear.scatter [tilespmem:s14], [sflag:$0x6], $0x6400, $0x38;
	[tilespmem:$0x1F400] =	vst v63  }
0x586: {  	_ =	swait.ge [sflag:s8], $0x6400  }
0x587: {  	[sflag:s8] =	ssyncset.done $0x0  }
0x588: {  	[sflag:s8] =	ssyncadd.s32 $0xFFFF9C00  }
0x589: {  	[tilespmem:s14], [sflag:$0x2] =	stream.indirect.gather [hbm4b:s3+s4], $0x20, s25, s4, $0xb8;
	[tilespmem:$0x1F400] =	vst v63  }
0x58a: {  	_ =	swait.ge [sflag:s15], $0x6400  }
0x58b: {  	s31 =	sld [smem:$0x7F3]  }
0x58c: {  	[sflag:s15] =	ssyncset.done $0x0  }
0x58d: {  	[sflag:s15] =	ssyncadd.s32 $0xFFFF9C00  }
0x58e: {  	[hbm4b:s31+s2] =	stream.linear.scatter [tilespmem:s11], [sflag:$0x7], $0x6400, $0x38;
	[tilespmem:$0x1F400] =	vst v63  }
0x58f: {  	_ =	swait.ge [sflag:s7], $0x6400  }
0x590: {  	[sflag:s7] =	ssyncset.done $0x0  }
0x591: {  	[sflag:s7] =	ssyncadd.s32 $0xFFFF9C00  }
0x592: {  	[tilespmem:s11], [sflag:$0x3] =	stream.indirect.gather [hbm4b:s3+s4], $0x20, s24, s4, $0xb8;
	[tilespmem:$0x1F400] =	vst v63  }
0x593: {  	_ =	swait.ge [sflag:s13], $0x6400  }
0x594: {  	s1 =	sld [smem:$0x7F4]  }
0x595: {  	[sflag:s13] =	ssyncset.done $0x0  }
0x596: {  	[sflag:s13] =	ssyncadd.s32 $0xFFFF9C00  }
0x597: {  	[hbm4b:s1+s2] =	stream.linear.scatter [tilespmem:s10], [sflag:$0x8], $0x6400, $0x38;
	[tilespmem:$0x1F400] =	vst v63  }
0x598: {  	_ =	swait.ge [sflag:s6], $0x6400  }
0x599: {  	[sflag:s6] =	ssyncset.done $0x0  }
0x59a: {  	[sflag:s6] =	ssyncadd.s32 $0xFFFF9C00  }
0x59b: {  	[tilespmem:s10], [sflag:$0x4] =	stream.indirect.gather [hbm4b:s3+s4], $0x20, s23, s4, $0xb8;
	[tilespmem:$0x1F400] =	vst v63  }
0x59c: {  	_ =	swait.ge [sflag:s12], $0x6400  }
0x59d: {  	s16 =	sld [smem:$0x7F5]  }
0x59e: {  	[sflag:s12] =	ssyncset.done $0x0  }
0x59f: {  	[sflag:s12] =	ssyncadd.s32 $0xFFFF9C00  }
0x5a0: {  	[hbm4b:s16+s2] =	stream.linear.scatter [tilespmem:s9], [sflag:$0x9], $0x6400, $0x38;
	[tilespmem:$0x1F400] =	vst v63  }
0x5a1: {  	_ =	swait.ge [sflag:s5], $0x6400  }
0x5a2: {  	[sflag:s5] =	ssyncset.done $0x0  }
0x5a3: {  	[sflag:s5] =	ssyncadd.s32 $0xFFFF9C00  }
0x5a4: {  	[tilespmem:s9], [sflag:$0x5] =	stream.indirect.gather [hbm4b:s3+s4], $0x20, s22, s4, $0xb8;
	[tilespmem:$0x1F400] =	vst v63  }
0x5a5: {  	_ =	swait.ge [sflag:s17], $0x6400  }
0x5a6: {  	s22 =	sld [smem:$0x7F6]  }
0x5a7: {  	[sflag:s17] =	ssyncset.done $0x0  }
0x5a8: {  	[sflag:s17] =	ssyncadd.s32 $0xFFFF9C00  }
0x5a9: {  	[hbm4b:s22+s2] =	stream.linear.scatter [tilespmem:s14], [sflag:$0x6], $0x6400, $0x38;
	[tilespmem:$0x1F400] =	vst v63  }
0x5aa: {  	_ =	swait.ge [sflag:s8], $0x6400  }
0x5ab: {  	[sflag:s8] =	ssyncset.done $0x0  }
0x5ac: {  	[sflag:s8] =	ssyncadd.s32 $0xFFFF9C00  }
0x5ad: {  	[tilespmem:s14], [sflag:$0x2] =	stream.indirect.gather [hbm4b:s3+s4], $0x20, s21, s4, $0xb8;
	[tilespmem:$0x1F400] =	vst v63  }
0x5ae: {  	_ =	swait.ge [sflag:s15], $0x6400  }
0x5af: {  	s23 =	sld [smem:$0x7F7]  }
0x5b0: {  	[sflag:s15] =	ssyncset.done $0x0  }
0x5b1: {  	[sflag:s15] =	ssyncadd.s32 $0xFFFF9C00  }
0x5b2: {  	[hbm4b:s23+s2] =	stream.linear.scatter [tilespmem:s11], [sflag:$0x7], $0x6400, $0x38;
	[tilespmem:$0x1F400] =	vst v63  }
0x5b3: {  	_ =	swait.ge [sflag:s7], $0x6400  }
0x5b4: {  	[sflag:s7] =	ssyncset.done $0x0  }
0x5b5: {  	[sflag:s7] =	ssyncadd.s32 $0xFFFF9C00  }
0x5b6: {  	[tilespmem:s11], [sflag:$0x3] =	stream.indirect.gather [hbm4b:s3+s4], $0x20, s20, s4, $0xb8;
	[tilespmem:$0x1F400] =	vst v63  }
0x5b7: {  	_ =	swait.ge [sflag:s13], $0x6400  }
0x5b8: {  	s24 =	sld [smem:$0x7F8]  }
0x5b9: {  	[sflag:s13] =	ssyncset.done $0x0  }
0x5ba: {  	[sflag:s13] =	ssyncadd.s32 $0xFFFF9C00  }
0x5bb: {  	[hbm4b:s24+s2] =	stream.linear.scatter [tilespmem:s10], [sflag:$0x8], $0x6400, $0x38;
	[tilespmem:$0x1F400] =	vst v63  }
0x5bc: {  	_ =	swait.ge [sflag:s6], $0x6400  }
0x5bd: {  	[sflag:s6] =	ssyncset.done $0x0  }
0x5be: {  	[sflag:s6] =	ssyncadd.s32 $0xFFFF9C00  }
0x5bf: {  	[tilespmem:s10], [sflag:$0x4] =	stream.indirect.gather [hbm4b:s3+s4], $0x20, s19, s4, $0xb8;
	[tilespmem:$0x1F400] =	vst v63  }
0x5c0: {  	_ =	swait.ge [sflag:s12], $0x6400  }
0x5c1: {  	s25 =	sld [smem:$0x7F9]  }
0x5c2: {  	[sflag:s12] =	ssyncset.done $0x0  }
0x5c3: {  	[sflag:s12] =	ssyncadd.s32 $0xFFFF9C00  }
0x5c4: {  	[hbm4b:s25+s2] =	stream.linear.scatter [tilespmem:s9], [sflag:$0x9], $0x6400, $0x38;
	[tilespmem:$0x1F400] =	vst v63  }
0x5c5: {  	_ =	swait.ge [sflag:s5], $0x6400  }
0x5c6: {  	[sflag:s5] =	ssyncset.done $0x0  }
0x5c7: {  	[sflag:s5] =	ssyncadd.s32 $0xFFFF9C00  }
0x5c8: {  	[tilespmem:s9], [sflag:$0x5] =	stream.indirect.gather [hbm4b:s3+s4], $0x20, s18, s4, $0xb8;
	[tilespmem:$0x1F400] =	vst v63  }
0x5c9: {  	_ =	swait.ge [sflag:s17], $0x6400  }
0x5ca: {  	s26 =	sld [smem:$0x7FA]  }
0x5cb: {  	[sflag:s17] =	ssyncset.done $0x0  }
0x5cc: {  	[sflag:s17] =	ssyncadd.s32 $0xFFFF9C00  }
0x5cd: {  	[hbm4b:s26+s2] =	stream.linear.scatter [tilespmem:s14], [sflag:$0x6], $0x6400, $0x38;
	[tilespmem:$0x1F400] =	vst v63  }
0x5ce: {  	_ =	swait.ge [sflag:s15], $0x6400  }
0x5cf: {  	s28 =	sld [smem:$0x7FB]  }
0x5d0: {  	[sflag:s15] =	ssyncset.done $0x0  }
0x5d1: {  	[sflag:s15] =	ssyncadd.s32 $0xFFFF9C00  }
0x5d2: {  	[hbm4b:s28+s2] =	stream.linear.scatter [tilespmem:s11], [sflag:$0x7], $0x6400, $0x38;
	[tilespmem:$0x1F400] =	vst v63  }
0x5d3: {  	_ =	swait.ge [sflag:s13], $0x6400  }
0x5d4: {  	s29 =	sld [smem:$0x7FC]  }
0x5d5: {  	[sflag:s13] =	ssyncset.done $0x0  }
0x5d6: {  	[sflag:s13] =	ssyncadd.s32 $0xFFFF9C00  }
0x5d7: {  	[hbm4b:s29+s2] =	stream.linear.scatter [tilespmem:s10], [sflag:$0x8], $0x6400, $0x38;
	[tilespmem:$0x1F400] =	vst v63  }
0x5d8: {  	_ =	swait.ge [sflag:s12], $0x6400  }
0x5d9: {  	s30 =	sld [smem:$0x7FD]  }
0x5da: {  	[sflag:s12] =	ssyncset.done $0x0  }
0x5db: {  	[sflag:s12] =	ssyncadd.s32 $0xFFFF9C00  }
0x5dc: {  	[hbm4b:s30+s2] =	stream.linear.scatter [tilespmem:s9], [sflag:$0x9], $0x6400, $0x38;
	[tilespmem:$0x1F400] =	vst v63  }
0x5dd: {  	_ =	swait.ge [sflag:s8], $0x6400  }
0x5de: {  	[sflag:s8] =	ssyncset.done $0x0  }
0x5df: {  	[sflag:s8] =	ssyncadd.s32 $0xFFFF9C00  }
0x5e0: {  	_ =	swait.ge [sflag:s7], $0x6400  }
0x5e1: {  	[sflag:s7] =	ssyncset.done $0x0  }
0x5e2: {  	[sflag:s7] =	ssyncadd.s32 $0xFFFF9C00  }
0x5e3: {  	_ =	swait.ge [sflag:s6], $0x6400  }
0x5e4: {  	[sflag:s6] =	ssyncset.done $0x0  }
0x5e5: {  	[sflag:s6] =	ssyncadd.s32 $0xFFFF9C00  }
0x5e6: {  	_ =	swait.ge [sflag:s5], $0x6400  }
0x5e7: {  	[sflag:s5] =	ssyncset.done $0x0  }
0x5e8: {  	[sflag:s5] =	ssyncadd.s32 $0xFFFF9C00  }
0x5e9: {  	_ =	sfence.sel $0x180000  }
0x5ea: {  	[bflag:$0x0] =	sbarrier.arrive $0xFFFF  }
0x5eb: {  	_ =	strace $0x90000047  }
0x5ec: {  	s31 =	stileid.u32;
	[bflag:$0x2] =	sbarrier.arrive $0xFFFF  }
0x5ed: {  	p0 =	sne.s32 s31, $0x0;
	s0 =	rddreg [dreg:$0x2]  }
0x5ee: {  	s0 =	sadd.s32 @!p0 $0x100000, s0  }
0x5ef: {  	[sflag:s0] =	ssyncadd.tile.s32 @!p0 $0x1;
	_ =	shalt  }
.Lfunc_end2:
_tile_overlayer_lowered:
.L_overlay_start_2:
0x5f0: {  	(tag) =	ssettag $0x2  }
0x5f1: {  	s0 =	rddreg [dreg:$0x0];
	s2 =	stileid.u32  }
0x5f2: {  	s1 =	rddreg [dreg:$0x1];
	p0 =	sne.s32 s2, $0x0  }
0x5f3: {  	s3 =	rddreg [dreg:$0x2];
	[bflag:$0x3] =	sbarrier.arrive $0xFFFF;
	s2 =	simm.s32 @!p0 $0x1C0A  }
0x5f4: {  	[timem:s3], [sflag:s2] =	dma.local @!p0 [hbm:s0], s1  }
0x5f5: {  	s0 =	simm.s32 @!p0 $0xA  }
0x5f6: {  	_ =	swait.ge @!p0 [sflag:s0], s1  }
0x5f7: {  	s1 =	ssub.s32 @!p0 $0x0, s1;
	[sflag:s0] =	ssyncset.done @!p0 $0x0  }
0x5f8: {  	[sflag:s0] =	ssyncadd.s32 @!p0 s1  }
0x5f9: {  	[bflag:$0x3] =	sbarrier.arrive $0xFFFF  }
0x5fa: {  	_ =	shalt  }

// kernel: sparse-core-data-format-call.1.cloned.1.call-start
scs
called_computation.1_lowered:
.L_overlay_start_0:
0x0: {  	s2 =	sld [smem:$0x3FD9]  }
0x1: {  	s3 =	sld [smem:$0x3FFE];
	_ =	sdelay $0x1  }
0x2: {  	s1 =	srdreg.scid  }
0x3: {  	s0 =	sand.u32 $0x1, s1  }
0x4: {  	s18 =	sshll.u32 s0, $0xA;
	s2 =	sadd.s32 s3, s2  }
0x5: {  	s2 =	sadd.s32 s2, s18  }
0x6: {  	[smem:$0x3FC6] =	sst s2  }
0x7: {  	_ = 	snop  }
0x8: {  	s2 =	sld [smem:$0x3FD0];
	(tm) =	ssettm $0x1  }
0x9: {  	s19 =	sld [smem:$0x3FFB];
	_ =	sdelay $0x3  }
0xa: {  	_ =	strace s19  }
0xb: {  	s3 =	sld [smem:$0x3FFC];
	_ =	sdelay $0x3  }
0xc: {  	_ =	strace s3  }
0xd: {  	s3 =	sld [smem:$0x3FFD];
	_ =	sdelay $0x3  }
0xe: {  	_ =	strace s3  }
0xf: {  	_ =	strace $0x8FFFFFFF  }
0x10: {  	s20 =	sld [smem:$0x3FDB];
	_ =	sdelay $0x1  }
0x11: {  	s4 =	simm.s32 $_scs_section_size  }
0x12: {  	s5 =	simm.s32 $_size__tile_overlayer_lowered;
	s6 =	simm.s32 $_tile_overlayer_lowered  }
0x13: {  	s23 =	simm.s32 $0x1BFF;
	s22 =	sshll.u32 s6, $0x1;
	s3 =	sadd.s32 s4, s20  }
0x14: {  	s7 =	simm.s32 $0x0;
	s21 =	sshll.u32 s5, $0x1;
	s5 =	sadd.s32 s22, s3  }
0x15: {  	[timem:s7], [sflag:s23] =	dma.local [hbm:s5], s21  }
0x16: {  	_ =	swait.ge [sflag:s23], s21  }
0x17: {  	s4 =	ssub.s32 $0x0, s21;
	[sflag:s23] =	ssyncset.done $0x0  }
0x18: {  	[sflag:s23] =	ssyncadd.s32 s4;
	_ =	sdelay $0x1  }
0x19: {  	s24 =	simm.s32 $0x1B8B  }
0x1a: {  	_ =	swait.ge [sflag:s24], $0x1  }
0x1b: {  	[sflag:s24] =	ssyncset.done $0x0  }
0x1c: {  	s26 =	simm.s32 $0x1B8E;
	s25 =	sld [smem:$0x3FFE];
	[sflag:s24] =	ssyncadd.s32 $0xFFFFFFFF  }
0x1d: {  	s27 =	simm.s32 $execute0_lowered;
	[smem:$0x3FD2] =	sst s26  }
0x1e: {  	s5 =	sshll.u32 s27, $0x1;
	_ =	strace $0x80000049;
	[dreg:$0x1] =	wrdreg $0xFFFFFFFF  }
0x1f: {  	s28 =	simm.s32 $_size_execute0_lowered;
	s3 =	sadd.s32 s3, s5;
	[dreg:$0x0] =	wrdreg $0x0  }
0x20: {  	s5 =	sshll.u32 s28, $0x1;
	[dreg:$0x2] =	wrdreg s3  }
0x21: {  	[dreg:$0x3] =	wrdreg s5  }
0x22: {  	[dreg:$0x4] =	wrdreg $0xC0  }
0x23: {  	_ =	task [dreg:s7], $0x5FFFF  }
0x24: {  	[dreg:$0x1] =	wrdreg $0xFFFFFFFF  }
0x25: {  	[dreg:$0x0] =	wrdreg $0x60  }
0x26: {  	[dreg:$0x2] =	wrdreg s25  }
0x27: {  	[dreg:$0x3] =	wrdreg s2  }
0x28: {  	[dreg:$0x4] =	wrdreg $0x9  }
0x29: {  	_ =	task.clear_ibuf [dreg:s7], $0x5FFFF;
	_ =	strace $0x90000049  }
0x2a: {  	s29 =	simm.s32 $0x9;
	_ =	strace $0x8000004B  }
0x2b: {  	_ =	swait.ge [sflag:s29], $0x1  }
0x2c: {  	[sflag:s29] =	ssyncadd.s32 $0xFFFFFFFF  }
0x2d: {  	_ =	strace $0x9000004B  }
0x2e: {  	_ =	sfence  }
0x2f: {  	s30 =	sld [smem:$0x0];
	_ =	sdelay $0x2  }
0x30: {  	s31 =	sshll.u32 s1, $0xD;
	s1 =	sshrl.u32 s1, $0x2  }
0x31: {  	s3 =	sand.u32 $0x4000, s31;
	s1 =	sadd.s32 s1, s30  }
0x32: {  	s0 =	sor.u32 s3, s0;
	s1 =	sshll.u32 s1, $0x11  }
0x33: {  	s0 =	sor.u32 s1, s0  }
0x34: {  	s0 =	sadd.s32 $0x8F2B, s0  }
0x35: {  	[sflag:s0] =	ssyncadd.remote.s32 $0x1  }
0x36: {  	_ =	sfence.sel $0xFFFF  }
0x37: {  	[dreg:$0x0] =	wrdreg $0xFFFFFFFF;
	(pc) =	sbr.abs _section_cstart, $3  }
0x38: {  	[dreg:$0x1] =	wrdreg $0xFFFFFFFF  }
0x39: {  	_ =	task.clear_ibuf [dreg:s7], $0x2FFFF;
	_ =	strace $0x9FFFFFFF  }
0x3a: {  	(tm) =	ssettm $0x7FFFFFFF  }
0x3b: {  	_ =	shalt  }
tec
execute0_lowered:
.L_overlay_start_1:
0x0: {  	(tag) =	ssettag $0x1  }
0x1: {  	s0 =	srdreg.scid  }
0x2: {  	s1 =	sshll.u32 s0, $0x4  }
0x3: {  	s4 =	rddreg [dreg:$0x0];
	s0 =	stileid.u32;
	s1 =	sand.u32 $0x10, s1  }
0x4: {  	s2 =	rddreg [dreg:$0x1];
	s7 =	simm.s32 $0x1;
	s1 =	sor.u32 s0, s1  }
0x5: {  	s8 =	simm.s32 $0x2;
	s11 =	simm.s32 $0x0;
	s3 =	sshll.u32 s1, $0x7  }
0x6: {  	s10 =	simm.s32 $0x0;
	s4 =	sadd.s32 $0xC00, s4;
	s6 =	ssub.s32 $0xC8000, s3  }
.Ltmp0:
0x7: {  	s1 =	rddreg [dreg:$0x2];
	s5 =	sand.u32 $0xF80, s6;
	(pc) =	sbr.rel .LBB1_1-.Ltmp0, $4  }
0x8: {  	_ =	strace $0x8000004A;
	s9 =	smov.u32 s3;
	p0 =	sne.s32 s5, $0x0  }
0x9: {  	s6 =	sshrl.u32 s6, $0xC;
	s5 =	simm.s32 $0x1;
	s7 =	simm.s32 @!p0 $0x0  }
0xa: {  	[sflag:s5] =	ssyncpa.u1 $0x0;
	p0 =	por $0x0, $0x0;
	s6 =	sadd.s32 s7, s6  }
0xb: {  	[sflag:s8] =	ssyncpa.u1 $0x0;
	s8 =	simm.s32 $0x640000;
	s7 =	sadd.s32 $0x1, s6  }
.LBB1_4:
0xc: {  	s14 =	sshll.u32 s11, $0x3  }
0xd: {  	s30 =	sand.u32 $0x7F, s11;
	s15 =	sand.u32 $0xFFFFFC00, s14  }
0xe: {  	s11 =	sor.u32 s30, s15  }
0xf: {  	s15 =	smulhi.u32 $0x51EB851F, s11  }
0x10: {  	s14 =	smulhi.u32 $0x51EB851F, s14  }
0x11: {  	s15 =	sshrl.u32 s15, $0x12  }
0x12: {  	s14 =	sshrl.u32 s14, $0x12;
	s15 =	smul.u32 $0xC8000, s15  }
0x13: {  	s14 =	sand.u32 $0x1F, s14  }
0x14: {  	s14 =	smul.u32 $0x19000, s14;
	s11 =	ssub.s32 s11, s15  }
0x15: {  	s15 =	sand.u32 $0x7, s11  }
0x16: {  	s14 =	sadd.s32 s2, s14;
	s11 =	sshrl.u32 s11, $0x3;
	s15 =	sshll.u32 s15, $0x12  }
0x17: {  	[tilespmem:s13+$0x0 ss:$0x81] =	vst.msk $0xffff, v0;
	s11 =	sadd.s32 s11, s14;
	s31 =	sor.u32 $0x400, s15  }
0x18: {  	[hbm4b:s11+s31] =	stream.strided.scatter [tilespmem:s12], [sflag:$0x2], $0x1000, s8, s31, $0x20;
	[tilespmem:$0x4040] =	vst v63  }
.LBB1_5:
0x19: {  	s13 =	sadd.s32 $0x1000, s9  }
0x1a: {  	p2 =	sgt.s32 s13, $0xC7FFF  }
0x1b: {  	s13 =	smov.u32 @p2 s3;
	p2 =	sne.s32 s10, s7  }
.Ltmp1:
0x1c: {  	p1 =	slt.u32 s10, $0x2;
	(pc) =	sbr.rel @!p2 .LBB1_6-.Ltmp1, $4  }
0x1d: {  	s12 =	simm.s32 @!p1 $0x2  }
0x1e: {  	s14 =	sadd.s32 $0x1, s10;
	_ =	swait.ge @!p1 [sflag:s12], $0x1000  }
0x1f: {  	s11 =	smov.u32 s9;
	p0 =	por !p0, !p0;
	[sflag:s12] =	ssyncset.done @!p1 $0x0  }
0x20: {  	s10 =	smov.u32 s14;
	s9 =	smov.u32 s13;
	[sflag:s12] =	ssyncadd.s32 @!p1 $0xFFFFF000  }
.LBB1_1:
0x21: {  	p1 =	sge.u32 s10, s6  }
0x22: {  	s12 =	sand.u32 @!p1 $0x1FFFFFF, s9  }
0x23: {  	s13 =	smulhi.u32 @!p1 $0x147AE15, s12;
	_ =	sdelay $0x1  }
0x24: {  	s13 =	sshrl.u32 @!p1 s13, $0xC  }
0x25: {  	s13 =	smul.u32 @!p1 $0xC8000, s13;
	_ =	sdelay $0x1  }
0x26: {  	s31 =	sadd.s32 $0xFFFFFFFF, s10;
	s14 =	sxor.u32 @!p1 $0xFFFFFFFF, s10;
	s12 =	ssub.s32 @!p1 s12, s13  }
0x27: {  	s15 =	simm.s32 @!p1 $0x80;
	s14 =	sshll.u32 @!p1 s14, $0xC;
	s12 =	sshll.u32 @!p1 s12, $0x4  }
0x28: {  	s13 =	sand.u32 @!p1 $0x1000, s14;
	s14 =	simm.s32 @!p1 $0x20;
	s12 =	sadd.s32 @!p1 s4, s12  }
0x29: {  	[tilespmem:s13], [sflag:$0x1] =	stream.strided.gather @!p1 [hbm4b:s12+s14], $0x1000, s15, s14, $0x38;
	[tilespmem:$0x4040] =	vst v63  }
0x2a: {  	p1 =	sge.u32 s31, s6  }
.Ltmp2:
0x2b: {  	_ = 	snop;
	(pc) =	sbr.rel @p1 .LBB1_5-.Ltmp2, $1  }
0x2c: {  	_ =	sdelay $0x3  }
0x2d: {  	s12 =	simm.s32 $0x1  }
0x2e: {  	_ =	swait.ge [sflag:s5], $0x1000;
	s12 =	simm.s32 @!p0 $0x0  }
0x2f: {  	[sflag:s5] =	ssyncset.done $0x0;
	s13 =	sshll.u32 s12, $0xC  }
0x30: {  	[sflag:s5] =	ssyncadd.s32 $0xFFFFF000;
	s16 =	sor.u32 $0x10, s13  }
0x31: {  	s12 =	smul.u32 $0x4080, s12;
	v1 =	vld [tilespmem:s16+$0x0]  }
0x32: {  	s30 =	sand.u32 $0x1, s10;
	v0 =	vld [tilespmem:s16+$0xFFFFFFF0]  }
0x33: {  	s13 =	smul.u32 $0x4080, s30;
	s12 =	sshrl.u32 s12, $0x2  }
0x34: {  	s14 =	sor.u32 $0x2000, s12  }
0x35: {  	s31 =	sshrl.u32 s13, $0x2;
	s13 =	sadd.s32 $0x0, s14  }
0x36: {  	s15 =	simm.s32 $0x4;
	s16 =	sadd.s32 $0x20, s16;
	s12 =	sor.u32 $0x2000, s31;
	[tilespmem:s13+$0x810 ss:$0x81] =	vst.msk $0xffff, v1  }
.LBB1_3:
0x37: {  	v1 =	vld [tilespmem:s16+$0x0];
	p1 =	sne.s32 s15, $0x1FC;
	[tilespmem:s13+$0x0 ss:$0x81] =	vst.msk $0xffff, v0;
	s13 =	smov.u32 s15;
	s15 =	sadd.s32 $0x4, s15  }
.Ltmp3:
0x38: {  	v0 =	vld [tilespmem:s16+$0xFFFFFFF0];
	(pc) =	sbr.rel @p1 .LBB1_3-.Ltmp3, $4  }
0x39: {  	_ = 	snop  }
0x3a: {  	s13 =	sshra.s32 s13, $0x2  }
0x3b: {  	s13 =	sadd.s32 s13, s14  }
0x3c: {  	s16 =	sadd.s32 $0x20, s16;
	[tilespmem:s13+$0x810 ss:$0x81] =	vst.msk $0xffff, v1  }
.Ltmp4:
0x3d: {  	_ = 	snop;
	(pc) =	sbr.rel .LBB1_4-.Ltmp4, $1  }
0x3e: {  	_ =	sdelay $0x3  }
.LBB1_6:
0x3f: {  	_ =	sfence.sel $0x180000  }
0x40: {  	s2 =	simm.s32 $0x1;
	[bflag:$0x0] =	sbarrier.arrive $0xFFFF  }
0x41: {  	s31 =	simm.s32 $0x2;
	[sflag:s2] =	ssyncpa.u1 $0x1  }
0x42: {  	[sflag:s31] =	ssyncpa.u1 $0x1  }
0x43: {  	p0 =	sne.s32 s0, $0x0;
	_ =	strace $0x9000004A  }
0x44: {  	s0 =	sadd.s32 @!p0 $0x100000, s1;
	[bflag:$0x2] =	sbarrier.arrive $0xFFFF  }
0x45: {  	[sflag:s0] =	ssyncadd.tile.s32 @!p0 $0x1;
	_ =	shalt  }
.Lfunc_end1:
_tile_overlayer_lowered:
.L_overlay_start_2:
0x46: {  	(tag) =	ssettag $0x2  }
0x47: {  	s0 =	rddreg [dreg:$0x0];
	s2 =	stileid.u32  }
0x48: {  	s1 =	rddreg [dreg:$0x1];
	p0 =	sne.s32 s2, $0x0  }
0x49: {  	s3 =	rddreg [dreg:$0x2];
	[bflag:$0x3] =	sbarrier.arrive $0xFFFF;
	s2 =	simm.s32 @!p0 $0x1C01  }
0x4a: {  	[timem:s3], [sflag:s2] =	dma.local @!p0 [hbm:s0], s1  }
0x4b: {  	s0 =	simm.s32 @!p0 $0x1  }
0x4c: {  	_ =	swait.ge @!p0 [sflag:s0], s1  }
0x4d: {  	s1 =	ssub.s32 @!p0 $0x0, s1;
	[sflag:s0] =	ssyncset.done @!p0 $0x0  }
0x4e: {  	[sflag:s0] =	ssyncadd.s32 @!p0 s1  }
0x4f: {  	[bflag:$0x3] =	sbarrier.arrive $0xFFFF  }
0x50: {  	_ =	shalt  }

// kernel: sparse-core-data-format-call.cloned.1.call-start
scs
called_computation_lowered:
.L_overlay_start_0:
0x0: {  	s2 =	sld [smem:$0x3FD9]  }
0x1: {  	s3 =	sld [smem:$0x3FFE];
	_ =	sdelay $0x1  }
0x2: {  	s1 =	srdreg.scid  }
0x3: {  	s0 =	sand.u32 $0x1, s1  }
0x4: {  	s18 =	sshll.u32 s0, $0xA;
	s2 =	sadd.s32 s3, s2  }
0x5: {  	s2 =	sadd.s32 s2, s18  }
0x6: {  	[smem:$0x3FC6] =	sst s2  }
0x7: {  	_ = 	snop  }
0x8: {  	s2 =	sld [smem:$0x3FD0];
	(tm) =	ssettm $0x1  }
0x9: {  	s19 =	sld [smem:$0x3FFB];
	_ =	sdelay $0x3  }
0xa: {  	_ =	strace s19  }
0xb: {  	s3 =	sld [smem:$0x3FFC];
	_ =	sdelay $0x3  }
0xc: {  	_ =	strace s3  }
0xd: {  	s3 =	sld [smem:$0x3FFD];
	_ =	sdelay $0x3  }
0xe: {  	_ =	strace s3  }
0xf: {  	_ =	strace $0x8FFFFFFF  }
0x10: {  	s20 =	sld [smem:$0x3FDB];
	_ =	sdelay $0x1  }
0x11: {  	s4 =	simm.s32 $_scs_section_size  }
0x12: {  	s5 =	simm.s32 $_size__tile_overlayer_lowered;
	s6 =	simm.s32 $_tile_overlayer_lowered  }
0x13: {  	s23 =	simm.s32 $0x1BFF;
	s22 =	sshll.u32 s6, $0x1;
	s3 =	sadd.s32 s4, s20  }
0x14: {  	s7 =	simm.s32 $0x0;
	s21 =	sshll.u32 s5, $0x1;
	s5 =	sadd.s32 s22, s3  }
0x15: {  	[timem:s7], [sflag:s23] =	dma.local [hbm:s5], s21  }
0x16: {  	_ =	swait.ge [sflag:s23], s21  }
0x17: {  	s4 =	ssub.s32 $0x0, s21;
	[sflag:s23] =	ssyncset.done $0x0  }
0x18: {  	[sflag:s23] =	ssyncadd.s32 s4;
	_ =	sdelay $0x1  }
0x19: {  	s24 =	simm.s32 $0x1B8B  }
0x1a: {  	_ =	swait.ge [sflag:s24], $0x1  }
0x1b: {  	[sflag:s24] =	ssyncset.done $0x0  }
0x1c: {  	s26 =	simm.s32 $0x1B8E;
	s25 =	sld [smem:$0x3FFE];
	[sflag:s24] =	ssyncadd.s32 $0xFFFFFFFF  }
0x1d: {  	s27 =	simm.s32 $execute0_lowered;
	[smem:$0x3FD2] =	sst s26  }
0x1e: {  	s5 =	sshll.u32 s27, $0x1;
	_ =	strace $0x8000004C;
	[dreg:$0x1] =	wrdreg $0xFFFFFFFF  }
0x1f: {  	s28 =	simm.s32 $_size_execute0_lowered;
	s3 =	sadd.s32 s3, s5;
	[dreg:$0x0] =	wrdreg $0x0  }
0x20: {  	s5 =	sshll.u32 s28, $0x1;
	[dreg:$0x2] =	wrdreg s3  }
0x21: {  	[dreg:$0x3] =	wrdreg s5  }
0x22: {  	[dreg:$0x4] =	wrdreg $0xC0  }
0x23: {  	_ =	task [dreg:s7], $0x5FFFF  }
0x24: {  	[dreg:$0x1] =	wrdreg $0xFFFFFFFF  }
0x25: {  	[dreg:$0x0] =	wrdreg $0x60  }
0x26: {  	[dreg:$0x2] =	wrdreg s25  }
0x27: {  	[dreg:$0x3] =	wrdreg s2  }
0x28: {  	[dreg:$0x4] =	wrdreg $0x9  }
0x29: {  	_ =	task.clear_ibuf [dreg:s7], $0x5FFFF;
	_ =	strace $0x9000004C  }
0x2a: {  	s29 =	simm.s32 $0x9;
	_ =	strace $0x8000004E  }
0x2b: {  	_ =	swait.ge [sflag:s29], $0x1  }
0x2c: {  	[sflag:s29] =	ssyncadd.s32 $0xFFFFFFFF  }
0x2d: {  	_ =	strace $0x9000004E  }
0x2e: {  	_ =	sfence  }
0x2f: {  	s30 =	sld [smem:$0x0];
	_ =	sdelay $0x2  }
0x30: {  	s31 =	sshll.u32 s1, $0xD;
	s1 =	sshrl.u32 s1, $0x2  }
0x31: {  	s3 =	sand.u32 $0x4000, s31;
	s1 =	sadd.s32 s1, s30  }
0x32: {  	s0 =	sor.u32 s3, s0;
	s1 =	sshll.u32 s1, $0x11  }
0x33: {  	s0 =	sor.u32 s1, s0  }
0x34: {  	s0 =	sadd.s32 $0x8F2B, s0  }
0x35: {  	[sflag:s0] =	ssyncadd.remote.s32 $0x1  }
0x36: {  	_ =	sfence.sel $0xFFFF  }
0x37: {  	[dreg:$0x0] =	wrdreg $0xFFFFFFFF;
	(pc) =	sbr.abs _section_cstart, $3  }
0x38: {  	[dreg:$0x1] =	wrdreg $0xFFFFFFFF  }
0x39: {  	_ =	task.clear_ibuf [dreg:s7], $0x2FFFF;
	_ =	strace $0x9FFFFFFF  }
0x3a: {  	(tm) =	ssettm $0x7FFFFFFF  }
0x3b: {  	_ =	shalt  }
tec
execute0_lowered:
.L_overlay_start_1:
0x0: {  	(tag) =	ssettag $0x1  }
0x1: {  	s8 =	rddreg [dreg:$0x0]  }
0x2: {  	s2 =	rddreg [dreg:$0x1];
	s1 =	stileid.u32  }
0x3: {  	s4 =	srdreg.scid;
	s0 =	rddreg [dreg:$0x2];
	_ =	strace $0x8000004D  }
0x4: {  	s9 =	simm.s32 $0x1;
	s31 =	simm.s32 $0x2;
	s16 =	simm.s32 $0x0  }
0x5: {  	s17 =	simm.s32 $0x0;
	s11 =	simm.s32 $0x0;
	s12 =	simm.s32 $0x0  }
0x6: {  	s15 =	simm.s32 $0x0;
	s3 =	sshll.u32 s1, $0x1;
	s4 =	sshll.u32 s4, $0x7  }
0x7: {  	s4 =	sand.u32 $0x80, s4;
	s5 =	ssub.s32 $0x20, s3;
	s14 =	smov.u32 s3  }
0x8: {  	s6 =	sshrl.u32 s5, $0x5;
	s5 =	sand.u32 $0x1E, s5;
	s7 =	ssub.s32 $0x4000, s4  }
0x9: {  	p0 =	sne.s32 s5, $0x0;
	s30 =	sshrl.u32 s7, $0x7;
	s7 =	sshrl.u32 s7, $0x8  }
.Ltmp0:
0xa: {  	s9 =	simm.s32 @!p0 $0x0;
	s10 =	sand.u32 $0x1, s30;
	(pc) =	sbr.rel .LBB1_1-.Ltmp0, $4  }
0xb: {  	s5 =	simm.s32 $0x1;
	s6 =	sadd.s32 s9, s6;
	s7 =	sadd.s32 s7, s10  }
0xc: {  	s13 =	smov.u32 s4;
	[sflag:s5] =	ssyncpa.u1 $0x0;
	s6 =	smul.u32 s6, s7  }
0xd: {  	p0 =	por $0x0, $0x0;
	[sflag:s31] =	ssyncpa.u1 $0x0;
	s10 =	simm.s32 $0x80000  }
0xe: {  	s7 =	sadd.s32 $0xC00, s8;
	s8 =	sadd.s32 $0x40C00, s8;
	s9 =	sadd.s32 $0x1, s6  }
.LBB1_7:
0xf: {  	p1 =	slt.u32 s15, $0x2  }
0x10: {  	s19 =	smov.u32 s17;
	p2 =	sgt.s32 @!p1 s17, $0x1E;
	s18 =	sshra.s32 @!p1 s17, $0x1F  }
0x11: {  	p3 =	sgt.s32 @!p1 s16, $0x3F80;
	s20 =	sshra.s32 @!p1 s16, $0x1F;
	p2 =	por !p2, p1  }
0x12: {  	s17 =	sand.u32 @!p1 s18, s17;
	p3 =	por !p3, p1;
	s18 =	smov.u32 s16  }
0x13: {  	s16 =	sand.u32 @!p1 s20, s16;
	s19 =	simm.s32 @p2 $0x1E;
	s18 =	simm.s32 @p3 $0x3F80  }
0x14: {  	s20 =	smov.u32 s14;
	s17 =	ssub.s32 @!p1 s19, s17;
	s16 =	ssub.s32 @!p1 s18, s16  }
0x15: {  	s18 =	sadd.s32 @!p1 $0xFFFFFFE2, s17;
	s17 =	ssub.s32 @!p1 $0x20, s17;
	s19 =	sadd.s32 @!p1 $0xFFFFC080, s16  }
0x16: {  	p2 =	sgt.s32 @!p1 s18, $0x1;
	s17 =	smul.u32 @!p1 $0x32, s17;
	p3 =	sgt.s32 @!p1 s19, $0x7F  }
0x17: {  	s16 =	ssub.s32 @!p1 $0x4000, s16;
	p2 =	por !p2, p1;
	p3 =	por !p3, p1  }
0x18: {  	s18 =	sadd.s32 $0x100, s13;
	s17 =	simm.s32 @!p2 $0x0;
	s16 =	simm.s32 @!p3 $0x0  }
0x19: {  	p2 =	sgt.s32 s18, $0x3FFF;
	s16 =	smul.u32 @!p1 s16, s17;
	s17 =	sadd.s32 $0x20, s14  }
0x1a: {  	s20 =	smov.u32 @p2 s17  }
0x1b: {  	s18 =	smov.u32 @p2 s4;
	p2 =	sgt.s32 s20, $0x1F  }
0x1c: {  	s20 =	smov.u32 @p2 s3;
	p2 =	sne.s32 s15, s9  }
.Ltmp1:
0x1d: {  	p0 =	por !p0, !p0;
	s19 =	simm.s32 @!p1 $0x2;
	(pc) =	sbr.rel @!p2 .LBB1_8-.Ltmp1, $4  }
0x1e: {  	s17 =	smov.u32 s12;
	s12 =	smov.u32 s14;
	s16 =	sand.u32 @!p1 $0x3FFFFFFE, s16  }
0x1f: {  	_ =	swait.ge @!p1 [sflag:s19], s16;
	s21 =	ssub.s32 @!p1 $0x0, s16;
	s16 =	smov.u32 s11  }
0x20: {  	s15 =	sadd.s32 $0x1, s15;
	s11 =	smov.u32 s13;
	[sflag:s19] =	ssyncset.done @!p1 $0x0  }
0x21: {  	s13 =	smov.u32 s18;
	s14 =	smov.u32 s20;
	[sflag:s19] =	ssyncadd.s32 @!p1 s21  }
.LBB1_1:
0x22: {  	p1 =	sge.u32 s15, s6  }
0x23: {  	s18 =	sxor.u32 @!p1 $0xFFFFFFFF, s15;
	s19 =	sshll.u32 @!p1 s14, $0x12  }
0x24: {  	s20 =	sshll.u32 @!p1 s13, $0x4;
	s22 =	simm.s32 @!p1 $0x40;
	s23 =	simm.s32 @!p1 $0x80  }
0x25: {  	s18 =	sshll.u32 @!p1 s18, $0xE;
	s20 =	sand.u32 @!p1 $0x3FFF0, s20;
	s21 =	sadd.s32 @!p1 s7, s19  }
0x26: {  	s19 =	sadd.s32 @!p1 s19, s8;
	s18 =	sand.u32 @!p1 $0x4000, s18;
	s21 =	sadd.s32 @!p1 s20, s21  }
0x27: {  	[tilespmem:s18], [sflag:$0x1] =	stream.strided.gather @!p1 [hbm4b:s21+s22], $0x2000, s23, s22, $0x38;
	[tilespmem:$0x10100] =	vst v63  }
0x28: {  	s31 =	sadd.s32 $0xFFFFFFFF, s15;
	s19 =	sadd.s32 @!p1 s20, s19;
	s18 =	sor.u32 @!p1 $0x2000, s18  }
0x29: {  	[tilespmem:s18], [sflag:$0x1] =	stream.strided.gather @!p1 [hbm4b:s19+s22], $0x2000, s23, s22, $0x38;
	[tilespmem:$0x10100] =	vst v63  }
0x2a: {  	p1 =	sge.u32 s31, s6  }
.Ltmp2:
0x2b: {  	_ = 	snop;
	(pc) =	sbr.rel @p1 .LBB1_7-.Ltmp2, $1  }
0x2c: {  	_ =	sdelay $0x3  }
0x2d: {  	s18 =	simm.s32 $0x1;
	s20 =	sand.u32 $0x1, s15  }
0x2e: {  	_ =	swait.ge [sflag:s5], $0x4000;
	s18 =	simm.s32 @!p0 $0x0;
	s20 =	smul.u32 $0x10200, s20  }
0x2f: {  	p2 =	por $0x1, $0x1;
	[sflag:s5] =	ssyncset.done $0x0;
	s19 =	smul.u32 $0x10200, s18  }
0x30: {  	s21 =	sshll.u32 s18, $0x10;
	[sflag:s5] =	ssyncadd.s32 $0xFFFFC000;
	s30 =	sshrl.u32 s20, $0x2  }
0x31: {  	s31 =	sshrl.u32 s21, $0x2;
	s21 =	simm.s32 $0x0;
	s19 =	sshrl.u32 s19, $0x2  }
0x32: {  	s18 =	sor.u32 $0x8000, s30;
	s20 =	sadd.s32 $0x20, s31;
	s19 =	sor.u32 $0x8000, s19  }
.LBB1_3:
0x33: {  	s22 =	sshll.u32 s21, $0xD  }
0x34: {  	s22 =	sand.u32 $0x3FFFE000, s22  }
0x35: {  	s24 =	sadd.s32 s22, s20  }
0x36: {  	s31 =	smul.u32 $0x204, s21;
	v3 =	vld [tilespmem:s24+$0x10]  }
0x37: {  	v1 =	vld [tilespmem:s24+$0xFFFFFFF0]  }
0x38: {  	s21 =	sshra.s32 s31, $0x2;
	v0 =	vld [tilespmem:s24+$0x0]  }
0x39: {  	s21 =	sadd.s32 s21, s19;
	v2 =	vld [tilespmem:s24+$0xFFFFFFE0]  }
0x3a: {  	s22 =	sadd.s32 $0x0, s21  }
0x3b: {  	p1 =	por p2, p2;
	s23 =	simm.s32 $0x4;
	s24 =	sadd.s32 $0x40, s24;
	[tilespmem:s22+$0x3060 ss:$0x102] =	vst.msk $0xffff, v3  }
.LBB1_4:
0x3c: {  	v3 =	vld [tilespmem:s24+$0x10];
	p2 =	sne.s32 s23, $0x1FC;
	[tilespmem:s22+$0x1020 ss:$0x102] =	vst.msk $0xffff, v1;
	s25 =	smov.u32 s23;
	s23 =	sadd.s32 $0x4, s23  }
.Ltmp3:
0x3d: {  	v1 =	vld [tilespmem:s24+$0xFFFFFFF0];
	[tilespmem:s22+$0x2040 ss:$0x102] =	vst.msk $0xffff, v0;
	(pc) =	sbr.rel @p2 .LBB1_4-.Ltmp3, $4  }
0x3e: {  	v0 =	vld [tilespmem:s24+$0x0];
	[tilespmem:s22+$0x0 ss:$0x102] =	vst.msk $0xffff, v2  }
0x3f: {  	s22 =	sshra.s32 s25, $0x2;
	v2 =	vld [tilespmem:s24+$0xFFFFFFE0]  }
0x40: {  	s22 =	sadd.s32 s22, s21  }
0x41: {  	s24 =	sadd.s32 $0x40, s24;
	[tilespmem:s22+$0x3060 ss:$0x102] =	vst.msk $0xffff, v3  }
.Ltmp4:
0x42: {  	(pc) =	sbr.rel @p1 .LBB1_3-.Ltmp4, $4  }
0x43: {  	_ = 	snop  }
0x44: {  	[tilespmem:s22+$0x1020 ss:$0x102] =	vst.msk $0xffff, v1  }
0x45: {  	[tilespmem:s22+$0x2040 ss:$0x102] =	vst.msk $0xffff, v0  }
0x46: {  	s21 =	simm.s32 $0x1;
	p2 =	por $0x0, $0x0;
	[tilespmem:s22+$0x0 ss:$0x102] =	vst.msk $0xffff, v2  }
0x47: {  	s19 =	sand.u32 $0x78, s11;
	p1 =	sgt.s32 s12, $0x1E;
	s20 =	smov.u32 s12  }
0x48: {  	s21 =	sshra.s32 s12, $0x1F;
	s22 =	sshll.u32 s12, $0xE;
	s23 =	sshll.u32 s11, $0x3  }
0x49: {  	s30 =	sshra.s32 s11, $0x1F;
	s25 =	sshll.u32 s12, $0x7;
	s20 =	simm.s32 @!p1 $0x1E  }
0x4a: {  	s21 =	sand.u32 s21, s12;
	s22 =	sand.u32 $0x60000, s22;
	p1 =	sgt.s32 s11, $0x3F80  }
0x4b: {  	s25 =	sand.u32 $0x380, s25;
	s20 =	ssub.s32 s20, s21;
	s21 =	smov.u32 s11  }
0x4c: {  	s22 =	sadd.s32 s22, s23;
	s24 =	sadd.s32 $0xFFFFFFE2, s20;
	s21 =	simm.s32 @!p1 $0x3F80  }
0x4d: {  	s20 =	ssub.s32 $0x20, s20;
	p1 =	sgt.s32 s24, $0x1;
	s24 =	sand.u32 s30, s11  }
0x4e: {  	s23 =	sand.u32 $0x3C00, s23;
	s20 =	smul.u32 $0x32, s20;
	s21 =	ssub.s32 s21, s24  }
0x4f: {  	s19 =	sor.u32 s25, s19;
	s22 =	sand.u32 $0x7C000, s22;
	s24 =	sadd.s32 $0xFFFFC080, s21  }
0x50: {  	s20 =	simm.s32 @p1 $0x0;
	s21 =	ssub.s32 $0x4000, s21;
	p1 =	sgt.s32 s24, $0x7F  }
.Ltmp5:
0x51: {  	s19 =	sor.u32 s23, s19;
	s21 =	simm.s32 @p1 $0x0;
	(pc) =	sbr.rel .LBB1_7-.Ltmp5, $4  }
0x52: {  	s31 =	sand.u32 $0x7, s11;
	s19 =	sor.u32 s22, s19;
	s20 =	smul.u32 s21, s20  }
0x53: {  	s19 =	sshrl.u32 s19, $0x3;
	s21 =	sshll.u32 s31, $0x12  }
0x54: {  	s19 =	sadd.s32 s2, s19;
	s21 =	sor.u32 $0x100, s21;
	s20 =	sand.u32 $0x3FFFFFFE, s20  }
0x55: {  	[hbm4b:s19+s21] =	stream.strided.scatter [tilespmem:s18], [sflag:$0x2], s20, s10, s21, $0x20;
	[tilespmem:$0x10100] =	vst v63  }
.LBB1_8:
0x56: {  	_ =	sfence.sel $0x180000  }
0x57: {  	s2 =	simm.s32 $0x1;
	[bflag:$0x0] =	sbarrier.arrive $0xFFFF  }
0x58: {  	s31 =	simm.s32 $0x2;
	[sflag:s2] =	ssyncpa.u1 $0x1  }
0x59: {  	[sflag:s31] =	ssyncpa.u1 $0x1  }
0x5a: {  	p0 =	sne.s32 s1, $0x0;
	_ =	strace $0x9000004D  }
0x5b: {  	s0 =	sadd.s32 @!p0 $0x100000, s0;
	[bflag:$0x2] =	sbarrier.arrive $0xFFFF  }
0x5c: {  	[sflag:s0] =	ssyncadd.tile.s32 @!p0 $0x1;
	_ =	shalt  }
.Lfunc_end1:
_tile_overlayer_lowered:
.L_overlay_start_2:
0x5d: {  	(tag) =	ssettag $0x2  }
0x5e: {  	s0 =	rddreg [dreg:$0x0];
	s2 =	stileid.u32  }
0x5f: {  	s1 =	rddreg [dreg:$0x1];
	p0 =	sne.s32 s2, $0x0  }
0x60: {  	s3 =	rddreg [dreg:$0x2];
	[bflag:$0x3] =	sbarrier.arrive $0xFFFF;
	s2 =	simm.s32 @!p0 $0x1C01  }
0x61: {  	[timem:s3], [sflag:s2] =	dma.local @!p0 [hbm:s0], s1  }
0x62: {  	s0 =	simm.s32 @!p0 $0x1  }
0x63: {  	_ =	swait.ge @!p0 [sflag:s0], s1  }
0x64: {  	s1 =	ssub.s32 @!p0 $0x0, s1;
	[sflag:s0] =	ssyncset.done @!p0 $0x0  }
0x65: {  	[sflag:s0] =	ssyncadd.s32 @!p0 s1  }
0x66: {  	[bflag:$0x3] =	sbarrier.arrive $0xFFFF  }
0x67: {  	_ =	shalt  }

</sc_bundles>
